<compile_context>
chip_gen: v7x
topology: tpu7x:2x2x1
jax: 0.10.2.dev20260603
libtpu: 0.0.44.dev20260713+nightly
codegen_flags: <defaults>
</compile_context>

<pallas_src>
import functools

import jax
import jax.numpy as jnp
from jax import lax
from jax.experimental import pallas as pl
from jax.experimental.pallas import tpu as pltpu
from jax.experimental.pallas import tpu_sc as plsc

_N = 10000
_B = 16
_NC = 2
_NS = 16
_K = 128
_G = 40
_CHW = 80
_CH = _CHW * _NC * _NS
_EP = _CH * _K
_NACC = 10240
_RT = _NACC // _NS
_ZR = 64
_TN = 2000
_NB = _N // _TN
_SPLIT0 = 1280


def _sc_mesh():
    return plsc.VectorSubcoreMesh(
        core_axis_name="c", subcore_axis_name="s",
        num_cores=_NC, num_subcores=_NS)


def _sc_degree(dst2):

    @functools.partial(
        pl.kernel,
        out_type=[jax.ShapeDtypeStruct((_NACC, 16), jnp.float32),
                  jax.ShapeDtypeStruct((_NACC, 16), jnp.float32)],
        mesh=_sc_mesh(),
        scratch_types=[
            pltpu.VMEM((_G, _K), jnp.int32),
            pltpu.VMEM((_K, 16), jnp.float32),
            pltpu.VMEM((_ZR, 16), jnp.float32),
            pltpu.VMEM_SHARED((_NACC, 16), jnp.float32),
        ],
    )
    def deg_k(dst_hbm, out0_hbm, out1_hbm, dst_g, ones_v, zb, acc):
        c = lax.axis_index("c")
        s = lax.axis_index("s")
        w = s * _NC + c

        def fillz(r, carry):
            zb[r, pl.ds(0, 16)] = jnp.zeros((16,), jnp.float32)
            return carry
        lax.fori_loop(0, _ZR, fillz, 0)

        def fillo(r, carry):
            ones_v[r, pl.ds(0, 16)] = jnp.ones((16,), jnp.float32)
            return carry
        lax.fori_loop(0, _K, fillo, 0)

        def zcopy(q, carry):
            pltpu.sync_copy(zb, acc.at[pl.ds(s * _RT + q * _ZR, _ZR)])
            return carry
        lax.fori_loop(0, _RT // _ZR, zcopy, 0)
        plsc.subcore_barrier()

        def group(g, carry):
            pltpu.sync_copy(dst_hbm.at[pl.ds(w * _CHW + g * _G, _G)], dst_g)

            def body(j, carry2):
                pltpu.sync_copy(ones_v, acc.at[dst_g.at[j]], add=True)
                return carry2
            lax.fori_loop(0, _G, body, 0)
            return carry
        lax.fori_loop(0, _CHW // _G, group, 0)

        plsc.subcore_barrier()

        @pl.when(c == 0)
        def _():
            pltpu.sync_copy(acc.at[pl.ds(s * _RT, _RT)],
                            out0_hbm.at[pl.ds(s * _RT, _RT)])

        @pl.when(c == 1)
        def _():
            pltpu.sync_copy(acc.at[pl.ds(s * _RT, _RT)],
                            out1_hbm.at[pl.ds(s * _RT, _RT)])

    return deg_k(dst2)


def _sc_scatter(y2, src_t, dst_t, cps0, cps1):
    cht0 = cps0 // _NS
    cht1 = cps1 // _NS

    @functools.partial(
        pl.kernel,
        out_type=[jax.ShapeDtypeStruct((_NACC, 128), jnp.float32),
                  jax.ShapeDtypeStruct((_NACC, 128), jnp.float32)],
        mesh=_sc_mesh(),
        scratch_types=[
            pltpu.VMEM((_G, _K), jnp.int32),
            pltpu.VMEM((_G, _K), jnp.int32),
            pltpu.VMEM((_K, 128), jnp.float32),
            pltpu.VMEM((_ZR, 128), jnp.float32),
            pltpu.SemaphoreType.DMA,
            pltpu.VMEM_SHARED((_NACC, 128), jnp.float32),
        ],
    )
    def scat_k(y_hbm, src_hbm, dst_hbm, out0_hbm, out1_hbm,
               src_g, dst_g, rows, zb, sem, acc):
        c = lax.axis_index("c")
        s = lax.axis_index("s")

        def fillz(r, carry):
            for q in range(8):
                zb[r, pl.ds(q * 16, 16)] = jnp.zeros((16,), jnp.float32)
            return carry
        lax.fori_loop(0, _ZR, fillz, 0)

        def zcopy(q, carry):
            pltpu.sync_copy(zb, acc.at[pl.ds(s * _RT + q * _ZR, _ZR)])
            return carry
        lax.fori_loop(0, _RT // _ZR, zcopy, 0)
        plsc.subcore_barrier()

        tile_base = jnp.where(c == 0, s * cht0, cps0 + s * cht1)
        groups = jnp.where(c == 0, cht0 // _G, cht1 // _G)

        def group(g, carry):
            base = tile_base + g * _G
            pltpu.sync_copy(src_hbm.at[pl.ds(base, _G)], src_g)
            pltpu.sync_copy(dst_hbm.at[pl.ds(base, _G)], dst_g)

            def body(j, carry2):
                pltpu.async_copy(y_hbm.at[src_g.at[j]], rows, sem).wait()
                pltpu.sync_copy(rows, acc.at[dst_g.at[j]], add=True)
                return carry2
            lax.fori_loop(0, _G, body, 0)
            return carry
        lax.fori_loop(0, groups, group, 0)

        plsc.subcore_barrier()

        @pl.when(c == 0)
        def _():
            pltpu.sync_copy(acc.at[pl.ds(s * _RT, _RT)],
                            out0_hbm.at[pl.ds(s * _RT, _RT)])

        @pl.when(c == 1)
        def _():
            pltpu.sync_copy(acc.at[pl.ds(s * _RT, _RT)],
                            out1_hbm.at[pl.ds(s * _RT, _RT)])

    return scat_k(y2, src_t, dst_t)


def _layer0_body(d0, d1, x, w, y_out, dis_out):
    deg = d0[:, 0:1] + d1[:, 0:1] + 1.0
    dis = lax.rsqrt(deg)
    y = jnp.dot(x[...], w[...], preferred_element_type=jnp.float32) * dis
    y_out[...] = jnp.concatenate(
        [y, jnp.zeros((_TN, 64), jnp.float32)], axis=1)
    dis_out[...] = dis


def _tc_layer0(deg0, deg1, x, w1):
    return pl.pallas_call(
        _layer0_body,
        grid=(_NB,),
        in_specs=[
            pl.BlockSpec((_TN, 16), lambda i: (i, 0)),
            pl.BlockSpec((_TN, 16), lambda i: (i, 0)),
            pl.BlockSpec((_TN, 128), lambda i: (i, 0)),
            pl.BlockSpec((128, 64), lambda i: (0, 0)),
        ],
        out_specs=[
            pl.BlockSpec((_TN, 128), lambda i: (i, 0)),
            pl.BlockSpec((_TN, 1), lambda i: (i, 0)),
        ],
        out_shape=[
            jax.ShapeDtypeStruct((_N, 128), jnp.float32),
            jax.ShapeDtypeStruct((_N, 1), jnp.float32),
        ],
    )(deg0, deg1, x, w1)


def _mid1_body(a0, a1, y, dis, b, w, out):
    pre = (a0[...] + a1[...] + y[...])[:, 0:64]
    dis_v = dis[...]
    h = jnp.maximum(pre * dis_v + b[...], 0.0)
    out[...] = jnp.dot(h, w[...], preferred_element_type=jnp.float32) * dis_v


def _tc_mid1(agg0, agg1, y1p, dis, b1, w2):
    return pl.pallas_call(
        _mid1_body,
        grid=(_NB,),
        in_specs=[
            pl.BlockSpec((_TN, 128), lambda i: (i, 0)),
            pl.BlockSpec((_TN, 128), lambda i: (i, 0)),
            pl.BlockSpec((_TN, 128), lambda i: (i, 0)),
            pl.BlockSpec((_TN, 1), lambda i: (i, 0)),
            pl.BlockSpec((1, 64), lambda i: (0, 0)),
            pl.BlockSpec((64, 128), lambda i: (0, 0)),
        ],
        out_specs=pl.BlockSpec((_TN, 128), lambda i: (i, 0)),
        out_shape=jax.ShapeDtypeStruct((_N, 128), jnp.float32),
    )(agg0, agg1, y1p, dis, b1, w2)


def _mid2_body(a0, a1, y, dis, b, w, outa, outb):
    dis_v = dis[...]
    h = jnp.maximum((a0[...] + a1[...] + y[...]) * dis_v + b[...], 0.0)
    wv = w[...]
    outa[...] = jnp.dot(h, wv[:, 0:128],
                        preferred_element_type=jnp.float32) * dis_v
    outb[...] = jnp.dot(h, wv[:, 128:256],
                        preferred_element_type=jnp.float32) * dis_v


def _tc_mid2(agg0, agg1, y2p, dis, b2, w3):
    return pl.pallas_call(
        _mid2_body,
        grid=(_NB,),
        in_specs=[
            pl.BlockSpec((_TN, 128), lambda i: (i, 0)),
            pl.BlockSpec((_TN, 128), lambda i: (i, 0)),
            pl.BlockSpec((_TN, 128), lambda i: (i, 0)),
            pl.BlockSpec((_TN, 1), lambda i: (i, 0)),
            pl.BlockSpec((1, 128), lambda i: (0, 0)),
            pl.BlockSpec((128, 256), lambda i: (0, 0)),
        ],
        out_specs=[
            pl.BlockSpec((_TN, 128), lambda i: (i, 0)),
            pl.BlockSpec((_TN, 128), lambda i: (i, 0)),
        ],
        out_shape=[
            jax.ShapeDtypeStruct((_N, 128), jnp.float32),
            jax.ShapeDtypeStruct((_N, 128), jnp.float32),
        ],
    )(agg0, agg1, y2p, dis, b2, w3)


def _pool_body(a0, a1, y0, y1, dis, b, batch, psum, pcnt):
    i = pl.program_id(0)
    pre = jnp.concatenate([a0[...] + y0[...], a1[...] + y1[...]], axis=1)
    h = jnp.maximum(pre * dis[...] + b[...], 0.0)
    oh = (batch[...] == lax.broadcasted_iota(jnp.int32, (_TN, _B), 1))
    oh = oh.astype(jnp.float32)

    @pl.when(i == 0)
    def _():
        psum[...] = jnp.zeros_like(psum)
        pcnt[...] = jnp.zeros_like(pcnt)

    dn = (((0,), (0,)), ((), ()))
    psum[...] += lax.dot_general(oh, h, dn,
                                 preferred_element_type=jnp.float32)
    pcnt[...] += lax.dot_general(oh, jnp.ones((_TN, 128), jnp.float32), dn,
                                 preferred_element_type=jnp.float32)


def _tc_pool(agg0, agg1, y3a, y3b, dis, b, batch2):
    return pl.pallas_call(
        _pool_body,
        grid=(_NB,),
        in_specs=[
            pl.BlockSpec((_TN, 128), lambda i: (i, 0)),
            pl.BlockSpec((_TN, 128), lambda i: (i, 0)),
            pl.BlockSpec((_TN, 128), lambda i: (i, 0)),
            pl.BlockSpec((_TN, 128), lambda i: (i, 0)),
            pl.BlockSpec((_TN, 1), lambda i: (i, 0)),
            pl.BlockSpec((1, 256), lambda i: (0, 0)),
            pl.BlockSpec((_TN, 1), lambda i: (i, 0)),
        ],
        out_specs=[
            pl.BlockSpec((_B, 256), lambda i: (0, 0)),
            pl.BlockSpec((_B, 128), lambda i: (0, 0)),
        ],
        out_shape=[
            jax.ShapeDtypeStruct((_B, 256), jnp.float32),
            jax.ShapeDtypeStruct((_B, 128), jnp.float32),
        ],
    )(agg0, agg1, y3a, y3b, dis, b, batch2)


def _sig(x):
    return 0.5 * (jnp.tanh(0.5 * x) + 1.0)


def _head_body(psum, pcnt, wf, bif, bhf, wr, bir, bhr, wfc, bfc, out):
    cnt = jnp.maximum(pcnt[:, 0:1], 1.0)
    pooled = psum[...] / cnt

    def cell(wt, bi, bh):
        g = jnp.dot(pooled, wt[...],
                    preferred_element_type=jnp.float32) + bi[...] + bh[...]
        ii = _sig(g[:, 0:128])
        gg = jnp.tanh(g[:, 256:384])
        oo = _sig(g[:, 384:512])
        return oo * jnp.tanh(ii * gg)

    hf = cell(wf, bif, bhf)
    hr = cell(wr, bir, bhr)
    last = jnp.concatenate([hf, hr], axis=1)
    logits = jnp.dot(last, wfc[...],
                     preferred_element_type=jnp.float32) + bfc[...]
    m = jnp.max(logits, axis=1, keepdims=True)
    z = logits - m
    out[...] = z - jnp.log(jnp.sum(jnp.exp(z), axis=1, keepdims=True))


def _tc_head(psum, pcnt, wf, bif, bhf, wr, bir, bhr, wfc, bfc):
    return pl.pallas_call(
        _head_body,
        out_shape=jax.ShapeDtypeStruct((_B, 500), jnp.float32),
    )(psum, pcnt, wf, bif, bhf, wr, bir, bhr, wfc, bfc)


def kernel(x, edge_index, batch, W1, b1, W2, b2, W3, b3,
           Wih_f, Whh_f, bih_f, bhh_f, Wih_r, Whh_r, bih_r, bhh_r,
           Wfc, bfc):
    src = edge_index[0].astype(jnp.int32)
    dst = edge_index[1].astype(jnp.int32)
    pad = _EP - src.shape[0]
    pad_i = jnp.arange(pad, dtype=jnp.int32)
    srcp = jnp.concatenate([src, pad_i % _N])
    dstp = jnp.concatenate([dst, _N + pad_i % (_NACC - _N)])
    src_e = srcp.reshape(_CH, _K)
    dst_e = dstp.reshape(_CH, _K)
    src_f = jnp.concatenate([srcp, srcp + _N]).reshape(2 * _CH, _K)
    dst_f = jnp.concatenate([dst_e, dst_e])
    batch2 = batch.astype(jnp.int32).reshape(_N, 1)

    deg0, deg1 = _sc_degree(dst_e)
    y1p, dis = _tc_layer0(deg0, deg1, x, W1)
    agg1a, agg1b = _sc_scatter(y1p, src_e, dst_e, _SPLIT0, _CH - _SPLIT0)
    y2p = _tc_mid1(agg1a, agg1b, y1p, dis, b1.reshape(1, -1), W2)
    agg2a, agg2b = _sc_scatter(y2p, src_e, dst_e, _SPLIT0, _CH - _SPLIT0)
    y3a, y3b = _tc_mid2(agg2a, agg2b, y2p, dis, b2.reshape(1, -1), W3)
    y3 = jnp.concatenate([y3a, y3b], axis=0)
    agg3a, agg3b = _sc_scatter(y3, src_f, dst_f, _CH, _CH)
    psum, pcnt = _tc_pool(agg3a, agg3b, y3a, y3b, dis, b3.reshape(1, -1),
                          batch2)
    return _tc_head(psum, pcnt,
                    Wih_f.T, bih_f.reshape(1, -1), bhh_f.reshape(1, -1),
                    Wih_r.T, bih_r.reshape(1, -1), bhh_r.reshape(1, -1),
                    Wfc.T, bfc.reshape(1, -1))

# --- scband reference (transcript-rebuilt; emitter-appended) ---
"""Pipeline reference for scband-lip-reading-gnn-10522669875754 (READ-ONLY COPY).

The authoritative reference and input builder live on the scoring server;
editing this copy changes nothing except your own understanding.
"""

import jax, jax.numpy as jnp
import numpy as np

N = 10000
E = 320000
D_IN = 128
NUM_CLASSES = 500
B = 16
H_LSTM = 128

def setup_inputs(seed: int = 0):
    key = jax.random.key(seed)
    ks = jax.random.split(key, 24)
    x = jax.random.normal(ks[0], (N, D_IN), dtype=jnp.float32)
    edge_index = jax.random.randint(ks[1], (2, E), 0, N)
    batch = jnp.sort(jax.random.randint(ks[2], (N,), 0, B))
    def lin(k, fi, fo):
        return 0.1 * jax.random.normal(k, (fi, fo), dtype=jnp.float32)
    inp = {
        'x': x, 'edge_index': edge_index, 'batch': batch,
        'W1': lin(ks[3], D_IN, 64), 'b1': jnp.zeros((64,), jnp.float32),
        'W2': lin(ks[4], 64, 128), 'b2': jnp.zeros((128,), jnp.float32),
        'W3': lin(ks[5], 128, 256), 'b3': jnp.zeros((256,), jnp.float32),
        'Wih_f': 0.1 * jax.random.normal(ks[6], (4 * H_LSTM, 256), jnp.float32),
        'Whh_f': 0.1 * jax.random.normal(ks[7], (4 * H_LSTM, H_LSTM), jnp.float32),
        'bih_f': jnp.zeros((4 * H_LSTM,), jnp.float32),
        'bhh_f': jnp.zeros((4 * H_LSTM,), jnp.float32),
        'Wih_r': 0.1 * jax.random.normal(ks[8], (4 * H_LSTM, 256), jnp.float32),
        'Whh_r': 0.1 * jax.random.normal(ks[9], (4 * H_LSTM, H_LSTM), jnp.float32),
        'bih_r': jnp.zeros((4 * H_LSTM,), jnp.float32),
        'bhh_r': jnp.zeros((4 * H_LSTM,), jnp.float32),
        'Wfc': 0.1 * jax.random.normal(ks[10], (NUM_CLASSES, 256), jnp.float32),
        'bfc': jnp.zeros((NUM_CLASSES,), jnp.float32),
    }
    return inp

def gcn_conv(x, edge_index, W, b):
    num_nodes = x.shape[0]
    loop = jnp.arange(num_nodes)
    src = jnp.concatenate([edge_index[0], loop])
    dst = jnp.concatenate([edge_index[1], loop])
    deg = jnp.zeros((num_nodes,), x.dtype).at[dst].add(1.0)
    dis = jnp.where(deg > 0, 1.0 / jnp.sqrt(deg), 0.0)
    norm = dis[src] * dis[dst]
    xw = x @ W
    msg = xw[src] * norm[:, None]
    out = jnp.zeros((num_nodes, W.shape[1]), x.dtype).at[dst].add(msg)
    return out + b

def lstm_scan(xs, Wih, Whh, bih, bhh):
    Bsz = xs.shape[1]
    H = Whh.shape[1]
    def step(carry, xt):
        h, c = carry
        g = xt @ Wih.T + h @ Whh.T + bih + bhh
        i, f, gg, o = jnp.split(g, 4, axis=-1)
        i = jax.nn.sigmoid(i); f = jax.nn.sigmoid(f)
        gg = jnp.tanh(gg); o = jax.nn.sigmoid(o)
        c = f * c + i * gg
        h = o * jnp.tanh(c)
        return (h, c), h
    init = (jnp.zeros((Bsz, H), xs.dtype), jnp.zeros((Bsz, H), xs.dtype))
    _, hs = jax.lax.scan(step, init, xs)
    return hs

def reference(x, edge_index, batch, W1, b1, W2, b2, W3, b3, Wih_f, Whh_f, bih_f, bhh_f, Wih_r, Whh_r, bih_r, bhh_r, Wfc, bfc):
    h = jax.nn.relu(gcn_conv(x, edge_index, W1, b1))
    h = jax.nn.relu(gcn_conv(h, edge_index, W2, b2))
    h = jax.nn.relu(gcn_conv(h, edge_index, W3, b3))
    sums = jax.ops.segment_sum(h, batch, num_segments=B)
    cnts = jax.ops.segment_sum(jnp.ones((h.shape[0], 1), h.dtype), batch, num_segments=B)
    pooled = sums / jnp.maximum(cnts, 1.0)
    # batch_size = B unique graph ids; seq_len = pooled.shape[0] // B == 1
    seq = pooled.reshape(B, 1, 256)
    xs = jnp.transpose(seq, (1, 0, 2))
    hs_f = lstm_scan(xs, Wih_f, Whh_f, bih_f, bhh_f)
    hs_r = lstm_scan(xs[::-1], Wih_r, Whh_r, bih_r, bhh_r)[::-1]
    hs = jnp.concatenate([hs_f, hs_r], axis=-1)
    last = hs[-1]
    logits = last @ Wfc.T + bfc
    return jax.nn.log_softmax(logits, axis=1)

if __name__ == "__main__":
    import jax
    _d = setup_inputs()
    print(jax.jit(kernel)(*tuple(_d.values())))

</pallas_src>

<mosaic_0001>
#map = affine_map<(d0, d1) -> (0, 0)>
module attributes {stable_mosaic.version = 14 : i64} {
  func.func @scat_k(%arg0: i32, %arg1: i32, %arg2: memref<20000x128xf32, #tpu.memory_space<hbm>>, %arg3: memref<5120x128xi32, #tpu.memory_space<hbm>>, %arg4: memref<5120x128xi32, #tpu.memory_space<hbm>>, %arg5: memref<10240x128xf32, #tpu.memory_space<hbm>>, %arg6: memref<10240x128xf32, #tpu.memory_space<hbm>>, %arg7: memref<40x128xi32, #tpu.memory_space<vmem>>, %arg8: memref<40x128xi32, #tpu.memory_space<vmem>>, %arg9: memref<128x128xf32, #tpu.memory_space<vmem>>, %arg10: memref<64x128xf32, #tpu.memory_space<vmem>>, %arg11: memref<!tpu.dma_semaphore, #tpu.memory_space<semaphore_mem>>, %arg12: memref<10240x128xf32, #tpu.memory_space<vmem_shared>>) attributes {dimension_semantics = [#tpu.dimension_semantics<core_parallel>, #tpu.dimension_semantics<subcore_parallel>], iteration_bounds = array<i64: 2, 16>, scalar_prefetch = 0 : i64, scratch_operands = 6 : i64, tpu.core_type = #tpu.core_type<sc_vector_subcore>, window_params = [{transform_indices = #map}, {transform_indices = #map}, {transform_indices = #map}, {transform_indices = #map}, {transform_indices = #map}]} {
    %scan3A = arith.constant 0 : i32
    %scan3A_0 = arith.constant 0 : i32
    %scan3A_1 = arith.constant 64 : i32
    %scan3A_2 = arith.addi %scan3A_0, %scan3A_1 : i32
    %scan3A_3 = arith.constant 1 : i32
    scf.for %scan3A_38 = %scan3A_0 to %scan3A_2 step %scan3A_3  : i32 {
      %broadcast_in_dim3A = arith.constant 0.000000e+00 : f32
      %broadcast_in_dim3A_39 = vector.broadcast %broadcast_in_dim3A : f32 to vector<16xf32>
      %swap3A = arith.index_cast %scan3A_38 : i32 to index
      %swap3A_40 = arith.constant 0 : index
      %swap3A_41 = tpu.vector_load %arg10[%swap3A, %swap3A_40] {strides = array<i32>} : memref<64x128xf32, #tpu.memory_space<vmem>>, vector<1x16xf32>,
      %swap3A_42 = vector.shape_cast %swap3A_41 : vector<1x16xf32> to vector<16xf32>
      %swap3A_43 = vector.shape_cast %broadcast_in_dim3A_39 : vector<16xf32> to vector<1x16xf32>
      tpu.vector_store %arg10[%swap3A, %swap3A_40], %swap3A_43 {strides = array<i32>} : memref<64x128xf32, #tpu.memory_space<vmem>>, vector<1x16xf32>,
      %broadcast_in_dim3A_44 = arith.constant 0.000000e+00 : f32
      %broadcast_in_dim3A_45 = vector.broadcast %broadcast_in_dim3A_44 : f32 to vector<16xf32>
      %swap3A_46 = arith.index_cast %scan3A_38 : i32 to index
      %swap3A_47 = arith.constant 16 : index
      %swap3A_48 = tpu.vector_load %arg10[%swap3A_46, %swap3A_47] {strides = array<i32>} : memref<64x128xf32, #tpu.memory_space<vmem>>, vector<1x16xf32>,
      %swap3A_49 = vector.shape_cast %swap3A_48 : vector<1x16xf32> to vector<16xf32>
      %swap3A_50 = vector.shape_cast %broadcast_in_dim3A_45 : vector<16xf32> to vector<1x16xf32>
      tpu.vector_store %arg10[%swap3A_46, %swap3A_47], %swap3A_50 {strides = array<i32>} : memref<64x128xf32, #tpu.memory_space<vmem>>, vector<1x16xf32>,
      %broadcast_in_dim3A_51 = arith.constant 0.000000e+00 : f32
      %broadcast_in_dim3A_52 = vector.broadcast %broadcast_in_dim3A_51 : f32 to vector<16xf32>
      %swap3A_53 = arith.index_cast %scan3A_38 : i32 to index
      %swap3A_54 = arith.constant 32 : index
      %swap3A_55 = tpu.vector_load %arg10[%swap3A_53, %swap3A_54] {strides = array<i32>} : memref<64x128xf32, #tpu.memory_space<vmem>>, vector<1x16xf32>,
      %swap3A_56 = vector.shape_cast %swap3A_55 : vector<1x16xf32> to vector<16xf32>
      %swap3A_57 = vector.shape_cast %broadcast_in_dim3A_52 : vector<16xf32> to vector<1x16xf32>
      tpu.vector_store %arg10[%swap3A_53, %swap3A_54], %swap3A_57 {strides = array<i32>} : memref<64x128xf32, #tpu.memory_space<vmem>>, vector<1x16xf32>,
      %broadcast_in_dim3A_58 = arith.constant 0.000000e+00 : f32
      %broadcast_in_dim3A_59 = vector.broadcast %broadcast_in_dim3A_58 : f32 to vector<16xf32>
      %swap3A_60 = arith.index_cast %scan3A_38 : i32 to index
      %swap3A_61 = arith.constant 48 : index
      %swap3A_62 = tpu.vector_load %arg10[%swap3A_60, %swap3A_61] {strides = array<i32>} : memref<64x128xf32, #tpu.memory_space<vmem>>, vector<1x16xf32>,
      %swap3A_63 = vector.shape_cast %swap3A_62 : vector<1x16xf32> to vector<16xf32>
      %swap3A_64 = vector.shape_cast %broadcast_in_dim3A_59 : vector<16xf32> to vector<1x16xf32>
      tpu.vector_store %arg10[%swap3A_60, %swap3A_61], %swap3A_64 {strides = array<i32>} : memref<64x128xf32, #tpu.memory_space<vmem>>, vector<1x16xf32>,
      %broadcast_in_dim3A_65 = arith.constant 0.000000e+00 : f32
      %broadcast_in_dim3A_66 = vector.broadcast %broadcast_in_dim3A_65 : f32 to vector<16xf32>
      %swap3A_67 = arith.index_cast %scan3A_38 : i32 to index
      %swap3A_68 = arith.constant 64 : index
      %swap3A_69 = tpu.vector_load %arg10[%swap3A_67, %swap3A_68] {strides = array<i32>} : memref<64x128xf32, #tpu.memory_space<vmem>>, vector<1x16xf32>,
      %swap3A_70 = vector.shape_cast %swap3A_69 : vector<1x16xf32> to vector<16xf32>
      %swap3A_71 = vector.shape_cast %broadcast_in_dim3A_66 : vector<16xf32> to vector<1x16xf32>
      tpu.vector_store %arg10[%swap3A_67, %swap3A_68], %swap3A_71 {strides = array<i32>} : memref<64x128xf32, #tpu.memory_space<vmem>>, vector<1x16xf32>,
      %broadcast_in_dim3A_72 = arith.constant 0.000000e+00 : f32
      %broadcast_in_dim3A_73 = vector.broadcast %broadcast_in_dim3A_72 : f32 to vector<16xf32>
      %swap3A_74 = arith.index_cast %scan3A_38 : i32 to index
      %swap3A_75 = arith.constant 80 : index
      %swap3A_76 = tpu.vector_load %arg10[%swap3A_74, %swap3A_75] {strides = array<i32>} : memref<64x128xf32, #tpu.memory_space<vmem>>, vector<1x16xf32>,
      %swap3A_77 = vector.shape_cast %swap3A_76 : vector<1x16xf32> to vector<16xf32>
      %swap3A_78 = vector.shape_cast %broadcast_in_dim3A_73 : vector<16xf32> to vector<1x16xf32>
      tpu.vector_store %arg10[%swap3A_74, %swap3A_75], %swap3A_78 {strides = array<i32>} : memref<64x128xf32, #tpu.memory_space<vmem>>, vector<1x16xf32>,
      %broadcast_in_dim3A_79 = arith.constant 0.000000e+00 : f32
      %broadcast_in_dim3A_80 = vector.broadcast %broadcast_in_dim3A_79 : f32 to vector<16xf32>
      %swap3A_81 = arith.index_cast %scan3A_38 : i32 to index
      %swap3A_82 = arith.constant 96 : index
      %swap3A_83 = tpu.vector_load %arg10[%swap3A_81, %swap3A_82] {strides = array<i32>} : memref<64x128xf32, #tpu.memory_space<vmem>>, vector<1x16xf32>,
      %swap3A_84 = vector.shape_cast %swap3A_83 : vector<1x16xf32> to vector<16xf32>
      %swap3A_85 = vector.shape_cast %broadcast_in_dim3A_80 : vector<16xf32> to vector<1x16xf32>
      tpu.vector_store %arg10[%swap3A_81, %swap3A_82], %swap3A_85 {strides = array<i32>} : memref<64x128xf32, #tpu.memory_space<vmem>>, vector<1x16xf32>,
      %broadcast_in_dim3A_86 = arith.constant 0.000000e+00 : f32
      %broadcast_in_dim3A_87 = vector.broadcast %broadcast_in_dim3A_86 : f32 to vector<16xf32>
      %swap3A_88 = arith.index_cast %scan3A_38 : i32 to index
      %swap3A_89 = arith.constant 112 : index
      %swap3A_90 = tpu.vector_load %arg10[%swap3A_88, %swap3A_89] {strides = array<i32>} : memref<64x128xf32, #tpu.memory_space<vmem>>, vector<1x16xf32>,
      %swap3A_91 = vector.shape_cast %swap3A_90 : vector<1x16xf32> to vector<16xf32>
      %swap3A_92 = vector.shape_cast %broadcast_in_dim3A_87 : vector<16xf32> to vector<1x16xf32>
      tpu.vector_store %arg10[%swap3A_88, %swap3A_89], %swap3A_92 {strides = array<i32>} : memref<64x128xf32, #tpu.memory_space<vmem>>, vector<1x16xf32>,
    }
    %scan3A_4 = arith.constant 64 : i32
    %scan3A_5 = arith.constant 0 : i32
    %scan3A_6 = arith.constant 0 : i32
    %scan3A_7 = arith.constant 10 : i32
    %scan3A_8 = arith.addi %scan3A_6, %scan3A_7 : i32
    %scan3A_9 = arith.constant 1 : i32
    scf.for %scan3A_38 = %scan3A_6 to %scan3A_8 step %scan3A_9  : i32 {
      %mul3A_39 = arith.constant 640 : i32
      %mul3A_40 = arith.muli %arg1, %mul3A_39 : i32
      %mul3A_41 = arith.constant 64 : i32
      %mul3A_42 = arith.muli %scan3A_38, %mul3A_41 : i32
      %add3A_43 = arith.addi %mul3A_40, %mul3A_42 : i32
      "tpu.region"() ({
        %run_scoped3A = tpu.sem_alloc : memref<!tpu.dma_semaphore, #tpu.memory_space<semaphore_mem>>
        %dma_start3A = arith.constant 0 : i32
        %dma_start3A_44 = tpu.memref_slice %arg12[%add3A_43, %dma_start3A] : memref<10240x128xf32, #tpu.memory_space<vmem_shared>> -> memref<64x128xf32, #tpu.memory_space<vmem_shared>>
        %dma_start3A_45 = arith.constant 0 : i32
        %dma_start3A_46 = tpu.memref_slice %arg12[%add3A_43, %dma_start3A_45] : memref<10240x128xf32, #tpu.memory_space<vmem_shared>> -> memref<64x128xf32, #tpu.memory_space<vmem_shared>>
        tpu.enqueue_dma source(%arg10 : memref<64x128xf32, #tpu.memory_space<vmem>>) target(%dma_start3A_46 : memref<64x128xf32, #tpu.memory_space<vmem_shared>>) target_semaphore(%run_scoped3A : memref<!tpu.dma_semaphore, #tpu.memory_space<semaphore_mem>>)
        %dma_wait3A = arith.constant 0 : i32
        %dma_wait3A_47 = tpu.memref_slice %arg12[%add3A_43, %dma_wait3A] : memref<10240x128xf32, #tpu.memory_space<vmem_shared>> -> memref<64x128xf32, #tpu.memory_space<vmem_shared>>
        %dma_wait3A_48 = arith.constant 0 : i32
        %dma_wait3A_49 = tpu.memref_slice %arg12[%add3A_43, %dma_wait3A_48] : memref<10240x128xf32, #tpu.memory_space<vmem_shared>> -> memref<64x128xf32, #tpu.memory_space<vmem_shared>>
        tpu.wait_dma2 semaphore(%run_scoped3A : memref<!tpu.dma_semaphore, #tpu.memory_space<semaphore_mem>>) src(%arg10 : memref<64x128xf32, #tpu.memory_space<vmem>>) dst(%dma_wait3A_49 : memref<64x128xf32, #tpu.memory_space<vmem_shared>>)
        tpu.yield
      }) : () -> ()
    }
    %scan3A_10 = arith.constant 10 : i32
    %barrier3A = arith.constant 0 : index
    tpu.barrier barrier_id(%barrier3A)
    %eq3A = arith.constant 0 : i32
    %eq3A_11 = arith.cmpi eq, %arg0, %eq3A : i32
    %mul3A = arith.constant 160 : i32
    %mul3A_12 = arith.muli %arg1, %mul3A : i32
    %mul3A_13 = arith.constant 160 : i32
    %mul3A_14 = arith.muli %arg1, %mul3A_13 : i32
    %add3A = arith.constant 2560 : i32
    %add3A_15 = arith.addi %add3A, %mul3A_14 : i32
    %select_n3A = arith.select %eq3A_11, %mul3A_12, %add3A_15 : i32
    %eq3A_16 = arith.constant 0 : i32
    %eq3A_17 = arith.cmpi eq, %arg0, %eq3A_16 : i32
    %jit3A = arith.constant 4 : i32
    %jit3A_18 = arith.constant 4 : i32
    %select_n3A_19 = arith.select %eq3A_17, %jit3A, %jit3A_18 : i32
    %while3A = arith.constant 0 : i32
    %while3A_20 = arith.constant 0 : i32
    %while3A_21 = arith.subi %select_n3A_19, %while3A_20 : i32
    %while3A_22 = arith.addi %while3A_20, %while3A_21 : i32
    %while3A_23 = arith.constant 1 : i32
    %while3A_24 = arith.divsi %while3A_21, %while3A_23 : i32
    %while3A_25 = arith.muli %while3A_24, %while3A_23 : i32
    %while3A_26 = arith.addi %while3A_20, %while3A_25 : i32
    %while3A_27 = arith.constant 1 : i32
    scf.for %while3A_38 = %while3A_20 to %while3A_26 step %while3A_27  : i32 {
      %mul3A_39 = arith.constant 40 : i32
      %mul3A_40 = arith.muli %while3A_38, %mul3A_39 : i32
      %add3A_41 = arith.addi %select_n3A, %mul3A_40 : i32
      "tpu.region"() ({
        %run_scoped3A = tpu.sem_alloc : memref<!tpu.dma_semaphore, #tpu.memory_space<semaphore_mem>>
        %dma_start3A = arith.constant 0 : i32
        %dma_start3A_48 = tpu.memref_slice %arg3[%add3A_41, %dma_start3A] : memref<5120x128xi32, #tpu.memory_space<hbm>> -> memref<40x128xi32, #tpu.memory_space<hbm>>
        %dma_start3A_49 = arith.constant 0 : i32
        %dma_start3A_50 = tpu.memref_slice %arg3[%add3A_41, %dma_start3A_49] : memref<5120x128xi32, #tpu.memory_space<hbm>> -> memref<40x128xi32, #tpu.memory_space<hbm>>
        tpu.enqueue_dma source(%dma_start3A_50 : memref<40x128xi32, #tpu.memory_space<hbm>>) target(%arg7 : memref<40x128xi32, #tpu.memory_space<vmem>>) target_semaphore(%run_scoped3A : memref<!tpu.dma_semaphore, #tpu.memory_space<semaphore_mem>>)
        %dma_wait3A = arith.constant 0 : i32
        %dma_wait3A_51 = tpu.memref_slice %arg3[%add3A_41, %dma_wait3A] : memref<5120x128xi32, #tpu.memory_space<hbm>> -> memref<40x128xi32, #tpu.memory_space<hbm>>
        %dma_wait3A_52 = arith.constant 0 : i32
        %dma_wait3A_53 = tpu.memref_slice %arg3[%add3A_41, %dma_wait3A_52] : memref<5120x128xi32, #tpu.memory_space<hbm>> -> memref<40x128xi32, #tpu.memory_space<hbm>>
        tpu.wait_dma2 semaphore(%run_scoped3A : memref<!tpu.dma_semaphore, #tpu.memory_space<semaphore_mem>>) src(%dma_wait3A_53 : memref<40x128xi32, #tpu.memory_space<hbm>>) dst(%arg7 : memref<40x128xi32, #tpu.memory_space<vmem>>)
        tpu.yield
      }) : () -> ()
      "tpu.region"() ({
        %run_scoped3A = tpu.sem_alloc : memref<!tpu.dma_semaphore, #tpu.memory_space<semaphore_mem>>
        %dma_start3A = arith.constant 0 : i32
        %dma_start3A_48 = tpu.memref_slice %arg4[%add3A_41, %dma_start3A] : memref<5120x128xi32, #tpu.memory_space<hbm>> -> memref<40x128xi32, #tpu.memory_space<hbm>>
        %dma_start3A_49 = arith.constant 0 : i32
        %dma_start3A_50 = tpu.memref_slice %arg4[%add3A_41, %dma_start3A_49] : memref<5120x128xi32, #tpu.memory_space<hbm>> -> memref<40x128xi32, #tpu.memory_space<hbm>>
        tpu.enqueue_dma source(%dma_start3A_50 : memref<40x128xi32, #tpu.memory_space<hbm>>) target(%arg8 : memref<40x128xi32, #tpu.memory_space<vmem>>) target_semaphore(%run_scoped3A : memref<!tpu.dma_semaphore, #tpu.memory_space<semaphore_mem>>)
        %dma_wait3A = arith.constant 0 : i32
        %dma_wait3A_51 = tpu.memref_slice %arg4[%add3A_41, %dma_wait3A] : memref<5120x128xi32, #tpu.memory_space<hbm>> -> memref<40x128xi32, #tpu.memory_space<hbm>>
        %dma_wait3A_52 = arith.constant 0 : i32
        %dma_wait3A_53 = tpu.memref_slice %arg4[%add3A_41, %dma_wait3A_52] : memref<5120x128xi32, #tpu.memory_space<hbm>> -> memref<40x128xi32, #tpu.memory_space<hbm>>
        tpu.wait_dma2 semaphore(%run_scoped3A : memref<!tpu.dma_semaphore, #tpu.memory_space<semaphore_mem>>) src(%dma_wait3A_53 : memref<40x128xi32, #tpu.memory_space<hbm>>) dst(%arg8 : memref<40x128xi32, #tpu.memory_space<vmem>>)
        tpu.yield
      }) : () -> ()
      %scan3A_42 = arith.constant 0 : i32
      %scan3A_43 = arith.constant 0 : i32
      %scan3A_44 = arith.constant 40 : i32
      %scan3A_45 = arith.addi %scan3A_43, %scan3A_44 : i32
      %scan3A_46 = arith.constant 1 : i32
      scf.for %scan3A_48 = %scan3A_43 to %scan3A_45 step %scan3A_46  : i32 {
        %dma_start3A = arith.constant 0 : i32
        %dma_start3A_49 = tpu.memref_slice %arg7[%scan3A_48, %dma_start3A] : memref<40x128xi32, #tpu.memory_space<vmem>> -> memref<1x128xi32, #tpu.memory_space<vmem>>
        %dma_start3A_50 = tpu.memref_squeeze %dma_start3A_49 : memref<1x128xi32, #tpu.memory_space<vmem>> -> memref<128xi32, #tpu.memory_space<vmem>>
        %dma_start3A_51 = arith.constant 0 : i32
        %dma_start3A_52 = arith.constant 0 : i32
        %dma_start3A_53 = tpu.memref_slice %arg2[%dma_start3A_51, %dma_start3A_52] : memref<20000x128xf32, #tpu.memory_space<hbm>> -> memref<20000x128xf32, #tpu.memory_space<hbm>>
        tpu.enqueue_indirect_dma source(%dma_start3A_53 : memref<20000x128xf32, #tpu.memory_space<hbm>>) target(%arg9 : memref<128x128xf32, #tpu.memory_space<vmem>>) offsets(%dma_start3A_50 : memref<128xi32, #tpu.memory_space<vmem>>) semaphore(%arg11 : memref<!tpu.dma_semaphore, #tpu.memory_space<semaphore_mem>>)
        %dma_wait3A = arith.constant 0 : i32
        %dma_wait3A_54 = tpu.memref_slice %arg7[%scan3A_48, %dma_wait3A] : memref<40x128xi32, #tpu.memory_space<vmem>> -> memref<1x128xi32, #tpu.memory_space<vmem>>
        %dma_wait3A_55 = tpu.memref_squeeze %dma_wait3A_54 : memref<1x128xi32, #tpu.memory_space<vmem>> -> memref<128xi32, #tpu.memory_space<vmem>>
        %dma_wait3A_56 = arith.constant 0 : i32
        %dma_wait3A_57 = arith.constant 0 : i32
        %dma_wait3A_58 = tpu.memref_slice %arg2[%dma_wait3A_56, %dma_wait3A_57] : memref<20000x128xf32, #tpu.memory_space<hbm>> -> memref<20000x128xf32, #tpu.memory_space<hbm>>
        tpu.wait_indirect_dma semaphore(%arg11 : memref<!tpu.dma_semaphore, #tpu.memory_space<semaphore_mem>>) src(%dma_wait3A_58 : memref<20000x128xf32, #tpu.memory_space<hbm>>) dst(%arg9 : memref<128x128xf32, #tpu.memory_space<vmem>>)
        "tpu.region"() ({
          %run_scoped3A = tpu.sem_alloc : memref<!tpu.dma_semaphore, #tpu.memory_space<semaphore_mem>>
          %dma_start3A_59 = arith.constant 0 : i32
          %dma_start3A_60 = tpu.memref_slice %arg8[%scan3A_48, %dma_start3A_59] : memref<40x128xi32, #tpu.memory_space<vmem>> -> memref<1x128xi32, #tpu.memory_space<vmem>>
          %dma_start3A_61 = tpu.memref_squeeze %dma_start3A_60 : memref<1x128xi32, #tpu.memory_space<vmem>> -> memref<128xi32, #tpu.memory_space<vmem>>
          %dma_start3A_62 = arith.constant 0 : i32
          %dma_start3A_63 = arith.constant 0 : i32
          %dma_start3A_64 = tpu.memref_slice %arg12[%dma_start3A_62, %dma_start3A_63] : memref<10240x128xf32, #tpu.memory_space<vmem_shared>> -> memref<10240x128xf32, #tpu.memory_space<vmem_shared>>
          tpu.enqueue_indirect_dma source(%arg9 : memref<128x128xf32, #tpu.memory_space<vmem>>) target(%dma_start3A_64 : memref<10240x128xf32, #tpu.memory_space<vmem_shared>>) offsets(%dma_start3A_61 : memref<128xi32, #tpu.memory_space<vmem>>) semaphore(%run_scoped3A : memref<!tpu.dma_semaphore, #tpu.memory_space<semaphore_mem>>) {add = true}
          %dma_wait3A_65 = arith.constant 0 : i32
          %dma_wait3A_66 = tpu.memref_slice %arg8[%scan3A_48, %dma_wait3A_65] : memref<40x128xi32, #tpu.memory_space<vmem>> -> memref<1x128xi32, #tpu.memory_space<vmem>>
          %dma_wait3A_67 = tpu.memref_squeeze %dma_wait3A_66 : memref<1x128xi32, #tpu.memory_space<vmem>> -> memref<128xi32, #tpu.memory_space<vmem>>
          %dma_wait3A_68 = arith.constant 0 : i32
          %dma_wait3A_69 = arith.constant 0 : i32
          %dma_wait3A_70 = tpu.memref_slice %arg12[%dma_wait3A_68, %dma_wait3A_69] : memref<10240x128xf32, #tpu.memory_space<vmem_shared>> -> memref<10240x128xf32, #tpu.memory_space<vmem_shared>>
          tpu.wait_indirect_dma semaphore(%run_scoped3A : memref<!tpu.dma_semaphore, #tpu.memory_space<semaphore_mem>>) src(%arg9 : memref<128x128xf32, #tpu.memory_space<vmem>>) dst(%dma_wait3A_70 : memref<10240x128xf32, #tpu.memory_space<vmem_shared>>)
          tpu.yield
        }) : () -> ()
      }
      %scan3A_47 = arith.constant 40 : i32
    }
    %while3A_28 = arith.constant 1 : i32
    scf.for %while3A_38 = %while3A_26 to %while3A_22 step %while3A_28  : i32 {
      %mul3A_39 = arith.constant 40 : i32
      %mul3A_40 = arith.muli %while3A_38, %mul3A_39 : i32
      %add3A_41 = arith.addi %select_n3A, %mul3A_40 : i32
      "tpu.region"() ({
        %run_scoped3A = tpu.sem_alloc : memref<!tpu.dma_semaphore, #tpu.memory_space<semaphore_mem>>
        %dma_start3A = arith.constant 0 : i32
        %dma_start3A_48 = tpu.memref_slice %arg3[%add3A_41, %dma_start3A] : memref<5120x128xi32, #tpu.memory_space<hbm>> -> memref<40x128xi32, #tpu.memory_space<hbm>>
        %dma_start3A_49 = arith.constant 0 : i32
        %dma_start3A_50 = tpu.memref_slice %arg3[%add3A_41, %dma_start3A_49] : memref<5120x128xi32, #tpu.memory_space<hbm>> -> memref<40x128xi32, #tpu.memory_space<hbm>>
        tpu.enqueue_dma source(%dma_start3A_50 : memref<40x128xi32, #tpu.memory_space<hbm>>) target(%arg7 : memref<40x128xi32, #tpu.memory_space<vmem>>) target_semaphore(%run_scoped3A : memref<!tpu.dma_semaphore, #tpu.memory_space<semaphore_mem>>)
        %dma_wait3A = arith.constant 0 : i32
        %dma_wait3A_51 = tpu.memref_slice %arg3[%add3A_41, %dma_wait3A] : memref<5120x128xi32, #tpu.memory_space<hbm>> -> memref<40x128xi32, #tpu.memory_space<hbm>>
        %dma_wait3A_52 = arith.constant 0 : i32
        %dma_wait3A_53 = tpu.memref_slice %arg3[%add3A_41, %dma_wait3A_52] : memref<5120x128xi32, #tpu.memory_space<hbm>> -> memref<40x128xi32, #tpu.memory_space<hbm>>
        tpu.wait_dma2 semaphore(%run_scoped3A : memref<!tpu.dma_semaphore, #tpu.memory_space<semaphore_mem>>) src(%dma_wait3A_53 : memref<40x128xi32, #tpu.memory_space<hbm>>) dst(%arg7 : memref<40x128xi32, #tpu.memory_space<vmem>>)
        tpu.yield
      }) : () -> ()
      "tpu.region"() ({
        %run_scoped3A = tpu.sem_alloc : memref<!tpu.dma_semaphore, #tpu.memory_space<semaphore_mem>>
        %dma_start3A = arith.constant 0 : i32
        %dma_start3A_48 = tpu.memref_slice %arg4[%add3A_41, %dma_start3A] : memref<5120x128xi32, #tpu.memory_space<hbm>> -> memref<40x128xi32, #tpu.memory_space<hbm>>
        %dma_start3A_49 = arith.constant 0 : i32
        %dma_start3A_50 = tpu.memref_slice %arg4[%add3A_41, %dma_start3A_49] : memref<5120x128xi32, #tpu.memory_space<hbm>> -> memref<40x128xi32, #tpu.memory_space<hbm>>
        tpu.enqueue_dma source(%dma_start3A_50 : memref<40x128xi32, #tpu.memory_space<hbm>>) target(%arg8 : memref<40x128xi32, #tpu.memory_space<vmem>>) target_semaphore(%run_scoped3A : memref<!tpu.dma_semaphore, #tpu.memory_space<semaphore_mem>>)
        %dma_wait3A = arith.constant 0 : i32
        %dma_wait3A_51 = tpu.memref_slice %arg4[%add3A_41, %dma_wait3A] : memref<5120x128xi32, #tpu.memory_space<hbm>> -> memref<40x128xi32, #tpu.memory_space<hbm>>
        %dma_wait3A_52 = arith.constant 0 : i32
        %dma_wait3A_53 = tpu.memref_slice %arg4[%add3A_41, %dma_wait3A_52] : memref<5120x128xi32, #tpu.memory_space<hbm>> -> memref<40x128xi32, #tpu.memory_space<hbm>>
        tpu.wait_dma2 semaphore(%run_scoped3A : memref<!tpu.dma_semaphore, #tpu.memory_space<semaphore_mem>>) src(%dma_wait3A_53 : memref<40x128xi32, #tpu.memory_space<hbm>>) dst(%arg8 : memref<40x128xi32, #tpu.memory_space<vmem>>)
        tpu.yield
      }) : () -> ()
      %scan3A_42 = arith.constant 0 : i32
      %scan3A_43 = arith.constant 0 : i32
      %scan3A_44 = arith.constant 40 : i32
      %scan3A_45 = arith.addi %scan3A_43, %scan3A_44 : i32
      %scan3A_46 = arith.constant 1 : i32
      scf.for %scan3A_48 = %scan3A_43 to %scan3A_45 step %scan3A_46  : i32 {
        %dma_start3A = arith.constant 0 : i32
        %dma_start3A_49 = tpu.memref_slice %arg7[%scan3A_48, %dma_start3A] : memref<40x128xi32, #tpu.memory_space<vmem>> -> memref<1x128xi32, #tpu.memory_space<vmem>>
        %dma_start3A_50 = tpu.memref_squeeze %dma_start3A_49 : memref<1x128xi32, #tpu.memory_space<vmem>> -> memref<128xi32, #tpu.memory_space<vmem>>
        %dma_start3A_51 = arith.constant 0 : i32
        %dma_start3A_52 = arith.constant 0 : i32
        %dma_start3A_53 = tpu.memref_slice %arg2[%dma_start3A_51, %dma_start3A_52] : memref<20000x128xf32, #tpu.memory_space<hbm>> -> memref<20000x128xf32, #tpu.memory_space<hbm>>
        tpu.enqueue_indirect_dma source(%dma_start3A_53 : memref<20000x128xf32, #tpu.memory_space<hbm>>) target(%arg9 : memref<128x128xf32, #tpu.memory_space<vmem>>) offsets(%dma_start3A_50 : memref<128xi32, #tpu.memory_space<vmem>>) semaphore(%arg11 : memref<!tpu.dma_semaphore, #tpu.memory_space<semaphore_mem>>)
        %dma_wait3A = arith.constant 0 : i32
        %dma_wait3A_54 = tpu.memref_slice %arg7[%scan3A_48, %dma_wait3A] : memref<40x128xi32, #tpu.memory_space<vmem>> -> memref<1x128xi32, #tpu.memory_space<vmem>>
        %dma_wait3A_55 = tpu.memref_squeeze %dma_wait3A_54 : memref<1x128xi32, #tpu.memory_space<vmem>> -> memref<128xi32, #tpu.memory_space<vmem>>
        %dma_wait3A_56 = arith.constant 0 : i32
        %dma_wait3A_57 = arith.constant 0 : i32
        %dma_wait3A_58 = tpu.memref_slice %arg2[%dma_wait3A_56, %dma_wait3A_57] : memref<20000x128xf32, #tpu.memory_space<hbm>> -> memref<20000x128xf32, #tpu.memory_space<hbm>>
        tpu.wait_indirect_dma semaphore(%arg11 : memref<!tpu.dma_semaphore, #tpu.memory_space<semaphore_mem>>) src(%dma_wait3A_58 : memref<20000x128xf32, #tpu.memory_space<hbm>>) dst(%arg9 : memref<128x128xf32, #tpu.memory_space<vmem>>)
        "tpu.region"() ({
          %run_scoped3A = tpu.sem_alloc : memref<!tpu.dma_semaphore, #tpu.memory_space<semaphore_mem>>
          %dma_start3A_59 = arith.constant 0 : i32
          %dma_start3A_60 = tpu.memref_slice %arg8[%scan3A_48, %dma_start3A_59] : memref<40x128xi32, #tpu.memory_space<vmem>> -> memref<1x128xi32, #tpu.memory_space<vmem>>
          %dma_start3A_61 = tpu.memref_squeeze %dma_start3A_60 : memref<1x128xi32, #tpu.memory_space<vmem>> -> memref<128xi32, #tpu.memory_space<vmem>>
          %dma_start3A_62 = arith.constant 0 : i32
          %dma_start3A_63 = arith.constant 0 : i32
          %dma_start3A_64 = tpu.memref_slice %arg12[%dma_start3A_62, %dma_start3A_63] : memref<10240x128xf32, #tpu.memory_space<vmem_shared>> -> memref<10240x128xf32, #tpu.memory_space<vmem_shared>>
          tpu.enqueue_indirect_dma source(%arg9 : memref<128x128xf32, #tpu.memory_space<vmem>>) target(%dma_start3A_64 : memref<10240x128xf32, #tpu.memory_space<vmem_shared>>) offsets(%dma_start3A_61 : memref<128xi32, #tpu.memory_space<vmem>>) semaphore(%run_scoped3A : memref<!tpu.dma_semaphore, #tpu.memory_space<semaphore_mem>>) {add = true}
          %dma_wait3A_65 = arith.constant 0 : i32
          %dma_wait3A_66 = tpu.memref_slice %arg8[%scan3A_48, %dma_wait3A_65] : memref<40x128xi32, #tpu.memory_space<vmem>> -> memref<1x128xi32, #tpu.memory_space<vmem>>
          %dma_wait3A_67 = tpu.memref_squeeze %dma_wait3A_66 : memref<1x128xi32, #tpu.memory_space<vmem>> -> memref<128xi32, #tpu.memory_space<vmem>>
          %dma_wait3A_68 = arith.constant 0 : i32
          %dma_wait3A_69 = arith.constant 0 : i32
          %dma_wait3A_70 = tpu.memref_slice %arg12[%dma_wait3A_68, %dma_wait3A_69] : memref<10240x128xf32, #tpu.memory_space<vmem_shared>> -> memref<10240x128xf32, #tpu.memory_space<vmem_shared>>
          tpu.wait_indirect_dma semaphore(%run_scoped3A : memref<!tpu.dma_semaphore, #tpu.memory_space<semaphore_mem>>) src(%arg9 : memref<128x128xf32, #tpu.memory_space<vmem>>) dst(%dma_wait3A_70 : memref<10240x128xf32, #tpu.memory_space<vmem_shared>>)
          tpu.yield
        }) : () -> ()
      }
      %scan3A_47 = arith.constant 40 : i32
    }
    %barrier3A_29 = arith.constant 0 : index
    tpu.barrier barrier_id(%barrier3A_29)
    %eq3A_30 = arith.constant 0 : i32
    %eq3A_31 = arith.cmpi eq, %arg0, %eq3A_30 : i32
    %convert_element_type3A = arith.extui %eq3A_31 : i1 to i32
    %cond3A = arith.constant 0 : i32
    %cond3A_32 = arith.cmpi ne, %convert_element_type3A, %cond3A : i32
    scf.if %cond3A_32 {
      %mul3A_38 = arith.constant 640 : i32
      %mul3A_39 = arith.muli %arg1, %mul3A_38 : i32
      %mul3A_40 = arith.constant 640 : i32
      %mul3A_41 = arith.muli %arg1, %mul3A_40 : i32
      "tpu.region"() ({
        %run_scoped3A = tpu.sem_alloc : memref<!tpu.dma_semaphore, #tpu.memory_space<semaphore_mem>>
        %dma_start3A = arith.constant 0 : i32
        %dma_start3A_42 = tpu.memref_slice %arg5[%mul3A_41, %dma_start3A] : memref<10240x128xf32, #tpu.memory_space<hbm>> -> memref<640x128xf32, #tpu.memory_space<hbm>>
        %dma_start3A_43 = arith.constant 0 : i32
        %dma_start3A_44 = tpu.memref_slice %arg12[%mul3A_39, %dma_start3A_43] : memref<10240x128xf32, #tpu.memory_space<vmem_shared>> -> memref<640x128xf32, #tpu.memory_space<vmem_shared>>
        tpu.enqueue_dma source(%dma_start3A_44 : memref<640x128xf32, #tpu.memory_space<vmem_shared>>) target(%dma_start3A_42 : memref<640x128xf32, #tpu.memory_space<hbm>>) target_semaphore(%run_scoped3A : memref<!tpu.dma_semaphore, #tpu.memory_space<semaphore_mem>>)
        %dma_wait3A = arith.constant 0 : i32
        %dma_wait3A_45 = tpu.memref_slice %arg5[%mul3A_41, %dma_wait3A] : memref<10240x128xf32, #tpu.memory_space<hbm>> -> memref<640x128xf32, #tpu.memory_space<hbm>>
        %dma_wait3A_46 = arith.constant 0 : i32
        %dma_wait3A_47 = tpu.memref_slice %arg12[%mul3A_39, %dma_wait3A_46] : memref<10240x128xf32, #tpu.memory_space<vmem_shared>> -> memref<640x128xf32, #tpu.memory_space<vmem_shared>>
        tpu.wait_dma2 semaphore(%run_scoped3A : memref<!tpu.dma_semaphore, #tpu.memory_space<semaphore_mem>>) src(%dma_wait3A_47 : memref<640x128xf32, #tpu.memory_space<vmem_shared>>) dst(%dma_wait3A_45 : memref<640x128xf32, #tpu.memory_space<hbm>>)
        tpu.yield
      }) : () -> ()
    } else {
    }
    %eq3A_33 = arith.constant 1 : i32
    %eq3A_34 = arith.cmpi eq, %arg0, %eq3A_33 : i32
    %convert_element_type3A_35 = arith.extui %eq3A_34 : i1 to i32
    %cond3A_36 = arith.constant 0 : i32
    %cond3A_37 = arith.cmpi ne, %convert_element_type3A_35, %cond3A_36 : i32
    scf.if %cond3A_37 {
      %mul3A_38 = arith.constant 640 : i32
      %mul3A_39 = arith.muli %arg1, %mul3A_38 : i32
      %mul3A_40 = arith.constant 640 : i32
      %mul3A_41 = arith.muli %arg1, %mul3A_40 : i32
      "tpu.region"() ({
        %run_scoped3A = tpu.sem_alloc : memref<!tpu.dma_semaphore, #tpu.memory_space<semaphore_mem>>
        %dma_start3A = arith.constant 0 : i32
        %dma_start3A_42 = tpu.memref_slice %arg6[%mul3A_41, %dma_start3A] : memref<10240x128xf32, #tpu.memory_space<hbm>> -> memref<640x128xf32, #tpu.memory_space<hbm>>
        %dma_start3A_43 = arith.constant 0 : i32
        %dma_start3A_44 = tpu.memref_slice %arg12[%mul3A_39, %dma_start3A_43] : memref<10240x128xf32, #tpu.memory_space<vmem_shared>> -> memref<640x128xf32, #tpu.memory_space<vmem_shared>>
        tpu.enqueue_dma source(%dma_start3A_44 : memref<640x128xf32, #tpu.memory_space<vmem_shared>>) target(%dma_start3A_42 : memref<640x128xf32, #tpu.memory_space<hbm>>) target_semaphore(%run_scoped3A : memref<!tpu.dma_semaphore, #tpu.memory_space<semaphore_mem>>)
        %dma_wait3A = arith.constant 0 : i32
        %dma_wait3A_45 = tpu.memref_slice %arg6[%mul3A_41, %dma_wait3A] : memref<10240x128xf32, #tpu.memory_space<hbm>> -> memref<640x128xf32, #tpu.memory_space<hbm>>
        %dma_wait3A_46 = arith.constant 0 : i32
        %dma_wait3A_47 = tpu.memref_slice %arg12[%mul3A_39, %dma_wait3A_46] : memref<10240x128xf32, #tpu.memory_space<vmem_shared>> -> memref<640x128xf32, #tpu.memory_space<vmem_shared>>
        tpu.wait_dma2 semaphore(%run_scoped3A : memref<!tpu.dma_semaphore, #tpu.memory_space<semaphore_mem>>) src(%dma_wait3A_47 : memref<640x128xf32, #tpu.memory_space<vmem_shared>>) dst(%dma_wait3A_45 : memref<640x128xf32, #tpu.memory_space<hbm>>)
        tpu.yield
      }) : () -> ()
    } else {
    }
    return
  }
}

#map = affine_map<(d0, d1) -> (0, 0)>
module attributes {stable_mosaic.version = 14 : i64} {
  func.func @deg_k(%arg0: i32, %arg1: i32, %arg2: memref<2560x128xi32, #tpu.memory_space<hbm>>, %arg3: memref<10240x16xf32, #tpu.memory_space<hbm>>, %arg4: memref<10240x16xf32, #tpu.memory_space<hbm>>, %arg5: memref<40x128xi32, #tpu.memory_space<vmem>>, %arg6: memref<128x16xf32, #tpu.memory_space<vmem>>, %arg7: memref<64x16xf32, #tpu.memory_space<vmem>>, %arg8: memref<10240x16xf32, #tpu.memory_space<vmem_shared>>) attributes {dimension_semantics = [#tpu.dimension_semantics<core_parallel>, #tpu.dimension_semantics<subcore_parallel>], iteration_bounds = array<i64: 2, 16>, scalar_prefetch = 0 : i64, scratch_operands = 4 : i64, tpu.core_type = #tpu.core_type<sc_vector_subcore>, window_params = [{transform_indices = #map}, {transform_indices = #map}, {transform_indices = #map}]} {
    %mul3A = arith.constant 2 : i32
    %mul3A_0 = arith.muli %arg1, %mul3A : i32
    %add3A = arith.addi %mul3A_0, %arg0 : i32
    %scan3A = arith.constant 0 : i32
    %scan3A_1 = arith.constant 0 : i32
    %scan3A_2 = arith.constant 64 : i32
    %scan3A_3 = arith.addi %scan3A_1, %scan3A_2 : i32
    %scan3A_4 = arith.constant 1 : i32
    scf.for %scan3A_32 = %scan3A_1 to %scan3A_3 step %scan3A_4  : i32 {
      %broadcast_in_dim3A = arith.constant 0.000000e+00 : f32
      %broadcast_in_dim3A_33 = vector.broadcast %broadcast_in_dim3A : f32 to vector<16xf32>
      %swap3A = arith.index_cast %scan3A_32 : i32 to index
      %swap3A_34 = arith.constant 0 : index
      %swap3A_35 = tpu.vector_load %arg7[%swap3A, %swap3A_34] {strides = array<i32>} : memref<64x16xf32, #tpu.memory_space<vmem>>, vector<1x16xf32>,
      %swap3A_36 = vector.shape_cast %swap3A_35 : vector<1x16xf32> to vector<16xf32>
      %swap3A_37 = vector.shape_cast %broadcast_in_dim3A_33 : vector<16xf32> to vector<1x16xf32>
      tpu.vector_store %arg7[%swap3A, %swap3A_34], %swap3A_37 {strides = array<i32>} : memref<64x16xf32, #tpu.memory_space<vmem>>, vector<1x16xf32>,
    }
    %scan3A_5 = arith.constant 64 : i32
    %scan3A_6 = arith.constant 0 : i32
    %scan3A_7 = arith.constant 0 : i32
    %scan3A_8 = arith.constant 128 : i32
    %scan3A_9 = arith.addi %scan3A_7, %scan3A_8 : i32
    %scan3A_10 = arith.constant 1 : i32
    scf.for %scan3A_32 = %scan3A_7 to %scan3A_9 step %scan3A_10  : i32 {
      %broadcast_in_dim3A = arith.constant 1.000000e+00 : f32
      %broadcast_in_dim3A_33 = vector.broadcast %broadcast_in_dim3A : f32 to vector<16xf32>
      %swap3A = arith.index_cast %scan3A_32 : i32 to index
      %swap3A_34 = arith.constant 0 : index
      %swap3A_35 = tpu.vector_load %arg6[%swap3A, %swap3A_34] {strides = array<i32>} : memref<128x16xf32, #tpu.memory_space<vmem>>, vector<1x16xf32>,
      %swap3A_36 = vector.shape_cast %swap3A_35 : vector<1x16xf32> to vector<16xf32>
      %swap3A_37 = vector.shape_cast %broadcast_in_dim3A_33 : vector<16xf32> to vector<1x16xf32>
      tpu.vector_store %arg6[%swap3A, %swap3A_34], %swap3A_37 {strides = array<i32>} : memref<128x16xf32, #tpu.memory_space<vmem>>, vector<1x16xf32>,
    }
    %scan3A_11 = arith.constant 128 : i32
    %scan3A_12 = arith.constant 0 : i32
    %scan3A_13 = arith.constant 0 : i32
    %scan3A_14 = arith.constant 10 : i32
    %scan3A_15 = arith.addi %scan3A_13, %scan3A_14 : i32
    %scan3A_16 = arith.constant 1 : i32
    scf.for %scan3A_32 = %scan3A_13 to %scan3A_15 step %scan3A_16  : i32 {
      %mul3A_33 = arith.constant 640 : i32
      %mul3A_34 = arith.muli %arg1, %mul3A_33 : i32
      %mul3A_35 = arith.constant 64 : i32
      %mul3A_36 = arith.muli %scan3A_32, %mul3A_35 : i32
      %add3A_37 = arith.addi %mul3A_34, %mul3A_36 : i32
      "tpu.region"() ({
        %run_scoped3A = tpu.sem_alloc : memref<!tpu.dma_semaphore, #tpu.memory_space<semaphore_mem>>
        %dma_start3A = arith.constant 0 : i32
        %dma_start3A_38 = tpu.memref_slice %arg8[%add3A_37, %dma_start3A] : memref<10240x16xf32, #tpu.memory_space<vmem_shared>> -> memref<64x16xf32, #tpu.memory_space<vmem_shared>>
        %dma_start3A_39 = arith.constant 0 : i32
        %dma_start3A_40 = tpu.memref_slice %arg8[%add3A_37, %dma_start3A_39] : memref<10240x16xf32, #tpu.memory_space<vmem_shared>> -> memref<64x16xf32, #tpu.memory_space<vmem_shared>>
        tpu.enqueue_dma source(%arg7 : memref<64x16xf32, #tpu.memory_space<vmem>>) target(%dma_start3A_40 : memref<64x16xf32, #tpu.memory_space<vmem_shared>>) target_semaphore(%run_scoped3A : memref<!tpu.dma_semaphore, #tpu.memory_space<semaphore_mem>>)
        %dma_wait3A = arith.constant 0 : i32
        %dma_wait3A_41 = tpu.memref_slice %arg8[%add3A_37, %dma_wait3A] : memref<10240x16xf32, #tpu.memory_space<vmem_shared>> -> memref<64x16xf32, #tpu.memory_space<vmem_shared>>
        %dma_wait3A_42 = arith.constant 0 : i32
        %dma_wait3A_43 = tpu.memref_slice %arg8[%add3A_37, %dma_wait3A_42] : memref<10240x16xf32, #tpu.memory_space<vmem_shared>> -> memref<64x16xf32, #tpu.memory_space<vmem_shared>>
        tpu.wait_dma2 semaphore(%run_scoped3A : memref<!tpu.dma_semaphore, #tpu.memory_space<semaphore_mem>>) src(%arg7 : memref<64x16xf32, #tpu.memory_space<vmem>>) dst(%dma_wait3A_43 : memref<64x16xf32, #tpu.memory_space<vmem_shared>>)
        tpu.yield
      }) : () -> ()
    }
    %scan3A_17 = arith.constant 10 : i32
    %barrier3A = arith.constant 0 : index
    tpu.barrier barrier_id(%barrier3A)
    %scan3A_18 = arith.constant 0 : i32
    %scan3A_19 = arith.constant 0 : i32
    %scan3A_20 = arith.constant 2 : i32
    %scan3A_21 = arith.addi %scan3A_19, %scan3A_20 : i32
    %scan3A_22 = arith.constant 1 : i32
    scf.for %scan3A_32 = %scan3A_19 to %scan3A_21 step %scan3A_22  : i32 {
      %mul3A_33 = arith.constant 80 : i32
      %mul3A_34 = arith.muli %add3A, %mul3A_33 : i32
      %mul3A_35 = arith.constant 40 : i32
      %mul3A_36 = arith.muli %scan3A_32, %mul3A_35 : i32
      %add3A_37 = arith.addi %mul3A_34, %mul3A_36 : i32
      "tpu.region"() ({
        %run_scoped3A = tpu.sem_alloc : memref<!tpu.dma_semaphore, #tpu.memory_space<semaphore_mem>>
        %dma_start3A = arith.constant 0 : i32
        %dma_start3A_44 = tpu.memref_slice %arg2[%add3A_37, %dma_start3A] : memref<2560x128xi32, #tpu.memory_space<hbm>> -> memref<40x128xi32, #tpu.memory_space<hbm>>
        %dma_start3A_45 = arith.constant 0 : i32
        %dma_start3A_46 = tpu.memref_slice %arg2[%add3A_37, %dma_start3A_45] : memref<2560x128xi32, #tpu.memory_space<hbm>> -> memref<40x128xi32, #tpu.memory_space<hbm>>
        tpu.enqueue_dma source(%dma_start3A_46 : memref<40x128xi32, #tpu.memory_space<hbm>>) target(%arg5 : memref<40x128xi32, #tpu.memory_space<vmem>>) target_semaphore(%run_scoped3A : memref<!tpu.dma_semaphore, #tpu.memory_space<semaphore_mem>>)
        %dma_wait3A = arith.constant 0 : i32
        %dma_wait3A_47 = tpu.memref_slice %arg2[%add3A_37, %dma_wait3A] : memref<2560x128xi32, #tpu.memory_space<hbm>> -> memref<40x128xi32, #tpu.memory_space<hbm>>
        %dma_wait3A_48 = arith.constant 0 : i32
        %dma_wait3A_49 = tpu.memref_slice %arg2[%add3A_37, %dma_wait3A_48] : memref<2560x128xi32, #tpu.memory_space<hbm>> -> memref<40x128xi32, #tpu.memory_space<hbm>>
        tpu.wait_dma2 semaphore(%run_scoped3A : memref<!tpu.dma_semaphore, #tpu.memory_space<semaphore_mem>>) src(%dma_wait3A_49 : memref<40x128xi32, #tpu.memory_space<hbm>>) dst(%arg5 : memref<40x128xi32, #tpu.memory_space<vmem>>)
        tpu.yield
      }) : () -> ()
      %scan3A_38 = arith.constant 0 : i32
      %scan3A_39 = arith.constant 0 : i32
      %scan3A_40 = arith.constant 40 : i32
      %scan3A_41 = arith.addi %scan3A_39, %scan3A_40 : i32
      %scan3A_42 = arith.constant 1 : i32
      scf.for %scan3A_44 = %scan3A_39 to %scan3A_41 step %scan3A_42  : i32 {
        "tpu.region"() ({
          %run_scoped3A = tpu.sem_alloc : memref<!tpu.dma_semaphore, #tpu.memory_space<semaphore_mem>>
          %dma_start3A = arith.constant 0 : i32
          %dma_start3A_45 = tpu.memref_slice %arg5[%scan3A_44, %dma_start3A] : memref<40x128xi32, #tpu.memory_space<vmem>> -> memref<1x128xi32, #tpu.memory_space<vmem>>
          %dma_start3A_46 = tpu.memref_squeeze %dma_start3A_45 : memref<1x128xi32, #tpu.memory_space<vmem>> -> memref<128xi32, #tpu.memory_space<vmem>>
          %dma_start3A_47 = arith.constant 0 : i32
          %dma_start3A_48 = arith.constant 0 : i32
          %dma_start3A_49 = tpu.memref_slice %arg8[%dma_start3A_47, %dma_start3A_48] : memref<10240x16xf32, #tpu.memory_space<vmem_shared>> -> memref<10240x16xf32, #tpu.memory_space<vmem_shared>>
          tpu.enqueue_indirect_dma source(%arg6 : memref<128x16xf32, #tpu.memory_space<vmem>>) target(%dma_start3A_49 : memref<10240x16xf32, #tpu.memory_space<vmem_shared>>) offsets(%dma_start3A_46 : memref<128xi32, #tpu.memory_space<vmem>>) semaphore(%run_scoped3A : memref<!tpu.dma_semaphore, #tpu.memory_space<semaphore_mem>>) {add = true}
          %dma_wait3A = arith.constant 0 : i32
          %dma_wait3A_50 = tpu.memref_slice %arg5[%scan3A_44, %dma_wait3A] : memref<40x128xi32, #tpu.memory_space<vmem>> -> memref<1x128xi32, #tpu.memory_space<vmem>>
          %dma_wait3A_51 = tpu.memref_squeeze %dma_wait3A_50 : memref<1x128xi32, #tpu.memory_space<vmem>> -> memref<128xi32, #tpu.memory_space<vmem>>
          %dma_wait3A_52 = arith.constant 0 : i32
          %dma_wait3A_53 = arith.constant 0 : i32
          %dma_wait3A_54 = tpu.memref_slice %arg8[%dma_wait3A_52, %dma_wait3A_53] : memref<10240x16xf32, #tpu.memory_space<vmem_shared>> -> memref<10240x16xf32, #tpu.memory_space<vmem_shared>>
          tpu.wait_indirect_dma semaphore(%run_scoped3A : memref<!tpu.dma_semaphore, #tpu.memory_space<semaphore_mem>>) src(%arg6 : memref<128x16xf32, #tpu.memory_space<vmem>>) dst(%dma_wait3A_54 : memref<10240x16xf32, #tpu.memory_space<vmem_shared>>)
          tpu.yield
        }) : () -> ()
      }
      %scan3A_43 = arith.constant 40 : i32
    }
    %scan3A_23 = arith.constant 2 : i32
    %barrier3A_24 = arith.constant 0 : index
    tpu.barrier barrier_id(%barrier3A_24)
    %eq3A = arith.constant 0 : i32
    %eq3A_25 = arith.cmpi eq, %arg0, %eq3A : i32
    %convert_element_type3A = arith.extui %eq3A_25 : i1 to i32
    %cond3A = arith.constant 0 : i32
    %cond3A_26 = arith.cmpi ne, %convert_element_type3A, %cond3A : i32
    scf.if %cond3A_26 {
      %mul3A_32 = arith.constant 640 : i32
      %mul3A_33 = arith.muli %arg1, %mul3A_32 : i32
      %mul3A_34 = arith.constant 640 : i32
      %mul3A_35 = arith.muli %arg1, %mul3A_34 : i32
      "tpu.region"() ({
        %run_scoped3A = tpu.sem_alloc : memref<!tpu.dma_semaphore, #tpu.memory_space<semaphore_mem>>
        %dma_start3A = arith.constant 0 : i32
        %dma_start3A_36 = tpu.memref_slice %arg3[%mul3A_35, %dma_start3A] : memref<10240x16xf32, #tpu.memory_space<hbm>> -> memref<640x16xf32, #tpu.memory_space<hbm>>
        %dma_start3A_37 = arith.constant 0 : i32
        %dma_start3A_38 = tpu.memref_slice %arg8[%mul3A_33, %dma_start3A_37] : memref<10240x16xf32, #tpu.memory_space<vmem_shared>> -> memref<640x16xf32, #tpu.memory_space<vmem_shared>>
        tpu.enqueue_dma source(%dma_start3A_38 : memref<640x16xf32, #tpu.memory_space<vmem_shared>>) target(%dma_start3A_36 : memref<640x16xf32, #tpu.memory_space<hbm>>) target_semaphore(%run_scoped3A : memref<!tpu.dma_semaphore, #tpu.memory_space<semaphore_mem>>)
        %dma_wait3A = arith.constant 0 : i32
        %dma_wait3A_39 = tpu.memref_slice %arg3[%mul3A_35, %dma_wait3A] : memref<10240x16xf32, #tpu.memory_space<hbm>> -> memref<640x16xf32, #tpu.memory_space<hbm>>
        %dma_wait3A_40 = arith.constant 0 : i32
        %dma_wait3A_41 = tpu.memref_slice %arg8[%mul3A_33, %dma_wait3A_40] : memref<10240x16xf32, #tpu.memory_space<vmem_shared>> -> memref<640x16xf32, #tpu.memory_space<vmem_shared>>
        tpu.wait_dma2 semaphore(%run_scoped3A : memref<!tpu.dma_semaphore, #tpu.memory_space<semaphore_mem>>) src(%dma_wait3A_41 : memref<640x16xf32, #tpu.memory_space<vmem_shared>>) dst(%dma_wait3A_39 : memref<640x16xf32, #tpu.memory_space<hbm>>)
        tpu.yield
      }) : () -> ()
    } else {
    }
    %eq3A_27 = arith.constant 1 : i32
    %eq3A_28 = arith.cmpi eq, %arg0, %eq3A_27 : i32
    %convert_element_type3A_29 = arith.extui %eq3A_28 : i1 to i32
    %cond3A_30 = arith.constant 0 : i32
    %cond3A_31 = arith.cmpi ne, %convert_element_type3A_29, %cond3A_30 : i32
    scf.if %cond3A_31 {
      %mul3A_32 = arith.constant 640 : i32
      %mul3A_33 = arith.muli %arg1, %mul3A_32 : i32
      %mul3A_34 = arith.constant 640 : i32
      %mul3A_35 = arith.muli %arg1, %mul3A_34 : i32
      "tpu.region"() ({
        %run_scoped3A = tpu.sem_alloc : memref<!tpu.dma_semaphore, #tpu.memory_space<semaphore_mem>>
        %dma_start3A = arith.constant 0 : i32
        %dma_start3A_36 = tpu.memref_slice %arg4[%mul3A_35, %dma_start3A] : memref<10240x16xf32, #tpu.memory_space<hbm>> -> memref<640x16xf32, #tpu.memory_space<hbm>>
        %dma_start3A_37 = arith.constant 0 : i32
        %dma_start3A_38 = tpu.memref_slice %arg8[%mul3A_33, %dma_start3A_37] : memref<10240x16xf32, #tpu.memory_space<vmem_shared>> -> memref<640x16xf32, #tpu.memory_space<vmem_shared>>
        tpu.enqueue_dma source(%dma_start3A_38 : memref<640x16xf32, #tpu.memory_space<vmem_shared>>) target(%dma_start3A_36 : memref<640x16xf32, #tpu.memory_space<hbm>>) target_semaphore(%run_scoped3A : memref<!tpu.dma_semaphore, #tpu.memory_space<semaphore_mem>>)
        %dma_wait3A = arith.constant 0 : i32
        %dma_wait3A_39 = tpu.memref_slice %arg4[%mul3A_35, %dma_wait3A] : memref<10240x16xf32, #tpu.memory_space<hbm>> -> memref<640x16xf32, #tpu.memory_space<hbm>>
        %dma_wait3A_40 = arith.constant 0 : i32
        %dma_wait3A_41 = tpu.memref_slice %arg8[%mul3A_33, %dma_wait3A_40] : memref<10240x16xf32, #tpu.memory_space<vmem_shared>> -> memref<640x16xf32, #tpu.memory_space<vmem_shared>>
        tpu.wait_dma2 semaphore(%run_scoped3A : memref<!tpu.dma_semaphore, #tpu.memory_space<semaphore_mem>>) src(%dma_wait3A_41 : memref<640x16xf32, #tpu.memory_space<vmem_shared>>) dst(%dma_wait3A_39 : memref<640x16xf32, #tpu.memory_space<hbm>>)
        tpu.yield
      }) : () -> ()
    } else {
    }
    return
  }
}

#map = affine_map<(d0, d1) -> (0, 0)>
module attributes {stable_mosaic.version = 14 : i64} {
  func.func @scat_k(%arg0: i32, %arg1: i32, %arg2: memref<10000x128xf32, #tpu.memory_space<hbm>>, %arg3: memref<2560x128xi32, #tpu.memory_space<hbm>>, %arg4: memref<2560x128xi32, #tpu.memory_space<hbm>>, %arg5: memref<10240x128xf32, #tpu.memory_space<hbm>>, %arg6: memref<10240x128xf32, #tpu.memory_space<hbm>>, %arg7: memref<40x128xi32, #tpu.memory_space<vmem>>, %arg8: memref<40x128xi32, #tpu.memory_space<vmem>>, %arg9: memref<128x128xf32, #tpu.memory_space<vmem>>, %arg10: memref<64x128xf32, #tpu.memory_space<vmem>>, %arg11: memref<!tpu.dma_semaphore, #tpu.memory_space<semaphore_mem>>, %arg12: memref<10240x128xf32, #tpu.memory_space<vmem_shared>>) attributes {dimension_semantics = [#tpu.dimension_semantics<core_parallel>, #tpu.dimension_semantics<subcore_parallel>], iteration_bounds = array<i64: 2, 16>, scalar_prefetch = 0 : i64, scratch_operands = 6 : i64, tpu.core_type = #tpu.core_type<sc_vector_subcore>, window_params = [{transform_indices = #map}, {transform_indices = #map}, {transform_indices = #map}, {transform_indices = #map}, {transform_indices = #map}]} {
    %scan3A = arith.constant 0 : i32
    %scan3A_0 = arith.constant 0 : i32
    %scan3A_1 = arith.constant 64 : i32
    %scan3A_2 = arith.addi %scan3A_0, %scan3A_1 : i32
    %scan3A_3 = arith.constant 1 : i32
    scf.for %scan3A_38 = %scan3A_0 to %scan3A_2 step %scan3A_3  : i32 {
      %broadcast_in_dim3A = arith.constant 0.000000e+00 : f32
      %broadcast_in_dim3A_39 = vector.broadcast %broadcast_in_dim3A : f32 to vector<16xf32>
      %swap3A = arith.index_cast %scan3A_38 : i32 to index
      %swap3A_40 = arith.constant 0 : index
      %swap3A_41 = tpu.vector_load %arg10[%swap3A, %swap3A_40] {strides = array<i32>} : memref<64x128xf32, #tpu.memory_space<vmem>>, vector<1x16xf32>,
      %swap3A_42 = vector.shape_cast %swap3A_41 : vector<1x16xf32> to vector<16xf32>
      %swap3A_43 = vector.shape_cast %broadcast_in_dim3A_39 : vector<16xf32> to vector<1x16xf32>
      tpu.vector_store %arg10[%swap3A, %swap3A_40], %swap3A_43 {strides = array<i32>} : memref<64x128xf32, #tpu.memory_space<vmem>>, vector<1x16xf32>,
      %broadcast_in_dim3A_44 = arith.constant 0.000000e+00 : f32
      %broadcast_in_dim3A_45 = vector.broadcast %broadcast_in_dim3A_44 : f32 to vector<16xf32>
      %swap3A_46 = arith.index_cast %scan3A_38 : i32 to index
      %swap3A_47 = arith.constant 16 : index
      %swap3A_48 = tpu.vector_load %arg10[%swap3A_46, %swap3A_47] {strides = array<i32>} : memref<64x128xf32, #tpu.memory_space<vmem>>, vector<1x16xf32>,
      %swap3A_49 = vector.shape_cast %swap3A_48 : vector<1x16xf32> to vector<16xf32>
      %swap3A_50 = vector.shape_cast %broadcast_in_dim3A_45 : vector<16xf32> to vector<1x16xf32>
      tpu.vector_store %arg10[%swap3A_46, %swap3A_47], %swap3A_50 {strides = array<i32>} : memref<64x128xf32, #tpu.memory_space<vmem>>, vector<1x16xf32>,
      %broadcast_in_dim3A_51 = arith.constant 0.000000e+00 : f32
      %broadcast_in_dim3A_52 = vector.broadcast %broadcast_in_dim3A_51 : f32 to vector<16xf32>
      %swap3A_53 = arith.index_cast %scan3A_38 : i32 to index
      %swap3A_54 = arith.constant 32 : index
      %swap3A_55 = tpu.vector_load %arg10[%swap3A_53, %swap3A_54] {strides = array<i32>} : memref<64x128xf32, #tpu.memory_space<vmem>>, vector<1x16xf32>,
      %swap3A_56 = vector.shape_cast %swap3A_55 : vector<1x16xf32> to vector<16xf32>
      %swap3A_57 = vector.shape_cast %broadcast_in_dim3A_52 : vector<16xf32> to vector<1x16xf32>
      tpu.vector_store %arg10[%swap3A_53, %swap3A_54], %swap3A_57 {strides = array<i32>} : memref<64x128xf32, #tpu.memory_space<vmem>>, vector<1x16xf32>,
      %broadcast_in_dim3A_58 = arith.constant 0.000000e+00 : f32
      %broadcast_in_dim3A_59 = vector.broadcast %broadcast_in_dim3A_58 : f32 to vector<16xf32>
      %swap3A_60 = arith.index_cast %scan3A_38 : i32 to index
      %swap3A_61 = arith.constant 48 : index
      %swap3A_62 = tpu.vector_load %arg10[%swap3A_60, %swap3A_61] {strides = array<i32>} : memref<64x128xf32, #tpu.memory_space<vmem>>, vector<1x16xf32>,
      %swap3A_63 = vector.shape_cast %swap3A_62 : vector<1x16xf32> to vector<16xf32>
      %swap3A_64 = vector.shape_cast %broadcast_in_dim3A_59 : vector<16xf32> to vector<1x16xf32>
      tpu.vector_store %arg10[%swap3A_60, %swap3A_61], %swap3A_64 {strides = array<i32>} : memref<64x128xf32, #tpu.memory_space<vmem>>, vector<1x16xf32>,
      %broadcast_in_dim3A_65 = arith.constant 0.000000e+00 : f32
      %broadcast_in_dim3A_66 = vector.broadcast %broadcast_in_dim3A_65 : f32 to vector<16xf32>
      %swap3A_67 = arith.index_cast %scan3A_38 : i32 to index
      %swap3A_68 = arith.constant 64 : index
      %swap3A_69 = tpu.vector_load %arg10[%swap3A_67, %swap3A_68] {strides = array<i32>} : memref<64x128xf32, #tpu.memory_space<vmem>>, vector<1x16xf32>,
      %swap3A_70 = vector.shape_cast %swap3A_69 : vector<1x16xf32> to vector<16xf32>
      %swap3A_71 = vector.shape_cast %broadcast_in_dim3A_66 : vector<16xf32> to vector<1x16xf32>
      tpu.vector_store %arg10[%swap3A_67, %swap3A_68], %swap3A_71 {strides = array<i32>} : memref<64x128xf32, #tpu.memory_space<vmem>>, vector<1x16xf32>,
      %broadcast_in_dim3A_72 = arith.constant 0.000000e+00 : f32
      %broadcast_in_dim3A_73 = vector.broadcast %broadcast_in_dim3A_72 : f32 to vector<16xf32>
      %swap3A_74 = arith.index_cast %scan3A_38 : i32 to index
      %swap3A_75 = arith.constant 80 : index
      %swap3A_76 = tpu.vector_load %arg10[%swap3A_74, %swap3A_75] {strides = array<i32>} : memref<64x128xf32, #tpu.memory_space<vmem>>, vector<1x16xf32>,
      %swap3A_77 = vector.shape_cast %swap3A_76 : vector<1x16xf32> to vector<16xf32>
      %swap3A_78 = vector.shape_cast %broadcast_in_dim3A_73 : vector<16xf32> to vector<1x16xf32>
      tpu.vector_store %arg10[%swap3A_74, %swap3A_75], %swap3A_78 {strides = array<i32>} : memref<64x128xf32, #tpu.memory_space<vmem>>, vector<1x16xf32>,
      %broadcast_in_dim3A_79 = arith.constant 0.000000e+00 : f32
      %broadcast_in_dim3A_80 = vector.broadcast %broadcast_in_dim3A_79 : f32 to vector<16xf32>
      %swap3A_81 = arith.index_cast %scan3A_38 : i32 to index
      %swap3A_82 = arith.constant 96 : index
      %swap3A_83 = tpu.vector_load %arg10[%swap3A_81, %swap3A_82] {strides = array<i32>} : memref<64x128xf32, #tpu.memory_space<vmem>>, vector<1x16xf32>,
      %swap3A_84 = vector.shape_cast %swap3A_83 : vector<1x16xf32> to vector<16xf32>
      %swap3A_85 = vector.shape_cast %broadcast_in_dim3A_80 : vector<16xf32> to vector<1x16xf32>
      tpu.vector_store %arg10[%swap3A_81, %swap3A_82], %swap3A_85 {strides = array<i32>} : memref<64x128xf32, #tpu.memory_space<vmem>>, vector<1x16xf32>,
      %broadcast_in_dim3A_86 = arith.constant 0.000000e+00 : f32
      %broadcast_in_dim3A_87 = vector.broadcast %broadcast_in_dim3A_86 : f32 to vector<16xf32>
      %swap3A_88 = arith.index_cast %scan3A_38 : i32 to index
      %swap3A_89 = arith.constant 112 : index
      %swap3A_90 = tpu.vector_load %arg10[%swap3A_88, %swap3A_89] {strides = array<i32>} : memref<64x128xf32, #tpu.memory_space<vmem>>, vector<1x16xf32>,
      %swap3A_91 = vector.shape_cast %swap3A_90 : vector<1x16xf32> to vector<16xf32>
      %swap3A_92 = vector.shape_cast %broadcast_in_dim3A_87 : vector<16xf32> to vector<1x16xf32>
      tpu.vector_store %arg10[%swap3A_88, %swap3A_89], %swap3A_92 {strides = array<i32>} : memref<64x128xf32, #tpu.memory_space<vmem>>, vector<1x16xf32>,
    }
    %scan3A_4 = arith.constant 64 : i32
    %scan3A_5 = arith.constant 0 : i32
    %scan3A_6 = arith.constant 0 : i32
    %scan3A_7 = arith.constant 10 : i32
    %scan3A_8 = arith.addi %scan3A_6, %scan3A_7 : i32
    %scan3A_9 = arith.constant 1 : i32
    scf.for %scan3A_38 = %scan3A_6 to %scan3A_8 step %scan3A_9  : i32 {
      %mul3A_39 = arith.constant 640 : i32
      %mul3A_40 = arith.muli %arg1, %mul3A_39 : i32
      %mul3A_41 = arith.constant 64 : i32
      %mul3A_42 = arith.muli %scan3A_38, %mul3A_41 : i32
      %add3A_43 = arith.addi %mul3A_40, %mul3A_42 : i32
      "tpu.region"() ({
        %run_scoped3A = tpu.sem_alloc : memref<!tpu.dma_semaphore, #tpu.memory_space<semaphore_mem>>
        %dma_start3A = arith.constant 0 : i32
        %dma_start3A_44 = tpu.memref_slice %arg12[%add3A_43, %dma_start3A] : memref<10240x128xf32, #tpu.memory_space<vmem_shared>> -> memref<64x128xf32, #tpu.memory_space<vmem_shared>>
        %dma_start3A_45 = arith.constant 0 : i32
        %dma_start3A_46 = tpu.memref_slice %arg12[%add3A_43, %dma_start3A_45] : memref<10240x128xf32, #tpu.memory_space<vmem_shared>> -> memref<64x128xf32, #tpu.memory_space<vmem_shared>>
        tpu.enqueue_dma source(%arg10 : memref<64x128xf32, #tpu.memory_space<vmem>>) target(%dma_start3A_46 : memref<64x128xf32, #tpu.memory_space<vmem_shared>>) target_semaphore(%run_scoped3A : memref<!tpu.dma_semaphore, #tpu.memory_space<semaphore_mem>>)
        %dma_wait3A = arith.constant 0 : i32
        %dma_wait3A_47 = tpu.memref_slice %arg12[%add3A_43, %dma_wait3A] : memref<10240x128xf32, #tpu.memory_space<vmem_shared>> -> memref<64x128xf32, #tpu.memory_space<vmem_shared>>
        %dma_wait3A_48 = arith.constant 0 : i32
        %dma_wait3A_49 = tpu.memref_slice %arg12[%add3A_43, %dma_wait3A_48] : memref<10240x128xf32, #tpu.memory_space<vmem_shared>> -> memref<64x128xf32, #tpu.memory_space<vmem_shared>>
        tpu.wait_dma2 semaphore(%run_scoped3A : memref<!tpu.dma_semaphore, #tpu.memory_space<semaphore_mem>>) src(%arg10 : memref<64x128xf32, #tpu.memory_space<vmem>>) dst(%dma_wait3A_49 : memref<64x128xf32, #tpu.memory_space<vmem_shared>>)
        tpu.yield
      }) : () -> ()
    }
    %scan3A_10 = arith.constant 10 : i32
    %barrier3A = arith.constant 0 : index
    tpu.barrier barrier_id(%barrier3A)
    %eq3A = arith.constant 0 : i32
    %eq3A_11 = arith.cmpi eq, %arg0, %eq3A : i32
    %mul3A = arith.constant 80 : i32
    %mul3A_12 = arith.muli %arg1, %mul3A : i32
    %mul3A_13 = arith.constant 80 : i32
    %mul3A_14 = arith.muli %arg1, %mul3A_13 : i32
    %add3A = arith.constant 1280 : i32
    %add3A_15 = arith.addi %add3A, %mul3A_14 : i32
    %select_n3A = arith.select %eq3A_11, %mul3A_12, %add3A_15 : i32
    %eq3A_16 = arith.constant 0 : i32
    %eq3A_17 = arith.cmpi eq, %arg0, %eq3A_16 : i32
    %jit3A = arith.constant 2 : i32
    %jit3A_18 = arith.constant 2 : i32
    %select_n3A_19 = arith.select %eq3A_17, %jit3A, %jit3A_18 : i32
    %while3A = arith.constant 0 : i32
    %while3A_20 = arith.constant 0 : i32
    %while3A_21 = arith.subi %select_n3A_19, %while3A_20 : i32
    %while3A_22 = arith.addi %while3A_20, %while3A_21 : i32
    %while3A_23 = arith.constant 1 : i32
    %while3A_24 = arith.divsi %while3A_21, %while3A_23 : i32
    %while3A_25 = arith.muli %while3A_24, %while3A_23 : i32
    %while3A_26 = arith.addi %while3A_20, %while3A_25 : i32
    %while3A_27 = arith.constant 1 : i32
    scf.for %while3A_38 = %while3A_20 to %while3A_26 step %while3A_27  : i32 {
      %mul3A_39 = arith.constant 40 : i32
      %mul3A_40 = arith.muli %while3A_38, %mul3A_39 : i32
      %add3A_41 = arith.addi %select_n3A, %mul3A_40 : i32
      "tpu.region"() ({
        %run_scoped3A = tpu.sem_alloc : memref<!tpu.dma_semaphore, #tpu.memory_space<semaphore_mem>>
        %dma_start3A = arith.constant 0 : i32
        %dma_start3A_48 = tpu.memref_slice %arg3[%add3A_41, %dma_start3A] : memref<2560x128xi32, #tpu.memory_space<hbm>> -> memref<40x128xi32, #tpu.memory_space<hbm>>
        %dma_start3A_49 = arith.constant 0 : i32
        %dma_start3A_50 = tpu.memref_slice %arg3[%add3A_41, %dma_start3A_49] : memref<2560x128xi32, #tpu.memory_space<hbm>> -> memref<40x128xi32, #tpu.memory_space<hbm>>
        tpu.enqueue_dma source(%dma_start3A_50 : memref<40x128xi32, #tpu.memory_space<hbm>>) target(%arg7 : memref<40x128xi32, #tpu.memory_space<vmem>>) target_semaphore(%run_scoped3A : memref<!tpu.dma_semaphore, #tpu.memory_space<semaphore_mem>>)
        %dma_wait3A = arith.constant 0 : i32
        %dma_wait3A_51 = tpu.memref_slice %arg3[%add3A_41, %dma_wait3A] : memref<2560x128xi32, #tpu.memory_space<hbm>> -> memref<40x128xi32, #tpu.memory_space<hbm>>
        %dma_wait3A_52 = arith.constant 0 : i32
        %dma_wait3A_53 = tpu.memref_slice %arg3[%add3A_41, %dma_wait3A_52] : memref<2560x128xi32, #tpu.memory_space<hbm>> -> memref<40x128xi32, #tpu.memory_space<hbm>>
        tpu.wait_dma2 semaphore(%run_scoped3A : memref<!tpu.dma_semaphore, #tpu.memory_space<semaphore_mem>>) src(%dma_wait3A_53 : memref<40x128xi32, #tpu.memory_space<hbm>>) dst(%arg7 : memref<40x128xi32, #tpu.memory_space<vmem>>)
        tpu.yield
      }) : () -> ()
      "tpu.region"() ({
        %run_scoped3A = tpu.sem_alloc : memref<!tpu.dma_semaphore, #tpu.memory_space<semaphore_mem>>
        %dma_start3A = arith.constant 0 : i32
        %dma_start3A_48 = tpu.memref_slice %arg4[%add3A_41, %dma_start3A] : memref<2560x128xi32, #tpu.memory_space<hbm>> -> memref<40x128xi32, #tpu.memory_space<hbm>>
        %dma_start3A_49 = arith.constant 0 : i32
        %dma_start3A_50 = tpu.memref_slice %arg4[%add3A_41, %dma_start3A_49] : memref<2560x128xi32, #tpu.memory_space<hbm>> -> memref<40x128xi32, #tpu.memory_space<hbm>>
        tpu.enqueue_dma source(%dma_start3A_50 : memref<40x128xi32, #tpu.memory_space<hbm>>) target(%arg8 : memref<40x128xi32, #tpu.memory_space<vmem>>) target_semaphore(%run_scoped3A : memref<!tpu.dma_semaphore, #tpu.memory_space<semaphore_mem>>)
        %dma_wait3A = arith.constant 0 : i32
        %dma_wait3A_51 = tpu.memref_slice %arg4[%add3A_41, %dma_wait3A] : memref<2560x128xi32, #tpu.memory_space<hbm>> -> memref<40x128xi32, #tpu.memory_space<hbm>>
        %dma_wait3A_52 = arith.constant 0 : i32
        %dma_wait3A_53 = tpu.memref_slice %arg4[%add3A_41, %dma_wait3A_52] : memref<2560x128xi32, #tpu.memory_space<hbm>> -> memref<40x128xi32, #tpu.memory_space<hbm>>
        tpu.wait_dma2 semaphore(%run_scoped3A : memref<!tpu.dma_semaphore, #tpu.memory_space<semaphore_mem>>) src(%dma_wait3A_53 : memref<40x128xi32, #tpu.memory_space<hbm>>) dst(%arg8 : memref<40x128xi32, #tpu.memory_space<vmem>>)
        tpu.yield
      }) : () -> ()
      %scan3A_42 = arith.constant 0 : i32
      %scan3A_43 = arith.constant 0 : i32
      %scan3A_44 = arith.constant 40 : i32
      %scan3A_45 = arith.addi %scan3A_43, %scan3A_44 : i32
      %scan3A_46 = arith.constant 1 : i32
      scf.for %scan3A_48 = %scan3A_43 to %scan3A_45 step %scan3A_46  : i32 {
        %dma_start3A = arith.constant 0 : i32
        %dma_start3A_49 = tpu.memref_slice %arg7[%scan3A_48, %dma_start3A] : memref<40x128xi32, #tpu.memory_space<vmem>> -> memref<1x128xi32, #tpu.memory_space<vmem>>
        %dma_start3A_50 = tpu.memref_squeeze %dma_start3A_49 : memref<1x128xi32, #tpu.memory_space<vmem>> -> memref<128xi32, #tpu.memory_space<vmem>>
        %dma_start3A_51 = arith.constant 0 : i32
        %dma_start3A_52 = arith.constant 0 : i32
        %dma_start3A_53 = tpu.memref_slice %arg2[%dma_start3A_51, %dma_start3A_52] : memref<10000x128xf32, #tpu.memory_space<hbm>> -> memref<10000x128xf32, #tpu.memory_space<hbm>>
        tpu.enqueue_indirect_dma source(%dma_start3A_53 : memref<10000x128xf32, #tpu.memory_space<hbm>>) target(%arg9 : memref<128x128xf32, #tpu.memory_space<vmem>>) offsets(%dma_start3A_50 : memref<128xi32, #tpu.memory_space<vmem>>) semaphore(%arg11 : memref<!tpu.dma_semaphore, #tpu.memory_space<semaphore_mem>>)
        %dma_wait3A = arith.constant 0 : i32
        %dma_wait3A_54 = tpu.memref_slice %arg7[%scan3A_48, %dma_wait3A] : memref<40x128xi32, #tpu.memory_space<vmem>> -> memref<1x128xi32, #tpu.memory_space<vmem>>
        %dma_wait3A_55 = tpu.memref_squeeze %dma_wait3A_54 : memref<1x128xi32, #tpu.memory_space<vmem>> -> memref<128xi32, #tpu.memory_space<vmem>>
        %dma_wait3A_56 = arith.constant 0 : i32
        %dma_wait3A_57 = arith.constant 0 : i32
        %dma_wait3A_58 = tpu.memref_slice %arg2[%dma_wait3A_56, %dma_wait3A_57] : memref<10000x128xf32, #tpu.memory_space<hbm>> -> memref<10000x128xf32, #tpu.memory_space<hbm>>
        tpu.wait_indirect_dma semaphore(%arg11 : memref<!tpu.dma_semaphore, #tpu.memory_space<semaphore_mem>>) src(%dma_wait3A_58 : memref<10000x128xf32, #tpu.memory_space<hbm>>) dst(%arg9 : memref<128x128xf32, #tpu.memory_space<vmem>>)
        "tpu.region"() ({
          %run_scoped3A = tpu.sem_alloc : memref<!tpu.dma_semaphore, #tpu.memory_space<semaphore_mem>>
          %dma_start3A_59 = arith.constant 0 : i32
          %dma_start3A_60 = tpu.memref_slice %arg8[%scan3A_48, %dma_start3A_59] : memref<40x128xi32, #tpu.memory_space<vmem>> -> memref<1x128xi32, #tpu.memory_space<vmem>>
          %dma_start3A_61 = tpu.memref_squeeze %dma_start3A_60 : memref<1x128xi32, #tpu.memory_space<vmem>> -> memref<128xi32, #tpu.memory_space<vmem>>
          %dma_start3A_62 = arith.constant 0 : i32
          %dma_start3A_63 = arith.constant 0 : i32
          %dma_start3A_64 = tpu.memref_slice %arg12[%dma_start3A_62, %dma_start3A_63] : memref<10240x128xf32, #tpu.memory_space<vmem_shared>> -> memref<10240x128xf32, #tpu.memory_space<vmem_shared>>
          tpu.enqueue_indirect_dma source(%arg9 : memref<128x128xf32, #tpu.memory_space<vmem>>) target(%dma_start3A_64 : memref<10240x128xf32, #tpu.memory_space<vmem_shared>>) offsets(%dma_start3A_61 : memref<128xi32, #tpu.memory_space<vmem>>) semaphore(%run_scoped3A : memref<!tpu.dma_semaphore, #tpu.memory_space<semaphore_mem>>) {add = true}
          %dma_wait3A_65 = arith.constant 0 : i32
          %dma_wait3A_66 = tpu.memref_slice %arg8[%scan3A_48, %dma_wait3A_65] : memref<40x128xi32, #tpu.memory_space<vmem>> -> memref<1x128xi32, #tpu.memory_space<vmem>>
          %dma_wait3A_67 = tpu.memref_squeeze %dma_wait3A_66 : memref<1x128xi32, #tpu.memory_space<vmem>> -> memref<128xi32, #tpu.memory_space<vmem>>
          %dma_wait3A_68 = arith.constant 0 : i32
          %dma_wait3A_69 = arith.constant 0 : i32
          %dma_wait3A_70 = tpu.memref_slice %arg12[%dma_wait3A_68, %dma_wait3A_69] : memref<10240x128xf32, #tpu.memory_space<vmem_shared>> -> memref<10240x128xf32, #tpu.memory_space<vmem_shared>>
          tpu.wait_indirect_dma semaphore(%run_scoped3A : memref<!tpu.dma_semaphore, #tpu.memory_space<semaphore_mem>>) src(%arg9 : memref<128x128xf32, #tpu.memory_space<vmem>>) dst(%dma_wait3A_70 : memref<10240x128xf32, #tpu.memory_space<vmem_shared>>)
          tpu.yield
        }) : () -> ()
      }
      %scan3A_47 = arith.constant 40 : i32
    }
    %while3A_28 = arith.constant 1 : i32
    scf.for %while3A_38 = %while3A_26 to %while3A_22 step %while3A_28  : i32 {
      %mul3A_39 = arith.constant 40 : i32
      %mul3A_40 = arith.muli %while3A_38, %mul3A_39 : i32
      %add3A_41 = arith.addi %select_n3A, %mul3A_40 : i32
      "tpu.region"() ({
        %run_scoped3A = tpu.sem_alloc : memref<!tpu.dma_semaphore, #tpu.memory_space<semaphore_mem>>
        %dma_start3A = arith.constant 0 : i32
        %dma_start3A_48 = tpu.memref_slice %arg3[%add3A_41, %dma_start3A] : memref<2560x128xi32, #tpu.memory_space<hbm>> -> memref<40x128xi32, #tpu.memory_space<hbm>>
        %dma_start3A_49 = arith.constant 0 : i32
        %dma_start3A_50 = tpu.memref_slice %arg3[%add3A_41, %dma_start3A_49] : memref<2560x128xi32, #tpu.memory_space<hbm>> -> memref<40x128xi32, #tpu.memory_space<hbm>>
        tpu.enqueue_dma source(%dma_start3A_50 : memref<40x128xi32, #tpu.memory_space<hbm>>) target(%arg7 : memref<40x128xi32, #tpu.memory_space<vmem>>) target_semaphore(%run_scoped3A : memref<!tpu.dma_semaphore, #tpu.memory_space<semaphore_mem>>)
        %dma_wait3A = arith.constant 0 : i32
        %dma_wait3A_51 = tpu.memref_slice %arg3[%add3A_41, %dma_wait3A] : memref<2560x128xi32, #tpu.memory_space<hbm>> -> memref<40x128xi32, #tpu.memory_space<hbm>>
        %dma_wait3A_52 = arith.constant 0 : i32
        %dma_wait3A_53 = tpu.memref_slice %arg3[%add3A_41, %dma_wait3A_52] : memref<2560x128xi32, #tpu.memory_space<hbm>> -> memref<40x128xi32, #tpu.memory_space<hbm>>
        tpu.wait_dma2 semaphore(%run_scoped3A : memref<!tpu.dma_semaphore, #tpu.memory_space<semaphore_mem>>) src(%dma_wait3A_53 : memref<40x128xi32, #tpu.memory_space<hbm>>) dst(%arg7 : memref<40x128xi32, #tpu.memory_space<vmem>>)
        tpu.yield
      }) : () -> ()
      "tpu.region"() ({
        %run_scoped3A = tpu.sem_alloc : memref<!tpu.dma_semaphore, #tpu.memory_space<semaphore_mem>>
        %dma_start3A = arith.constant 0 : i32
        %dma_start3A_48 = tpu.memref_slice %arg4[%add3A_41, %dma_start3A] : memref<2560x128xi32, #tpu.memory_space<hbm>> -> memref<40x128xi32, #tpu.memory_space<hbm>>
        %dma_start3A_49 = arith.constant 0 : i32
        %dma_start3A_50 = tpu.memref_slice %arg4[%add3A_41, %dma_start3A_49] : memref<2560x128xi32, #tpu.memory_space<hbm>> -> memref<40x128xi32, #tpu.memory_space<hbm>>
        tpu.enqueue_dma source(%dma_start3A_50 : memref<40x128xi32, #tpu.memory_space<hbm>>) target(%arg8 : memref<40x128xi32, #tpu.memory_space<vmem>>) target_semaphore(%run_scoped3A : memref<!tpu.dma_semaphore, #tpu.memory_space<semaphore_mem>>)
        %dma_wait3A = arith.constant 0 : i32
        %dma_wait3A_51 = tpu.memref_slice %arg4[%add3A_41, %dma_wait3A] : memref<2560x128xi32, #tpu.memory_space<hbm>> -> memref<40x128xi32, #tpu.memory_space<hbm>>
        %dma_wait3A_52 = arith.constant 0 : i32
        %dma_wait3A_53 = tpu.memref_slice %arg4[%add3A_41, %dma_wait3A_52] : memref<2560x128xi32, #tpu.memory_space<hbm>> -> memref<40x128xi32, #tpu.memory_space<hbm>>
        tpu.wait_dma2 semaphore(%run_scoped3A : memref<!tpu.dma_semaphore, #tpu.memory_space<semaphore_mem>>) src(%dma_wait3A_53 : memref<40x128xi32, #tpu.memory_space<hbm>>) dst(%arg8 : memref<40x128xi32, #tpu.memory_space<vmem>>)
        tpu.yield
      }) : () -> ()
      %scan3A_42 = arith.constant 0 : i32
      %scan3A_43 = arith.constant 0 : i32
      %scan3A_44 = arith.constant 40 : i32
      %scan3A_45 = arith.addi %scan3A_43, %scan3A_44 : i32
      %scan3A_46 = arith.constant 1 : i32
      scf.for %scan3A_48 = %scan3A_43 to %scan3A_45 step %scan3A_46  : i32 {
        %dma_start3A = arith.constant 0 : i32
        %dma_start3A_49 = tpu.memref_slice %arg7[%scan3A_48, %dma_start3A] : memref<40x128xi32, #tpu.memory_space<vmem>> -> memref<1x128xi32, #tpu.memory_space<vmem>>
        %dma_start3A_50 = tpu.memref_squeeze %dma_start3A_49 : memref<1x128xi32, #tpu.memory_space<vmem>> -> memref<128xi32, #tpu.memory_space<vmem>>
        %dma_start3A_51 = arith.constant 0 : i32
        %dma_start3A_52 = arith.constant 0 : i32
        %dma_start3A_53 = tpu.memref_slice %arg2[%dma_start3A_51, %dma_start3A_52] : memref<10000x128xf32, #tpu.memory_space<hbm>> -> memref<10000x128xf32, #tpu.memory_space<hbm>>
        tpu.enqueue_indirect_dma source(%dma_start3A_53 : memref<10000x128xf32, #tpu.memory_space<hbm>>) target(%arg9 : memref<128x128xf32, #tpu.memory_space<vmem>>) offsets(%dma_start3A_50 : memref<128xi32, #tpu.memory_space<vmem>>) semaphore(%arg11 : memref<!tpu.dma_semaphore, #tpu.memory_space<semaphore_mem>>)
        %dma_wait3A = arith.constant 0 : i32
        %dma_wait3A_54 = tpu.memref_slice %arg7[%scan3A_48, %dma_wait3A] : memref<40x128xi32, #tpu.memory_space<vmem>> -> memref<1x128xi32, #tpu.memory_space<vmem>>
        %dma_wait3A_55 = tpu.memref_squeeze %dma_wait3A_54 : memref<1x128xi32, #tpu.memory_space<vmem>> -> memref<128xi32, #tpu.memory_space<vmem>>
        %dma_wait3A_56 = arith.constant 0 : i32
        %dma_wait3A_57 = arith.constant 0 : i32
        %dma_wait3A_58 = tpu.memref_slice %arg2[%dma_wait3A_56, %dma_wait3A_57] : memref<10000x128xf32, #tpu.memory_space<hbm>> -> memref<10000x128xf32, #tpu.memory_space<hbm>>
        tpu.wait_indirect_dma semaphore(%arg11 : memref<!tpu.dma_semaphore, #tpu.memory_space<semaphore_mem>>) src(%dma_wait3A_58 : memref<10000x128xf32, #tpu.memory_space<hbm>>) dst(%arg9 : memref<128x128xf32, #tpu.memory_space<vmem>>)
        "tpu.region"() ({
          %run_scoped3A = tpu.sem_alloc : memref<!tpu.dma_semaphore, #tpu.memory_space<semaphore_mem>>
          %dma_start3A_59 = arith.constant 0 : i32
          %dma_start3A_60 = tpu.memref_slice %arg8[%scan3A_48, %dma_start3A_59] : memref<40x128xi32, #tpu.memory_space<vmem>> -> memref<1x128xi32, #tpu.memory_space<vmem>>
          %dma_start3A_61 = tpu.memref_squeeze %dma_start3A_60 : memref<1x128xi32, #tpu.memory_space<vmem>> -> memref<128xi32, #tpu.memory_space<vmem>>
          %dma_start3A_62 = arith.constant 0 : i32
          %dma_start3A_63 = arith.constant 0 : i32
          %dma_start3A_64 = tpu.memref_slice %arg12[%dma_start3A_62, %dma_start3A_63] : memref<10240x128xf32, #tpu.memory_space<vmem_shared>> -> memref<10240x128xf32, #tpu.memory_space<vmem_shared>>
          tpu.enqueue_indirect_dma source(%arg9 : memref<128x128xf32, #tpu.memory_space<vmem>>) target(%dma_start3A_64 : memref<10240x128xf32, #tpu.memory_space<vmem_shared>>) offsets(%dma_start3A_61 : memref<128xi32, #tpu.memory_space<vmem>>) semaphore(%run_scoped3A : memref<!tpu.dma_semaphore, #tpu.memory_space<semaphore_mem>>) {add = true}
          %dma_wait3A_65 = arith.constant 0 : i32
          %dma_wait3A_66 = tpu.memref_slice %arg8[%scan3A_48, %dma_wait3A_65] : memref<40x128xi32, #tpu.memory_space<vmem>> -> memref<1x128xi32, #tpu.memory_space<vmem>>
          %dma_wait3A_67 = tpu.memref_squeeze %dma_wait3A_66 : memref<1x128xi32, #tpu.memory_space<vmem>> -> memref<128xi32, #tpu.memory_space<vmem>>
          %dma_wait3A_68 = arith.constant 0 : i32
          %dma_wait3A_69 = arith.constant 0 : i32
          %dma_wait3A_70 = tpu.memref_slice %arg12[%dma_wait3A_68, %dma_wait3A_69] : memref<10240x128xf32, #tpu.memory_space<vmem_shared>> -> memref<10240x128xf32, #tpu.memory_space<vmem_shared>>
          tpu.wait_indirect_dma semaphore(%run_scoped3A : memref<!tpu.dma_semaphore, #tpu.memory_space<semaphore_mem>>) src(%arg9 : memref<128x128xf32, #tpu.memory_space<vmem>>) dst(%dma_wait3A_70 : memref<10240x128xf32, #tpu.memory_space<vmem_shared>>)
          tpu.yield
        }) : () -> ()
      }
      %scan3A_47 = arith.constant 40 : i32
    }
    %barrier3A_29 = arith.constant 0 : index
    tpu.barrier barrier_id(%barrier3A_29)
    %eq3A_30 = arith.constant 0 : i32
    %eq3A_31 = arith.cmpi eq, %arg0, %eq3A_30 : i32
    %convert_element_type3A = arith.extui %eq3A_31 : i1 to i32
    %cond3A = arith.constant 0 : i32
    %cond3A_32 = arith.cmpi ne, %convert_element_type3A, %cond3A : i32
    scf.if %cond3A_32 {
      %mul3A_38 = arith.constant 640 : i32
      %mul3A_39 = arith.muli %arg1, %mul3A_38 : i32
      %mul3A_40 = arith.constant 640 : i32
      %mul3A_41 = arith.muli %arg1, %mul3A_40 : i32
      "tpu.region"() ({
        %run_scoped3A = tpu.sem_alloc : memref<!tpu.dma_semaphore, #tpu.memory_space<semaphore_mem>>
        %dma_start3A = arith.constant 0 : i32
        %dma_start3A_42 = tpu.memref_slice %arg5[%mul3A_41, %dma_start3A] : memref<10240x128xf32, #tpu.memory_space<hbm>> -> memref<640x128xf32, #tpu.memory_space<hbm>>
        %dma_start3A_43 = arith.constant 0 : i32
        %dma_start3A_44 = tpu.memref_slice %arg12[%mul3A_39, %dma_start3A_43] : memref<10240x128xf32, #tpu.memory_space<vmem_shared>> -> memref<640x128xf32, #tpu.memory_space<vmem_shared>>
        tpu.enqueue_dma source(%dma_start3A_44 : memref<640x128xf32, #tpu.memory_space<vmem_shared>>) target(%dma_start3A_42 : memref<640x128xf32, #tpu.memory_space<hbm>>) target_semaphore(%run_scoped3A : memref<!tpu.dma_semaphore, #tpu.memory_space<semaphore_mem>>)
        %dma_wait3A = arith.constant 0 : i32
        %dma_wait3A_45 = tpu.memref_slice %arg5[%mul3A_41, %dma_wait3A] : memref<10240x128xf32, #tpu.memory_space<hbm>> -> memref<640x128xf32, #tpu.memory_space<hbm>>
        %dma_wait3A_46 = arith.constant 0 : i32
        %dma_wait3A_47 = tpu.memref_slice %arg12[%mul3A_39, %dma_wait3A_46] : memref<10240x128xf32, #tpu.memory_space<vmem_shared>> -> memref<640x128xf32, #tpu.memory_space<vmem_shared>>
        tpu.wait_dma2 semaphore(%run_scoped3A : memref<!tpu.dma_semaphore, #tpu.memory_space<semaphore_mem>>) src(%dma_wait3A_47 : memref<640x128xf32, #tpu.memory_space<vmem_shared>>) dst(%dma_wait3A_45 : memref<640x128xf32, #tpu.memory_space<hbm>>)
        tpu.yield
      }) : () -> ()
    } else {
    }
    %eq3A_33 = arith.constant 1 : i32
    %eq3A_34 = arith.cmpi eq, %arg0, %eq3A_33 : i32
    %convert_element_type3A_35 = arith.extui %eq3A_34 : i1 to i32
    %cond3A_36 = arith.constant 0 : i32
    %cond3A_37 = arith.cmpi ne, %convert_element_type3A_35, %cond3A_36 : i32
    scf.if %cond3A_37 {
      %mul3A_38 = arith.constant 640 : i32
      %mul3A_39 = arith.muli %arg1, %mul3A_38 : i32
      %mul3A_40 = arith.constant 640 : i32
      %mul3A_41 = arith.muli %arg1, %mul3A_40 : i32
      "tpu.region"() ({
        %run_scoped3A = tpu.sem_alloc : memref<!tpu.dma_semaphore, #tpu.memory_space<semaphore_mem>>
        %dma_start3A = arith.constant 0 : i32
        %dma_start3A_42 = tpu.memref_slice %arg6[%mul3A_41, %dma_start3A] : memref<10240x128xf32, #tpu.memory_space<hbm>> -> memref<640x128xf32, #tpu.memory_space<hbm>>
        %dma_start3A_43 = arith.constant 0 : i32
        %dma_start3A_44 = tpu.memref_slice %arg12[%mul3A_39, %dma_start3A_43] : memref<10240x128xf32, #tpu.memory_space<vmem_shared>> -> memref<640x128xf32, #tpu.memory_space<vmem_shared>>
        tpu.enqueue_dma source(%dma_start3A_44 : memref<640x128xf32, #tpu.memory_space<vmem_shared>>) target(%dma_start3A_42 : memref<640x128xf32, #tpu.memory_space<hbm>>) target_semaphore(%run_scoped3A : memref<!tpu.dma_semaphore, #tpu.memory_space<semaphore_mem>>)
        %dma_wait3A = arith.constant 0 : i32
        %dma_wait3A_45 = tpu.memref_slice %arg6[%mul3A_41, %dma_wait3A] : memref<10240x128xf32, #tpu.memory_space<hbm>> -> memref<640x128xf32, #tpu.memory_space<hbm>>
        %dma_wait3A_46 = arith.constant 0 : i32
        %dma_wait3A_47 = tpu.memref_slice %arg12[%mul3A_39, %dma_wait3A_46] : memref<10240x128xf32, #tpu.memory_space<vmem_shared>> -> memref<640x128xf32, #tpu.memory_space<vmem_shared>>
        tpu.wait_dma2 semaphore(%run_scoped3A : memref<!tpu.dma_semaphore, #tpu.memory_space<semaphore_mem>>) src(%dma_wait3A_47 : memref<640x128xf32, #tpu.memory_space<vmem_shared>>) dst(%dma_wait3A_45 : memref<640x128xf32, #tpu.memory_space<hbm>>)
        tpu.yield
      }) : () -> ()
    } else {
    }
    return
  }
}

#map = affine_map<(d0, d1) -> (0, 0)>
module attributes {stable_mosaic.version = 14 : i64} {
  func.func @scat_k(%arg0: i32, %arg1: i32, %arg2: memref<10000x128xf32, #tpu.memory_space<hbm>>, %arg3: memref<2560x128xi32, #tpu.memory_space<hbm>>, %arg4: memref<2560x128xi32, #tpu.memory_space<hbm>>, %arg5: memref<10240x128xf32, #tpu.memory_space<hbm>>, %arg6: memref<10240x128xf32, #tpu.memory_space<hbm>>, %arg7: memref<40x128xi32, #tpu.memory_space<vmem>>, %arg8: memref<40x128xi32, #tpu.memory_space<vmem>>, %arg9: memref<128x128xf32, #tpu.memory_space<vmem>>, %arg10: memref<64x128xf32, #tpu.memory_space<vmem>>, %arg11: memref<!tpu.dma_semaphore, #tpu.memory_space<semaphore_mem>>, %arg12: memref<10240x128xf32, #tpu.memory_space<vmem_shared>>) attributes {dimension_semantics = [#tpu.dimension_semantics<core_parallel>, #tpu.dimension_semantics<subcore_parallel>], iteration_bounds = array<i64: 2, 16>, scalar_prefetch = 0 : i64, scratch_operands = 6 : i64, tpu.core_type = #tpu.core_type<sc_vector_subcore>, window_params = [{transform_indices = #map}, {transform_indices = #map}, {transform_indices = #map}, {transform_indices = #map}, {transform_indices = #map}]} {
    %scan3A = arith.constant 0 : i32
    %scan3A_0 = arith.constant 0 : i32
    %scan3A_1 = arith.constant 64 : i32
    %scan3A_2 = arith.addi %scan3A_0, %scan3A_1 : i32
    %scan3A_3 = arith.constant 1 : i32
    scf.for %scan3A_38 = %scan3A_0 to %scan3A_2 step %scan3A_3  : i32 {
      %broadcast_in_dim3A = arith.constant 0.000000e+00 : f32
      %broadcast_in_dim3A_39 = vector.broadcast %broadcast_in_dim3A : f32 to vector<16xf32>
      %swap3A = arith.index_cast %scan3A_38 : i32 to index
      %swap3A_40 = arith.constant 0 : index
      %swap3A_41 = tpu.vector_load %arg10[%swap3A, %swap3A_40] {strides = array<i32>} : memref<64x128xf32, #tpu.memory_space<vmem>>, vector<1x16xf32>,
      %swap3A_42 = vector.shape_cast %swap3A_41 : vector<1x16xf32> to vector<16xf32>
      %swap3A_43 = vector.shape_cast %broadcast_in_dim3A_39 : vector<16xf32> to vector<1x16xf32>
      tpu.vector_store %arg10[%swap3A, %swap3A_40], %swap3A_43 {strides = array<i32>} : memref<64x128xf32, #tpu.memory_space<vmem>>, vector<1x16xf32>,
      %broadcast_in_dim3A_44 = arith.constant 0.000000e+00 : f32
      %broadcast_in_dim3A_45 = vector.broadcast %broadcast_in_dim3A_44 : f32 to vector<16xf32>
      %swap3A_46 = arith.index_cast %scan3A_38 : i32 to index
      %swap3A_47 = arith.constant 16 : index
      %swap3A_48 = tpu.vector_load %arg10[%swap3A_46, %swap3A_47] {strides = array<i32>} : memref<64x128xf32, #tpu.memory_space<vmem>>, vector<1x16xf32>,
      %swap3A_49 = vector.shape_cast %swap3A_48 : vector<1x16xf32> to vector<16xf32>
      %swap3A_50 = vector.shape_cast %broadcast_in_dim3A_45 : vector<16xf32> to vector<1x16xf32>
      tpu.vector_store %arg10[%swap3A_46, %swap3A_47], %swap3A_50 {strides = array<i32>} : memref<64x128xf32, #tpu.memory_space<vmem>>, vector<1x16xf32>,
      %broadcast_in_dim3A_51 = arith.constant 0.000000e+00 : f32
      %broadcast_in_dim3A_52 = vector.broadcast %broadcast_in_dim3A_51 : f32 to vector<16xf32>
      %swap3A_53 = arith.index_cast %scan3A_38 : i32 to index
      %swap3A_54 = arith.constant 32 : index
      %swap3A_55 = tpu.vector_load %arg10[%swap3A_53, %swap3A_54] {strides = array<i32>} : memref<64x128xf32, #tpu.memory_space<vmem>>, vector<1x16xf32>,
      %swap3A_56 = vector.shape_cast %swap3A_55 : vector<1x16xf32> to vector<16xf32>
      %swap3A_57 = vector.shape_cast %broadcast_in_dim3A_52 : vector<16xf32> to vector<1x16xf32>
      tpu.vector_store %arg10[%swap3A_53, %swap3A_54], %swap3A_57 {strides = array<i32>} : memref<64x128xf32, #tpu.memory_space<vmem>>, vector<1x16xf32>,
      %broadcast_in_dim3A_58 = arith.constant 0.000000e+00 : f32
      %broadcast_in_dim3A_59 = vector.broadcast %broadcast_in_dim3A_58 : f32 to vector<16xf32>
      %swap3A_60 = arith.index_cast %scan3A_38 : i32 to index
      %swap3A_61 = arith.constant 48 : index
      %swap3A_62 = tpu.vector_load %arg10[%swap3A_60, %swap3A_61] {strides = array<i32>} : memref<64x128xf32, #tpu.memory_space<vmem>>, vector<1x16xf32>,
      %swap3A_63 = vector.shape_cast %swap3A_62 : vector<1x16xf32> to vector<16xf32>
      %swap3A_64 = vector.shape_cast %broadcast_in_dim3A_59 : vector<16xf32> to vector<1x16xf32>
      tpu.vector_store %arg10[%swap3A_60, %swap3A_61], %swap3A_64 {strides = array<i32>} : memref<64x128xf32, #tpu.memory_space<vmem>>, vector<1x16xf32>,
      %broadcast_in_dim3A_65 = arith.constant 0.000000e+00 : f32
      %broadcast_in_dim3A_66 = vector.broadcast %broadcast_in_dim3A_65 : f32 to vector<16xf32>
      %swap3A_67 = arith.index_cast %scan3A_38 : i32 to index
      %swap3A_68 = arith.constant 64 : index
      %swap3A_69 = tpu.vector_load %arg10[%swap3A_67, %swap3A_68] {strides = array<i32>} : memref<64x128xf32, #tpu.memory_space<vmem>>, vector<1x16xf32>,
      %swap3A_70 = vector.shape_cast %swap3A_69 : vector<1x16xf32> to vector<16xf32>
      %swap3A_71 = vector.shape_cast %broadcast_in_dim3A_66 : vector<16xf32> to vector<1x16xf32>
      tpu.vector_store %arg10[%swap3A_67, %swap3A_68], %swap3A_71 {strides = array<i32>} : memref<64x128xf32, #tpu.memory_space<vmem>>, vector<1x16xf32>,
      %broadcast_in_dim3A_72 = arith.constant 0.000000e+00 : f32
      %broadcast_in_dim3A_73 = vector.broadcast %broadcast_in_dim3A_72 : f32 to vector<16xf32>
      %swap3A_74 = arith.index_cast %scan3A_38 : i32 to index
      %swap3A_75 = arith.constant 80 : index
      %swap3A_76 = tpu.vector_load %arg10[%swap3A_74, %swap3A_75] {strides = array<i32>} : memref<64x128xf32, #tpu.memory_space<vmem>>, vector<1x16xf32>,
      %swap3A_77 = vector.shape_cast %swap3A_76 : vector<1x16xf32> to vector<16xf32>
      %swap3A_78 = vector.shape_cast %broadcast_in_dim3A_73 : vector<16xf32> to vector<1x16xf32>
      tpu.vector_store %arg10[%swap3A_74, %swap3A_75], %swap3A_78 {strides = array<i32>} : memref<64x128xf32, #tpu.memory_space<vmem>>, vector<1x16xf32>,
      %broadcast_in_dim3A_79 = arith.constant 0.000000e+00 : f32
      %broadcast_in_dim3A_80 = vector.broadcast %broadcast_in_dim3A_79 : f32 to vector<16xf32>
      %swap3A_81 = arith.index_cast %scan3A_38 : i32 to index
      %swap3A_82 = arith.constant 96 : index
      %swap3A_83 = tpu.vector_load %arg10[%swap3A_81, %swap3A_82] {strides = array<i32>} : memref<64x128xf32, #tpu.memory_space<vmem>>, vector<1x16xf32>,
      %swap3A_84 = vector.shape_cast %swap3A_83 : vector<1x16xf32> to vector<16xf32>
      %swap3A_85 = vector.shape_cast %broadcast_in_dim3A_80 : vector<16xf32> to vector<1x16xf32>
      tpu.vector_store %arg10[%swap3A_81, %swap3A_82], %swap3A_85 {strides = array<i32>} : memref<64x128xf32, #tpu.memory_space<vmem>>, vector<1x16xf32>,
      %broadcast_in_dim3A_86 = arith.constant 0.000000e+00 : f32
      %broadcast_in_dim3A_87 = vector.broadcast %broadcast_in_dim3A_86 : f32 to vector<16xf32>
      %swap3A_88 = arith.index_cast %scan3A_38 : i32 to index
      %swap3A_89 = arith.constant 112 : index
      %swap3A_90 = tpu.vector_load %arg10[%swap3A_88, %swap3A_89] {strides = array<i32>} : memref<64x128xf32, #tpu.memory_space<vmem>>, vector<1x16xf32>,
      %swap3A_91 = vector.shape_cast %swap3A_90 : vector<1x16xf32> to vector<16xf32>
      %swap3A_92 = vector.shape_cast %broadcast_in_dim3A_87 : vector<16xf32> to vector<1x16xf32>
      tpu.vector_store %arg10[%swap3A_88, %swap3A_89], %swap3A_92 {strides = array<i32>} : memref<64x128xf32, #tpu.memory_space<vmem>>, vector<1x16xf32>,
    }
    %scan3A_4 = arith.constant 64 : i32
    %scan3A_5 = arith.constant 0 : i32
    %scan3A_6 = arith.constant 0 : i32
    %scan3A_7 = arith.constant 10 : i32
    %scan3A_8 = arith.addi %scan3A_6, %scan3A_7 : i32
    %scan3A_9 = arith.constant 1 : i32
    scf.for %scan3A_38 = %scan3A_6 to %scan3A_8 step %scan3A_9  : i32 {
      %mul3A_39 = arith.constant 640 : i32
      %mul3A_40 = arith.muli %arg1, %mul3A_39 : i32
      %mul3A_41 = arith.constant 64 : i32
      %mul3A_42 = arith.muli %scan3A_38, %mul3A_41 : i32
      %add3A_43 = arith.addi %mul3A_40, %mul3A_42 : i32
      "tpu.region"() ({
        %run_scoped3A = tpu.sem_alloc : memref<!tpu.dma_semaphore, #tpu.memory_space<semaphore_mem>>
        %dma_start3A = arith.constant 0 : i32
        %dma_start3A_44 = tpu.memref_slice %arg12[%add3A_43, %dma_start3A] : memref<10240x128xf32, #tpu.memory_space<vmem_shared>> -> memref<64x128xf32, #tpu.memory_space<vmem_shared>>
        %dma_start3A_45 = arith.constant 0 : i32
        %dma_start3A_46 = tpu.memref_slice %arg12[%add3A_43, %dma_start3A_45] : memref<10240x128xf32, #tpu.memory_space<vmem_shared>> -> memref<64x128xf32, #tpu.memory_space<vmem_shared>>
        tpu.enqueue_dma source(%arg10 : memref<64x128xf32, #tpu.memory_space<vmem>>) target(%dma_start3A_46 : memref<64x128xf32, #tpu.memory_space<vmem_shared>>) target_semaphore(%run_scoped3A : memref<!tpu.dma_semaphore, #tpu.memory_space<semaphore_mem>>)
        %dma_wait3A = arith.constant 0 : i32
        %dma_wait3A_47 = tpu.memref_slice %arg12[%add3A_43, %dma_wait3A] : memref<10240x128xf32, #tpu.memory_space<vmem_shared>> -> memref<64x128xf32, #tpu.memory_space<vmem_shared>>
        %dma_wait3A_48 = arith.constant 0 : i32
        %dma_wait3A_49 = tpu.memref_slice %arg12[%add3A_43, %dma_wait3A_48] : memref<10240x128xf32, #tpu.memory_space<vmem_shared>> -> memref<64x128xf32, #tpu.memory_space<vmem_shared>>
        tpu.wait_dma2 semaphore(%run_scoped3A : memref<!tpu.dma_semaphore, #tpu.memory_space<semaphore_mem>>) src(%arg10 : memref<64x128xf32, #tpu.memory_space<vmem>>) dst(%dma_wait3A_49 : memref<64x128xf32, #tpu.memory_space<vmem_shared>>)
        tpu.yield
      }) : () -> ()
    }
    %scan3A_10 = arith.constant 10 : i32
    %barrier3A = arith.constant 0 : index
    tpu.barrier barrier_id(%barrier3A)
    %eq3A = arith.constant 0 : i32
    %eq3A_11 = arith.cmpi eq, %arg0, %eq3A : i32
    %mul3A = arith.constant 80 : i32
    %mul3A_12 = arith.muli %arg1, %mul3A : i32
    %mul3A_13 = arith.constant 80 : i32
    %mul3A_14 = arith.muli %arg1, %mul3A_13 : i32
    %add3A = arith.constant 1280 : i32
    %add3A_15 = arith.addi %add3A, %mul3A_14 : i32
    %select_n3A = arith.select %eq3A_11, %mul3A_12, %add3A_15 : i32
    %eq3A_16 = arith.constant 0 : i32
    %eq3A_17 = arith.cmpi eq, %arg0, %eq3A_16 : i32
    %jit3A = arith.constant 2 : i32
    %jit3A_18 = arith.constant 2 : i32
    %select_n3A_19 = arith.select %eq3A_17, %jit3A, %jit3A_18 : i32
    %while3A = arith.constant 0 : i32
    %while3A_20 = arith.constant 0 : i32
    %while3A_21 = arith.subi %select_n3A_19, %while3A_20 : i32
    %while3A_22 = arith.addi %while3A_20, %while3A_21 : i32
    %while3A_23 = arith.constant 1 : i32
    %while3A_24 = arith.divsi %while3A_21, %while3A_23 : i32
    %while3A_25 = arith.muli %while3A_24, %while3A_23 : i32
    %while3A_26 = arith.addi %while3A_20, %while3A_25 : i32
    %while3A_27 = arith.constant 1 : i32
    scf.for %while3A_38 = %while3A_20 to %while3A_26 step %while3A_27  : i32 {
      %mul3A_39 = arith.constant 40 : i32
      %mul3A_40 = arith.muli %while3A_38, %mul3A_39 : i32
      %add3A_41 = arith.addi %select_n3A, %mul3A_40 : i32
      "tpu.region"() ({
        %run_scoped3A = tpu.sem_alloc : memref<!tpu.dma_semaphore, #tpu.memory_space<semaphore_mem>>
        %dma_start3A = arith.constant 0 : i32
        %dma_start3A_48 = tpu.memref_slice %arg3[%add3A_41, %dma_start3A] : memref<2560x128xi32, #tpu.memory_space<hbm>> -> memref<40x128xi32, #tpu.memory_space<hbm>>
        %dma_start3A_49 = arith.constant 0 : i32
        %dma_start3A_50 = tpu.memref_slice %arg3[%add3A_41, %dma_start3A_49] : memref<2560x128xi32, #tpu.memory_space<hbm>> -> memref<40x128xi32, #tpu.memory_space<hbm>>
        tpu.enqueue_dma source(%dma_start3A_50 : memref<40x128xi32, #tpu.memory_space<hbm>>) target(%arg7 : memref<40x128xi32, #tpu.memory_space<vmem>>) target_semaphore(%run_scoped3A : memref<!tpu.dma_semaphore, #tpu.memory_space<semaphore_mem>>)
        %dma_wait3A = arith.constant 0 : i32
        %dma_wait3A_51 = tpu.memref_slice %arg3[%add3A_41, %dma_wait3A] : memref<2560x128xi32, #tpu.memory_space<hbm>> -> memref<40x128xi32, #tpu.memory_space<hbm>>
        %dma_wait3A_52 = arith.constant 0 : i32
        %dma_wait3A_53 = tpu.memref_slice %arg3[%add3A_41, %dma_wait3A_52] : memref<2560x128xi32, #tpu.memory_space<hbm>> -> memref<40x128xi32, #tpu.memory_space<hbm>>
        tpu.wait_dma2 semaphore(%run_scoped3A : memref<!tpu.dma_semaphore, #tpu.memory_space<semaphore_mem>>) src(%dma_wait3A_53 : memref<40x128xi32, #tpu.memory_space<hbm>>) dst(%arg7 : memref<40x128xi32, #tpu.memory_space<vmem>>)
        tpu.yield
      }) : () -> ()
      "tpu.region"() ({
        %run_scoped3A = tpu.sem_alloc : memref<!tpu.dma_semaphore, #tpu.memory_space<semaphore_mem>>
        %dma_start3A = arith.constant 0 : i32
        %dma_start3A_48 = tpu.memref_slice %arg4[%add3A_41, %dma_start3A] : memref<2560x128xi32, #tpu.memory_space<hbm>> -> memref<40x128xi32, #tpu.memory_space<hbm>>
        %dma_start3A_49 = arith.constant 0 : i32
        %dma_start3A_50 = tpu.memref_slice %arg4[%add3A_41, %dma_start3A_49] : memref<2560x128xi32, #tpu.memory_space<hbm>> -> memref<40x128xi32, #tpu.memory_space<hbm>>
        tpu.enqueue_dma source(%dma_start3A_50 : memref<40x128xi32, #tpu.memory_space<hbm>>) target(%arg8 : memref<40x128xi32, #tpu.memory_space<vmem>>) target_semaphore(%run_scoped3A : memref<!tpu.dma_semaphore, #tpu.memory_space<semaphore_mem>>)
        %dma_wait3A = arith.constant 0 : i32
        %dma_wait3A_51 = tpu.memref_slice %arg4[%add3A_41, %dma_wait3A] : memref<2560x128xi32, #tpu.memory_space<hbm>> -> memref<40x128xi32, #tpu.memory_space<hbm>>
        %dma_wait3A_52 = arith.constant 0 : i32
        %dma_wait3A_53 = tpu.memref_slice %arg4[%add3A_41, %dma_wait3A_52] : memref<2560x128xi32, #tpu.memory_space<hbm>> -> memref<40x128xi32, #tpu.memory_space<hbm>>
        tpu.wait_dma2 semaphore(%run_scoped3A : memref<!tpu.dma_semaphore, #tpu.memory_space<semaphore_mem>>) src(%dma_wait3A_53 : memref<40x128xi32, #tpu.memory_space<hbm>>) dst(%arg8 : memref<40x128xi32, #tpu.memory_space<vmem>>)
        tpu.yield
      }) : () -> ()
      %scan3A_42 = arith.constant 0 : i32
      %scan3A_43 = arith.constant 0 : i32
      %scan3A_44 = arith.constant 40 : i32
      %scan3A_45 = arith.addi %scan3A_43, %scan3A_44 : i32
      %scan3A_46 = arith.constant 1 : i32
      scf.for %scan3A_48 = %scan3A_43 to %scan3A_45 step %scan3A_46  : i32 {
        %dma_start3A = arith.constant 0 : i32
        %dma_start3A_49 = tpu.memref_slice %arg7[%scan3A_48, %dma_start3A] : memref<40x128xi32, #tpu.memory_space<vmem>> -> memref<1x128xi32, #tpu.memory_space<vmem>>
        %dma_start3A_50 = tpu.memref_squeeze %dma_start3A_49 : memref<1x128xi32, #tpu.memory_space<vmem>> -> memref<128xi32, #tpu.memory_space<vmem>>
        %dma_start3A_51 = arith.constant 0 : i32
        %dma_start3A_52 = arith.constant 0 : i32
        %dma_start3A_53 = tpu.memref_slice %arg2[%dma_start3A_51, %dma_start3A_52] : memref<10000x128xf32, #tpu.memory_space<hbm>> -> memref<10000x128xf32, #tpu.memory_space<hbm>>
        tpu.enqueue_indirect_dma source(%dma_start3A_53 : memref<10000x128xf32, #tpu.memory_space<hbm>>) target(%arg9 : memref<128x128xf32, #tpu.memory_space<vmem>>) offsets(%dma_start3A_50 : memref<128xi32, #tpu.memory_space<vmem>>) semaphore(%arg11 : memref<!tpu.dma_semaphore, #tpu.memory_space<semaphore_mem>>)
        %dma_wait3A = arith.constant 0 : i32
        %dma_wait3A_54 = tpu.memref_slice %arg7[%scan3A_48, %dma_wait3A] : memref<40x128xi32, #tpu.memory_space<vmem>> -> memref<1x128xi32, #tpu.memory_space<vmem>>
        %dma_wait3A_55 = tpu.memref_squeeze %dma_wait3A_54 : memref<1x128xi32, #tpu.memory_space<vmem>> -> memref<128xi32, #tpu.memory_space<vmem>>
        %dma_wait3A_56 = arith.constant 0 : i32
        %dma_wait3A_57 = arith.constant 0 : i32
        %dma_wait3A_58 = tpu.memref_slice %arg2[%dma_wait3A_56, %dma_wait3A_57] : memref<10000x128xf32, #tpu.memory_space<hbm>> -> memref<10000x128xf32, #tpu.memory_space<hbm>>
        tpu.wait_indirect_dma semaphore(%arg11 : memref<!tpu.dma_semaphore, #tpu.memory_space<semaphore_mem>>) src(%dma_wait3A_58 : memref<10000x128xf32, #tpu.memory_space<hbm>>) dst(%arg9 : memref<128x128xf32, #tpu.memory_space<vmem>>)
        "tpu.region"() ({
          %run_scoped3A = tpu.sem_alloc : memref<!tpu.dma_semaphore, #tpu.memory_space<semaphore_mem>>
          %dma_start3A_59 = arith.constant 0 : i32
          %dma_start3A_60 = tpu.memref_slice %arg8[%scan3A_48, %dma_start3A_59] : memref<40x128xi32, #tpu.memory_space<vmem>> -> memref<1x128xi32, #tpu.memory_space<vmem>>
          %dma_start3A_61 = tpu.memref_squeeze %dma_start3A_60 : memref<1x128xi32, #tpu.memory_space<vmem>> -> memref<128xi32, #tpu.memory_space<vmem>>
          %dma_start3A_62 = arith.constant 0 : i32
          %dma_start3A_63 = arith.constant 0 : i32
          %dma_start3A_64 = tpu.memref_slice %arg12[%dma_start3A_62, %dma_start3A_63] : memref<10240x128xf32, #tpu.memory_space<vmem_shared>> -> memref<10240x128xf32, #tpu.memory_space<vmem_shared>>
          tpu.enqueue_indirect_dma source(%arg9 : memref<128x128xf32, #tpu.memory_space<vmem>>) target(%dma_start3A_64 : memref<10240x128xf32, #tpu.memory_space<vmem_shared>>) offsets(%dma_start3A_61 : memref<128xi32, #tpu.memory_space<vmem>>) semaphore(%run_scoped3A : memref<!tpu.dma_semaphore, #tpu.memory_space<semaphore_mem>>) {add = true}
          %dma_wait3A_65 = arith.constant 0 : i32
          %dma_wait3A_66 = tpu.memref_slice %arg8[%scan3A_48, %dma_wait3A_65] : memref<40x128xi32, #tpu.memory_space<vmem>> -> memref<1x128xi32, #tpu.memory_space<vmem>>
          %dma_wait3A_67 = tpu.memref_squeeze %dma_wait3A_66 : memref<1x128xi32, #tpu.memory_space<vmem>> -> memref<128xi32, #tpu.memory_space<vmem>>
          %dma_wait3A_68 = arith.constant 0 : i32
          %dma_wait3A_69 = arith.constant 0 : i32
          %dma_wait3A_70 = tpu.memref_slice %arg12[%dma_wait3A_68, %dma_wait3A_69] : memref<10240x128xf32, #tpu.memory_space<vmem_shared>> -> memref<10240x128xf32, #tpu.memory_space<vmem_shared>>
          tpu.wait_indirect_dma semaphore(%run_scoped3A : memref<!tpu.dma_semaphore, #tpu.memory_space<semaphore_mem>>) src(%arg9 : memref<128x128xf32, #tpu.memory_space<vmem>>) dst(%dma_wait3A_70 : memref<10240x128xf32, #tpu.memory_space<vmem_shared>>)
          tpu.yield
        }) : () -> ()
      }
      %scan3A_47 = arith.constant 40 : i32
    }
    %while3A_28 = arith.constant 1 : i32
    scf.for %while3A_38 = %while3A_26 to %while3A_22 step %while3A_28  : i32 {
      %mul3A_39 = arith.constant 40 : i32
      %mul3A_40 = arith.muli %while3A_38, %mul3A_39 : i32
      %add3A_41 = arith.addi %select_n3A, %mul3A_40 : i32
      "tpu.region"() ({
        %run_scoped3A = tpu.sem_alloc : memref<!tpu.dma_semaphore, #tpu.memory_space<semaphore_mem>>
        %dma_start3A = arith.constant 0 : i32
        %dma_start3A_48 = tpu.memref_slice %arg3[%add3A_41, %dma_start3A] : memref<2560x128xi32, #tpu.memory_space<hbm>> -> memref<40x128xi32, #tpu.memory_space<hbm>>
        %dma_start3A_49 = arith.constant 0 : i32
        %dma_start3A_50 = tpu.memref_slice %arg3[%add3A_41, %dma_start3A_49] : memref<2560x128xi32, #tpu.memory_space<hbm>> -> memref<40x128xi32, #tpu.memory_space<hbm>>
        tpu.enqueue_dma source(%dma_start3A_50 : memref<40x128xi32, #tpu.memory_space<hbm>>) target(%arg7 : memref<40x128xi32, #tpu.memory_space<vmem>>) target_semaphore(%run_scoped3A : memref<!tpu.dma_semaphore, #tpu.memory_space<semaphore_mem>>)
        %dma_wait3A = arith.constant 0 : i32
        %dma_wait3A_51 = tpu.memref_slice %arg3[%add3A_41, %dma_wait3A] : memref<2560x128xi32, #tpu.memory_space<hbm>> -> memref<40x128xi32, #tpu.memory_space<hbm>>
        %dma_wait3A_52 = arith.constant 0 : i32
        %dma_wait3A_53 = tpu.memref_slice %arg3[%add3A_41, %dma_wait3A_52] : memref<2560x128xi32, #tpu.memory_space<hbm>> -> memref<40x128xi32, #tpu.memory_space<hbm>>
        tpu.wait_dma2 semaphore(%run_scoped3A : memref<!tpu.dma_semaphore, #tpu.memory_space<semaphore_mem>>) src(%dma_wait3A_53 : memref<40x128xi32, #tpu.memory_space<hbm>>) dst(%arg7 : memref<40x128xi32, #tpu.memory_space<vmem>>)
        tpu.yield
      }) : () -> ()
      "tpu.region"() ({
        %run_scoped3A = tpu.sem_alloc : memref<!tpu.dma_semaphore, #tpu.memory_space<semaphore_mem>>
        %dma_start3A = arith.constant 0 : i32
        %dma_start3A_48 = tpu.memref_slice %arg4[%add3A_41, %dma_start3A] : memref<2560x128xi32, #tpu.memory_space<hbm>> -> memref<40x128xi32, #tpu.memory_space<hbm>>
        %dma_start3A_49 = arith.constant 0 : i32
        %dma_start3A_50 = tpu.memref_slice %arg4[%add3A_41, %dma_start3A_49] : memref<2560x128xi32, #tpu.memory_space<hbm>> -> memref<40x128xi32, #tpu.memory_space<hbm>>
        tpu.enqueue_dma source(%dma_start3A_50 : memref<40x128xi32, #tpu.memory_space<hbm>>) target(%arg8 : memref<40x128xi32, #tpu.memory_space<vmem>>) target_semaphore(%run_scoped3A : memref<!tpu.dma_semaphore, #tpu.memory_space<semaphore_mem>>)
        %dma_wait3A = arith.constant 0 : i32
        %dma_wait3A_51 = tpu.memref_slice %arg4[%add3A_41, %dma_wait3A] : memref<2560x128xi32, #tpu.memory_space<hbm>> -> memref<40x128xi32, #tpu.memory_space<hbm>>
        %dma_wait3A_52 = arith.constant 0 : i32
        %dma_wait3A_53 = tpu.memref_slice %arg4[%add3A_41, %dma_wait3A_52] : memref<2560x128xi32, #tpu.memory_space<hbm>> -> memref<40x128xi32, #tpu.memory_space<hbm>>
        tpu.wait_dma2 semaphore(%run_scoped3A : memref<!tpu.dma_semaphore, #tpu.memory_space<semaphore_mem>>) src(%dma_wait3A_53 : memref<40x128xi32, #tpu.memory_space<hbm>>) dst(%arg8 : memref<40x128xi32, #tpu.memory_space<vmem>>)
        tpu.yield
      }) : () -> ()
      %scan3A_42 = arith.constant 0 : i32
      %scan3A_43 = arith.constant 0 : i32
      %scan3A_44 = arith.constant 40 : i32
      %scan3A_45 = arith.addi %scan3A_43, %scan3A_44 : i32
      %scan3A_46 = arith.constant 1 : i32
      scf.for %scan3A_48 = %scan3A_43 to %scan3A_45 step %scan3A_46  : i32 {
        %dma_start3A = arith.constant 0 : i32
        %dma_start3A_49 = tpu.memref_slice %arg7[%scan3A_48, %dma_start3A] : memref<40x128xi32, #tpu.memory_space<vmem>> -> memref<1x128xi32, #tpu.memory_space<vmem>>
        %dma_start3A_50 = tpu.memref_squeeze %dma_start3A_49 : memref<1x128xi32, #tpu.memory_space<vmem>> -> memref<128xi32, #tpu.memory_space<vmem>>
        %dma_start3A_51 = arith.constant 0 : i32
        %dma_start3A_52 = arith.constant 0 : i32
        %dma_start3A_53 = tpu.memref_slice %arg2[%dma_start3A_51, %dma_start3A_52] : memref<10000x128xf32, #tpu.memory_space<hbm>> -> memref<10000x128xf32, #tpu.memory_space<hbm>>
        tpu.enqueue_indirect_dma source(%dma_start3A_53 : memref<10000x128xf32, #tpu.memory_space<hbm>>) target(%arg9 : memref<128x128xf32, #tpu.memory_space<vmem>>) offsets(%dma_start3A_50 : memref<128xi32, #tpu.memory_space<vmem>>) semaphore(%arg11 : memref<!tpu.dma_semaphore, #tpu.memory_space<semaphore_mem>>)
        %dma_wait3A = arith.constant 0 : i32
        %dma_wait3A_54 = tpu.memref_slice %arg7[%scan3A_48, %dma_wait3A] : memref<40x128xi32, #tpu.memory_space<vmem>> -> memref<1x128xi32, #tpu.memory_space<vmem>>
        %dma_wait3A_55 = tpu.memref_squeeze %dma_wait3A_54 : memref<1x128xi32, #tpu.memory_space<vmem>> -> memref<128xi32, #tpu.memory_space<vmem>>
        %dma_wait3A_56 = arith.constant 0 : i32
        %dma_wait3A_57 = arith.constant 0 : i32
        %dma_wait3A_58 = tpu.memref_slice %arg2[%dma_wait3A_56, %dma_wait3A_57] : memref<10000x128xf32, #tpu.memory_space<hbm>> -> memref<10000x128xf32, #tpu.memory_space<hbm>>
        tpu.wait_indirect_dma semaphore(%arg11 : memref<!tpu.dma_semaphore, #tpu.memory_space<semaphore_mem>>) src(%dma_wait3A_58 : memref<10000x128xf32, #tpu.memory_space<hbm>>) dst(%arg9 : memref<128x128xf32, #tpu.memory_space<vmem>>)
        "tpu.region"() ({
          %run_scoped3A = tpu.sem_alloc : memref<!tpu.dma_semaphore, #tpu.memory_space<semaphore_mem>>
          %dma_start3A_59 = arith.constant 0 : i32
          %dma_start3A_60 = tpu.memref_slice %arg8[%scan3A_48, %dma_start3A_59] : memref<40x128xi32, #tpu.memory_space<vmem>> -> memref<1x128xi32, #tpu.memory_space<vmem>>
          %dma_start3A_61 = tpu.memref_squeeze %dma_start3A_60 : memref<1x128xi32, #tpu.memory_space<vmem>> -> memref<128xi32, #tpu.memory_space<vmem>>
          %dma_start3A_62 = arith.constant 0 : i32
          %dma_start3A_63 = arith.constant 0 : i32
          %dma_start3A_64 = tpu.memref_slice %arg12[%dma_start3A_62, %dma_start3A_63] : memref<10240x128xf32, #tpu.memory_space<vmem_shared>> -> memref<10240x128xf32, #tpu.memory_space<vmem_shared>>
          tpu.enqueue_indirect_dma source(%arg9 : memref<128x128xf32, #tpu.memory_space<vmem>>) target(%dma_start3A_64 : memref<10240x128xf32, #tpu.memory_space<vmem_shared>>) offsets(%dma_start3A_61 : memref<128xi32, #tpu.memory_space<vmem>>) semaphore(%run_scoped3A : memref<!tpu.dma_semaphore, #tpu.memory_space<semaphore_mem>>) {add = true}
          %dma_wait3A_65 = arith.constant 0 : i32
          %dma_wait3A_66 = tpu.memref_slice %arg8[%scan3A_48, %dma_wait3A_65] : memref<40x128xi32, #tpu.memory_space<vmem>> -> memref<1x128xi32, #tpu.memory_space<vmem>>
          %dma_wait3A_67 = tpu.memref_squeeze %dma_wait3A_66 : memref<1x128xi32, #tpu.memory_space<vmem>> -> memref<128xi32, #tpu.memory_space<vmem>>
          %dma_wait3A_68 = arith.constant 0 : i32
          %dma_wait3A_69 = arith.constant 0 : i32
          %dma_wait3A_70 = tpu.memref_slice %arg12[%dma_wait3A_68, %dma_wait3A_69] : memref<10240x128xf32, #tpu.memory_space<vmem_shared>> -> memref<10240x128xf32, #tpu.memory_space<vmem_shared>>
          tpu.wait_indirect_dma semaphore(%run_scoped3A : memref<!tpu.dma_semaphore, #tpu.memory_space<semaphore_mem>>) src(%arg9 : memref<128x128xf32, #tpu.memory_space<vmem>>) dst(%dma_wait3A_70 : memref<10240x128xf32, #tpu.memory_space<vmem_shared>>)
          tpu.yield
        }) : () -> ()
      }
      %scan3A_47 = arith.constant 40 : i32
    }
    %barrier3A_29 = arith.constant 0 : index
    tpu.barrier barrier_id(%barrier3A_29)
    %eq3A_30 = arith.constant 0 : i32
    %eq3A_31 = arith.cmpi eq, %arg0, %eq3A_30 : i32
    %convert_element_type3A = arith.extui %eq3A_31 : i1 to i32
    %cond3A = arith.constant 0 : i32
    %cond3A_32 = arith.cmpi ne, %convert_element_type3A, %cond3A : i32
    scf.if %cond3A_32 {
      %mul3A_38 = arith.constant 640 : i32
      %mul3A_39 = arith.muli %arg1, %mul3A_38 : i32
      %mul3A_40 = arith.constant 640 : i32
      %mul3A_41 = arith.muli %arg1, %mul3A_40 : i32
      "tpu.region"() ({
        %run_scoped3A = tpu.sem_alloc : memref<!tpu.dma_semaphore, #tpu.memory_space<semaphore_mem>>
        %dma_start3A = arith.constant 0 : i32
        %dma_start3A_42 = tpu.memref_slice %arg5[%mul3A_41, %dma_start3A] : memref<10240x128xf32, #tpu.memory_space<hbm>> -> memref<640x128xf32, #tpu.memory_space<hbm>>
        %dma_start3A_43 = arith.constant 0 : i32
        %dma_start3A_44 = tpu.memref_slice %arg12[%mul3A_39, %dma_start3A_43] : memref<10240x128xf32, #tpu.memory_space<vmem_shared>> -> memref<640x128xf32, #tpu.memory_space<vmem_shared>>
        tpu.enqueue_dma source(%dma_start3A_44 : memref<640x128xf32, #tpu.memory_space<vmem_shared>>) target(%dma_start3A_42 : memref<640x128xf32, #tpu.memory_space<hbm>>) target_semaphore(%run_scoped3A : memref<!tpu.dma_semaphore, #tpu.memory_space<semaphore_mem>>)
        %dma_wait3A = arith.constant 0 : i32
        %dma_wait3A_45 = tpu.memref_slice %arg5[%mul3A_41, %dma_wait3A] : memref<10240x128xf32, #tpu.memory_space<hbm>> -> memref<640x128xf32, #tpu.memory_space<hbm>>
        %dma_wait3A_46 = arith.constant 0 : i32
        %dma_wait3A_47 = tpu.memref_slice %arg12[%mul3A_39, %dma_wait3A_46] : memref<10240x128xf32, #tpu.memory_space<vmem_shared>> -> memref<640x128xf32, #tpu.memory_space<vmem_shared>>
        tpu.wait_dma2 semaphore(%run_scoped3A : memref<!tpu.dma_semaphore, #tpu.memory_space<semaphore_mem>>) src(%dma_wait3A_47 : memref<640x128xf32, #tpu.memory_space<vmem_shared>>) dst(%dma_wait3A_45 : memref<640x128xf32, #tpu.memory_space<hbm>>)
        tpu.yield
      }) : () -> ()
    } else {
    }
    %eq3A_33 = arith.constant 1 : i32
    %eq3A_34 = arith.cmpi eq, %arg0, %eq3A_33 : i32
    %convert_element_type3A_35 = arith.extui %eq3A_34 : i1 to i32
    %cond3A_36 = arith.constant 0 : i32
    %cond3A_37 = arith.cmpi ne, %convert_element_type3A_35, %cond3A_36 : i32
    scf.if %cond3A_37 {
      %mul3A_38 = arith.constant 640 : i32
      %mul3A_39 = arith.muli %arg1, %mul3A_38 : i32
      %mul3A_40 = arith.constant 640 : i32
      %mul3A_41 = arith.muli %arg1, %mul3A_40 : i32
      "tpu.region"() ({
        %run_scoped3A = tpu.sem_alloc : memref<!tpu.dma_semaphore, #tpu.memory_space<semaphore_mem>>
        %dma_start3A = arith.constant 0 : i32
        %dma_start3A_42 = tpu.memref_slice %arg6[%mul3A_41, %dma_start3A] : memref<10240x128xf32, #tpu.memory_space<hbm>> -> memref<640x128xf32, #tpu.memory_space<hbm>>
        %dma_start3A_43 = arith.constant 0 : i32
        %dma_start3A_44 = tpu.memref_slice %arg12[%mul3A_39, %dma_start3A_43] : memref<10240x128xf32, #tpu.memory_space<vmem_shared>> -> memref<640x128xf32, #tpu.memory_space<vmem_shared>>
        tpu.enqueue_dma source(%dma_start3A_44 : memref<640x128xf32, #tpu.memory_space<vmem_shared>>) target(%dma_start3A_42 : memref<640x128xf32, #tpu.memory_space<hbm>>) target_semaphore(%run_scoped3A : memref<!tpu.dma_semaphore, #tpu.memory_space<semaphore_mem>>)
        %dma_wait3A = arith.constant 0 : i32
        %dma_wait3A_45 = tpu.memref_slice %arg6[%mul3A_41, %dma_wait3A] : memref<10240x128xf32, #tpu.memory_space<hbm>> -> memref<640x128xf32, #tpu.memory_space<hbm>>
        %dma_wait3A_46 = arith.constant 0 : i32
        %dma_wait3A_47 = tpu.memref_slice %arg12[%mul3A_39, %dma_wait3A_46] : memref<10240x128xf32, #tpu.memory_space<vmem_shared>> -> memref<640x128xf32, #tpu.memory_space<vmem_shared>>
        tpu.wait_dma2 semaphore(%run_scoped3A : memref<!tpu.dma_semaphore, #tpu.memory_space<semaphore_mem>>) src(%dma_wait3A_47 : memref<640x128xf32, #tpu.memory_space<vmem_shared>>) dst(%dma_wait3A_45 : memref<640x128xf32, #tpu.memory_space<hbm>>)
        tpu.yield
      }) : () -> ()
    } else {
    }
    return
  }
}

module attributes {stable_mosaic.version = 14 : i64} {
  func.func @_layer0_body(%arg0: i32, %arg1: memref<2000x16xf32, #tpu.memory_space<vmem>>, %arg2: memref<2000x16xf32, #tpu.memory_space<vmem>>, %arg3: memref<2000x128xf32, #tpu.memory_space<vmem>>, %arg4: memref<128x64xf32, #tpu.memory_space<vmem>>, %arg5: memref<2000x128xf32, #tpu.memory_space<vmem>>, %arg6: memref<2000x1xf32, #tpu.memory_space<vmem>>) attributes {dimension_semantics = [#tpu.dimension_semantics<arbitrary>], iteration_bounds = array<i64: 5>, scalar_prefetch = 0 : i64, scratch_operands = 0 : i64, tpu.core_type = #tpu.core_type<tc>, window_params = [{transform_indices = @transform_0, window_bounds = array<i64: 2000, 16>}, {transform_indices = @transform_1, window_bounds = array<i64: 2000, 16>}, {transform_indices = @transform_2, window_bounds = array<i64: 2000, 128>}, {pipeline_mode = #tpu.pipeline_mode<synchronous>, transform_indices = @transform_3, window_bounds = array<i64: 128, 64>}, {transform_indices = @transform_4, window_bounds = array<i64: 2000, 128>}, {transform_indices = @transform_5, window_bounds = array<i64: 2000, 1>}]} {
    %get3A = arith.constant 0 : index
    %get3A_0 = arith.constant 0 : index
    %get3A_1 = vector.load %arg1[%get3A, %get3A_0] : memref<2000x16xf32, #tpu.memory_space<vmem>>, vector<2000x1xf32>
    %get3A_2 = arith.constant 0 : index
    %get3A_3 = arith.constant 0 : index
    %get3A_4 = vector.load %arg2[%get3A_2, %get3A_3] : memref<2000x16xf32, #tpu.memory_space<vmem>>, vector<2000x1xf32>
    %add3A = arith.addf %get3A_1, %get3A_4 : vector<2000x1xf32>
    %add3A_5 = arith.constant 1.000000e+00 : f32
    %add3A_6 = vector.broadcast %add3A_5 : f32 to vector<2000x1xf32>
    %add3A_7 = arith.addf %add3A, %add3A_6 : vector<2000x1xf32>
    %rsqrt3A = math.rsqrt %add3A_7 : vector<2000x1xf32>
    %get3A_8 = arith.constant 0 : index
    %get3A_9 = arith.constant 0 : index
    %get3A_10 = vector.load %arg3[%get3A_8, %get3A_9] : memref<2000x128xf32, #tpu.memory_space<vmem>>, vector<2000x128xf32>
    %get3A_11 = arith.constant 0 : index
    %get3A_12 = arith.constant 0 : index
    %get3A_13 = vector.load %arg4[%get3A_11, %get3A_12] : memref<128x64xf32, #tpu.memory_space<vmem>>, vector<128x64xf32>
    %dot_general3A = arith.constant dense<0.000000e+00> : vector<2000x64xf32>
    %dot_general3A_14 = tpu.matmul %get3A_10, %get3A_13, %dot_general3A {dimension_numbers = #tpu.dot_dimension_numbers<[1], [0], [0], [1], [0, 0, 1, 1], [], []>, transpose_lhs_hint = false} : vector<2000x128xf32>, vector<128x64xf32>, vector<2000x64xf32> -> vector<2000x64xf32>
    %mul3A = vector.broadcast %rsqrt3A : vector<2000x1xf32> to vector<2000x64xf32>
    %mul3A_15 = arith.mulf %dot_general3A_14, %mul3A : vector<2000x64xf32>
    %broadcast_in_dim3A = arith.constant 0.000000e+00 : f32
    %broadcast_in_dim3A_16 = vector.broadcast %broadcast_in_dim3A : f32 to vector<2000x64xf32>
    %concatenate3A = tpu.concatenate %mul3A_15, %broadcast_in_dim3A_16 in 1 : vector<2000x64xf32>, vector<2000x64xf32> -> vector<2000x128xf32>
    %swap3A = arith.constant 0 : index
    %swap3A_17 = arith.constant 0 : index
    %swap3A_18 = vector.load %arg5[%swap3A, %swap3A_17] : memref<2000x128xf32, #tpu.memory_space<vmem>>, vector<2000x128xf32>
    tpu.vector_store %arg5[%swap3A, %swap3A_17], %concatenate3A {strides = array<i32>} : memref<2000x128xf32, #tpu.memory_space<vmem>>, vector<2000x128xf32>,
    %swap3A_19 = arith.constant 0 : index
    %swap3A_20 = arith.constant 0 : index
    %swap3A_21 = vector.load %arg6[%swap3A_19, %swap3A_20] : memref<2000x1xf32, #tpu.memory_space<vmem>>, vector<2000x1xf32>
    tpu.vector_store %arg6[%swap3A_19, %swap3A_20], %rsqrt3A {strides = array<i32>} : memref<2000x1xf32, #tpu.memory_space<vmem>>, vector<2000x1xf32>,
    return
  }
  func.func @transform_0(%arg0: i32) -> (i32, i32) {
    %c0_i32 = arith.constant 0 : i32
    %c0_i32_0 = arith.constant 0 : i32
    return %arg0, %c0_i32 : i32, i32
  }
  func.func @transform_1(%arg0: i32) -> (i32, i32) {
    %c0_i32 = arith.constant 0 : i32
    %c0_i32_0 = arith.constant 0 : i32
    return %arg0, %c0_i32 : i32, i32
  }
  func.func @transform_2(%arg0: i32) -> (i32, i32) {
    %c0_i32 = arith.constant 0 : i32
    %c0_i32_0 = arith.constant 0 : i32
    return %arg0, %c0_i32 : i32, i32
  }
  func.func @transform_3(%arg0: i32) -> (i32, i32) {
    %c0_i32 = arith.constant 0 : i32
    %c0_i32_0 = arith.constant 0 : i32
    %c0_i32_1 = arith.constant 0 : i32
    return %c0_i32, %c0_i32_0 : i32, i32
  }
  func.func @transform_4(%arg0: i32) -> (i32, i32) {
    %c0_i32 = arith.constant 0 : i32
    %c0_i32_0 = arith.constant 0 : i32
    return %arg0, %c0_i32 : i32, i32
  }
  func.func @transform_5(%arg0: i32) -> (i32, i32) {
    %c0_i32 = arith.constant 0 : i32
    %c0_i32_0 = arith.constant 0 : i32
    return %arg0, %c0_i32 : i32, i32
  }
}

module attributes {stable_mosaic.version = 14 : i64} {
  func.func @_mid1_body(%arg0: i32, %arg1: memref<2000x128xf32, #tpu.memory_space<vmem>>, %arg2: memref<2000x128xf32, #tpu.memory_space<vmem>>, %arg3: memref<2000x128xf32, #tpu.memory_space<vmem>>, %arg4: memref<2000x1xf32, #tpu.memory_space<vmem>>, %arg5: memref<1x64xf32, #tpu.memory_space<vmem>>, %arg6: memref<64x128xf32, #tpu.memory_space<vmem>>, %arg7: memref<2000x128xf32, #tpu.memory_space<vmem>>) attributes {dimension_semantics = [#tpu.dimension_semantics<arbitrary>], iteration_bounds = array<i64: 5>, scalar_prefetch = 0 : i64, scratch_operands = 0 : i64, tpu.core_type = #tpu.core_type<tc>, window_params = [{transform_indices = @transform_0, window_bounds = array<i64: 2000, 128>}, {transform_indices = @transform_1, window_bounds = array<i64: 2000, 128>}, {transform_indices = @transform_2, window_bounds = array<i64: 2000, 128>}, {transform_indices = @transform_3, window_bounds = array<i64: 2000, 1>}, {pipeline_mode = #tpu.pipeline_mode<synchronous>, transform_indices = @transform_4, window_bounds = array<i64: 1, 64>}, {pipeline_mode = #tpu.pipeline_mode<synchronous>, transform_indices = @transform_5, window_bounds = array<i64: 64, 128>}, {transform_indices = @transform_6, window_bounds = array<i64: 2000, 128>}]} {
    %get3A = arith.constant 0 : index
    %get3A_0 = arith.constant 0 : index
    %get3A_1 = vector.load %arg1[%get3A, %get3A_0] : memref<2000x128xf32, #tpu.memory_space<vmem>>, vector<2000x128xf32>
    %get3A_2 = arith.constant 0 : index
    %get3A_3 = arith.constant 0 : index
    %get3A_4 = vector.load %arg2[%get3A_2, %get3A_3] : memref<2000x128xf32, #tpu.memory_space<vmem>>, vector<2000x128xf32>
    %add3A = arith.addf %get3A_1, %get3A_4 : vector<2000x128xf32>
    %get3A_5 = arith.constant 0 : index
    %get3A_6 = arith.constant 0 : index
    %get3A_7 = vector.load %arg3[%get3A_5, %get3A_6] : memref<2000x128xf32, #tpu.memory_space<vmem>>, vector<2000x128xf32>
    %add3A_8 = arith.addf %add3A, %get3A_7 : vector<2000x128xf32>
    %slice3A = vector.extract_strided_slice %add3A_8 {offsets = [0, 0], sizes = [2000, 64], strides = [1, 1]} : vector<2000x128xf32> to vector<2000x64xf32>
    %get3A_9 = arith.constant 0 : index
    %get3A_10 = arith.constant 0 : index
    %get3A_11 = vector.load %arg4[%get3A_9, %get3A_10] : memref<2000x1xf32, #tpu.memory_space<vmem>>, vector<2000x1xf32>
    %mul3A = vector.broadcast %get3A_11 : vector<2000x1xf32> to vector<2000x64xf32>
    %mul3A_12 = arith.mulf %slice3A, %mul3A : vector<2000x64xf32>
    %get3A_13 = arith.constant 0 : index
    %get3A_14 = arith.constant 0 : index
    %get3A_15 = vector.load %arg5[%get3A_13, %get3A_14] : memref<1x64xf32, #tpu.memory_space<vmem>>, vector<1x64xf32>
    %add3A_16 = vector.broadcast %get3A_15 : vector<1x64xf32> to vector<2000x64xf32>
    %add3A_17 = arith.addf %mul3A_12, %add3A_16 : vector<2000x64xf32>
    %max3A = arith.constant 0.000000e+00 : f32
    %max3A_18 = vector.broadcast %max3A : f32 to vector<2000x64xf32>
    %max3A_19 = arith.maximumf %add3A_17, %max3A_18 : vector<2000x64xf32>
    %get3A_20 = arith.constant 0 : index
    %get3A_21 = arith.constant 0 : index
    %get3A_22 = vector.load %arg6[%get3A_20, %get3A_21] : memref<64x128xf32, #tpu.memory_space<vmem>>, vector<64x128xf32>
    %dot_general3A = arith.constant dense<0.000000e+00> : vector<2000x128xf32>
    %dot_general3A_23 = tpu.matmul %max3A_19, %get3A_22, %dot_general3A {dimension_numbers = #tpu.dot_dimension_numbers<[1], [0], [0], [1], [0, 0, 1, 1], [], []>, transpose_lhs_hint = false} : vector<2000x64xf32>, vector<64x128xf32>, vector<2000x128xf32> -> vector<2000x128xf32>
    %mul3A_24 = vector.broadcast %get3A_11 : vector<2000x1xf32> to vector<2000x128xf32>
    %mul3A_25 = arith.mulf %dot_general3A_23, %mul3A_24 : vector<2000x128xf32>
    %swap3A = arith.constant 0 : index
    %swap3A_26 = arith.constant 0 : index
    %swap3A_27 = vector.load %arg7[%swap3A, %swap3A_26] : memref<2000x128xf32, #tpu.memory_space<vmem>>, vector<2000x128xf32>
    tpu.vector_store %arg7[%swap3A, %swap3A_26], %mul3A_25 {strides = array<i32>} : memref<2000x128xf32, #tpu.memory_space<vmem>>, vector<2000x128xf32>,
    return
  }
  func.func @transform_0(%arg0: i32) -> (i32, i32) {
    %c0_i32 = arith.constant 0 : i32
    %c0_i32_0 = arith.constant 0 : i32
    return %arg0, %c0_i32 : i32, i32
  }
  func.func @transform_1(%arg0: i32) -> (i32, i32) {
    %c0_i32 = arith.constant 0 : i32
    %c0_i32_0 = arith.constant 0 : i32
    return %arg0, %c0_i32 : i32, i32
  }
  func.func @transform_2(%arg0: i32) -> (i32, i32) {
    %c0_i32 = arith.constant 0 : i32
    %c0_i32_0 = arith.constant 0 : i32
    return %arg0, %c0_i32 : i32, i32
  }
  func.func @transform_3(%arg0: i32) -> (i32, i32) {
    %c0_i32 = arith.constant 0 : i32
    %c0_i32_0 = arith.constant 0 : i32
    return %arg0, %c0_i32 : i32, i32
  }
  func.func @transform_4(%arg0: i32) -> (i32, i32) {
    %c0_i32 = arith.constant 0 : i32
    %c0_i32_0 = arith.constant 0 : i32
    %c0_i32_1 = arith.constant 0 : i32
    return %c0_i32, %c0_i32_0 : i32, i32
  }
  func.func @transform_5(%arg0: i32) -> (i32, i32) {
    %c0_i32 = arith.constant 0 : i32
    %c0_i32_0 = arith.constant 0 : i32
    %c0_i32_1 = arith.constant 0 : i32
    return %c0_i32, %c0_i32_0 : i32, i32
  }
  func.func @transform_6(%arg0: i32) -> (i32, i32) {
    %c0_i32 = arith.constant 0 : i32
    %c0_i32_0 = arith.constant 0 : i32
    return %arg0, %c0_i32 : i32, i32
  }
}

module attributes {stable_mosaic.version = 14 : i64} {
  func.func @_mid2_body(%arg0: i32, %arg1: memref<2000x128xf32, #tpu.memory_space<vmem>>, %arg2: memref<2000x128xf32, #tpu.memory_space<vmem>>, %arg3: memref<2000x128xf32, #tpu.memory_space<vmem>>, %arg4: memref<2000x1xf32, #tpu.memory_space<vmem>>, %arg5: memref<1x128xf32, #tpu.memory_space<vmem>>, %arg6: memref<128x256xf32, #tpu.memory_space<vmem>>, %arg7: memref<2000x128xf32, #tpu.memory_space<vmem>>, %arg8: memref<2000x128xf32, #tpu.memory_space<vmem>>) attributes {dimension_semantics = [#tpu.dimension_semantics<arbitrary>], iteration_bounds = array<i64: 5>, scalar_prefetch = 0 : i64, scratch_operands = 0 : i64, tpu.core_type = #tpu.core_type<tc>, window_params = [{transform_indices = @transform_0, window_bounds = array<i64: 2000, 128>}, {transform_indices = @transform_1, window_bounds = array<i64: 2000, 128>}, {transform_indices = @transform_2, window_bounds = array<i64: 2000, 128>}, {transform_indices = @transform_3, window_bounds = array<i64: 2000, 1>}, {pipeline_mode = #tpu.pipeline_mode<synchronous>, transform_indices = @transform_4, window_bounds = array<i64: 1, 128>}, {pipeline_mode = #tpu.pipeline_mode<synchronous>, transform_indices = @transform_5, window_bounds = array<i64: 128, 256>}, {transform_indices = @transform_6, window_bounds = array<i64: 2000, 128>}, {transform_indices = @transform_7, window_bounds = array<i64: 2000, 128>}]} {
    %get3A = arith.constant 0 : index
    %get3A_0 = arith.constant 0 : index
    %get3A_1 = vector.load %arg4[%get3A, %get3A_0] : memref<2000x1xf32, #tpu.memory_space<vmem>>, vector<2000x1xf32>
    %get3A_2 = arith.constant 0 : index
    %get3A_3 = arith.constant 0 : index
    %get3A_4 = vector.load %arg1[%get3A_2, %get3A_3] : memref<2000x128xf32, #tpu.memory_space<vmem>>, vector<2000x128xf32>
    %get3A_5 = arith.constant 0 : index
    %get3A_6 = arith.constant 0 : index
    %get3A_7 = vector.load %arg2[%get3A_5, %get3A_6] : memref<2000x128xf32, #tpu.memory_space<vmem>>, vector<2000x128xf32>
    %add3A = arith.addf %get3A_4, %get3A_7 : vector<2000x128xf32>
    %get3A_8 = arith.constant 0 : index
    %get3A_9 = arith.constant 0 : index
    %get3A_10 = vector.load %arg3[%get3A_8, %get3A_9] : memref<2000x128xf32, #tpu.memory_space<vmem>>, vector<2000x128xf32>
    %add3A_11 = arith.addf %add3A, %get3A_10 : vector<2000x128xf32>
    %mul3A = vector.broadcast %get3A_1 : vector<2000x1xf32> to vector<2000x128xf32>
    %mul3A_12 = arith.mulf %add3A_11, %mul3A : vector<2000x128xf32>
    %get3A_13 = arith.constant 0 : index
    %get3A_14 = arith.constant 0 : index
    %get3A_15 = vector.load %arg5[%get3A_13, %get3A_14] : memref<1x128xf32, #tpu.memory_space<vmem>>, vector<1x128xf32>
    %add3A_16 = vector.broadcast %get3A_15 : vector<1x128xf32> to vector<2000x128xf32>
    %add3A_17 = arith.addf %mul3A_12, %add3A_16 : vector<2000x128xf32>
    %max3A = arith.constant 0.000000e+00 : f32
    %max3A_18 = vector.broadcast %max3A : f32 to vector<2000x128xf32>
    %max3A_19 = arith.maximumf %add3A_17, %max3A_18 : vector<2000x128xf32>
    %get3A_20 = arith.constant 0 : index
    %get3A_21 = arith.constant 0 : index
    %get3A_22 = vector.load %arg6[%get3A_20, %get3A_21] : memref<128x256xf32, #tpu.memory_space<vmem>>, vector<128x256xf32>
    %slice3A = vector.extract_strided_slice %get3A_22 {offsets = [0, 0], sizes = [128, 128], strides = [1, 1]} : vector<128x256xf32> to vector<128x128xf32>
    %dot_general3A = arith.constant dense<0.000000e+00> : vector<2000x128xf32>
    %dot_general3A_23 = tpu.matmul %max3A_19, %slice3A, %dot_general3A {dimension_numbers = #tpu.dot_dimension_numbers<[1], [0], [0], [1], [0, 0, 1, 1], [], []>, transpose_lhs_hint = false} : vector<2000x128xf32>, vector<128x128xf32>, vector<2000x128xf32> -> vector<2000x128xf32>
    %mul3A_24 = vector.broadcast %get3A_1 : vector<2000x1xf32> to vector<2000x128xf32>
    %mul3A_25 = arith.mulf %dot_general3A_23, %mul3A_24 : vector<2000x128xf32>
    %swap3A = arith.constant 0 : index
    %swap3A_26 = arith.constant 0 : index
    %swap3A_27 = vector.load %arg7[%swap3A, %swap3A_26] : memref<2000x128xf32, #tpu.memory_space<vmem>>, vector<2000x128xf32>
    tpu.vector_store %arg7[%swap3A, %swap3A_26], %mul3A_25 {strides = array<i32>} : memref<2000x128xf32, #tpu.memory_space<vmem>>, vector<2000x128xf32>,
    %slice3A_28 = vector.extract_strided_slice %get3A_22 {offsets = [0, 128], sizes = [128, 128], strides = [1, 1]} : vector<128x256xf32> to vector<128x128xf32>
    %dot_general3A_29 = arith.constant dense<0.000000e+00> : vector<2000x128xf32>
    %dot_general3A_30 = tpu.matmul %max3A_19, %slice3A_28, %dot_general3A_29 {dimension_numbers = #tpu.dot_dimension_numbers<[1], [0], [0], [1], [0, 0, 1, 1], [], []>, transpose_lhs_hint = false} : vector<2000x128xf32>, vector<128x128xf32>, vector<2000x128xf32> -> vector<2000x128xf32>
    %mul3A_31 = vector.broadcast %get3A_1 : vector<2000x1xf32> to vector<2000x128xf32>
    %mul3A_32 = arith.mulf %dot_general3A_30, %mul3A_31 : vector<2000x128xf32>
    %swap3A_33 = arith.constant 0 : index
    %swap3A_34 = arith.constant 0 : index
    %swap3A_35 = vector.load %arg8[%swap3A_33, %swap3A_34] : memref<2000x128xf32, #tpu.memory_space<vmem>>, vector<2000x128xf32>
    tpu.vector_store %arg8[%swap3A_33, %swap3A_34], %mul3A_32 {strides = array<i32>} : memref<2000x128xf32, #tpu.memory_space<vmem>>, vector<2000x128xf32>,
    return
  }
  func.func @transform_0(%arg0: i32) -> (i32, i32) {
    %c0_i32 = arith.constant 0 : i32
    %c0_i32_0 = arith.constant 0 : i32
    return %arg0, %c0_i32 : i32, i32
  }
  func.func @transform_1(%arg0: i32) -> (i32, i32) {
    %c0_i32 = arith.constant 0 : i32
    %c0_i32_0 = arith.constant 0 : i32
    return %arg0, %c0_i32 : i32, i32
  }
  func.func @transform_2(%arg0: i32) -> (i32, i32) {
    %c0_i32 = arith.constant 0 : i32
    %c0_i32_0 = arith.constant 0 : i32
    return %arg0, %c0_i32 : i32, i32
  }
  func.func @transform_3(%arg0: i32) -> (i32, i32) {
    %c0_i32 = arith.constant 0 : i32
    %c0_i32_0 = arith.constant 0 : i32
    return %arg0, %c0_i32 : i32, i32
  }
  func.func @transform_4(%arg0: i32) -> (i32, i32) {
    %c0_i32 = arith.constant 0 : i32
    %c0_i32_0 = arith.constant 0 : i32
    %c0_i32_1 = arith.constant 0 : i32
    return %c0_i32, %c0_i32_0 : i32, i32
  }
  func.func @transform_5(%arg0: i32) -> (i32, i32) {
    %c0_i32 = arith.constant 0 : i32
    %c0_i32_0 = arith.constant 0 : i32
    %c0_i32_1 = arith.constant 0 : i32
    return %c0_i32, %c0_i32_0 : i32, i32
  }
  func.func @transform_6(%arg0: i32) -> (i32, i32) {
    %c0_i32 = arith.constant 0 : i32
    %c0_i32_0 = arith.constant 0 : i32
    return %arg0, %c0_i32 : i32, i32
  }
  func.func @transform_7(%arg0: i32) -> (i32, i32) {
    %c0_i32 = arith.constant 0 : i32
    %c0_i32_0 = arith.constant 0 : i32
    return %arg0, %c0_i32 : i32, i32
  }
}

module attributes {stable_mosaic.version = 14 : i64} {
  func.func @_pool_body(%arg0: i32, %arg1: memref<2000x128xf32, #tpu.memory_space<vmem>>, %arg2: memref<2000x128xf32, #tpu.memory_space<vmem>>, %arg3: memref<2000x128xf32, #tpu.memory_space<vmem>>, %arg4: memref<2000x128xf32, #tpu.memory_space<vmem>>, %arg5: memref<2000x1xf32, #tpu.memory_space<vmem>>, %arg6: memref<1x256xf32, #tpu.memory_space<vmem>>, %arg7: memref<2000x1xi32, #tpu.memory_space<vmem>>, %arg8: memref<16x256xf32, #tpu.memory_space<vmem>>, %arg9: memref<16x128xf32, #tpu.memory_space<vmem>>) attributes {dimension_semantics = [#tpu.dimension_semantics<arbitrary>], iteration_bounds = array<i64: 5>, scalar_prefetch = 0 : i64, scratch_operands = 0 : i64, tpu.core_type = #tpu.core_type<tc>, window_params = [{transform_indices = @transform_0, window_bounds = array<i64: 2000, 128>}, {transform_indices = @transform_1, window_bounds = array<i64: 2000, 128>}, {transform_indices = @transform_2, window_bounds = array<i64: 2000, 128>}, {transform_indices = @transform_3, window_bounds = array<i64: 2000, 128>}, {transform_indices = @transform_4, window_bounds = array<i64: 2000, 1>}, {pipeline_mode = #tpu.pipeline_mode<synchronous>, transform_indices = @transform_5, window_bounds = array<i64: 1, 256>}, {transform_indices = @transform_6, window_bounds = array<i64: 2000, 1>}, {pipeline_mode = #tpu.pipeline_mode<synchronous>, transform_indices = @transform_7, window_bounds = array<i64: 16, 256>}, {pipeline_mode = #tpu.pipeline_mode<synchronous>, transform_indices = @transform_8, window_bounds = array<i64: 16, 128>}]} {
    %get3A = arith.constant 0 : index
    %get3A_0 = arith.constant 0 : index
    %get3A_1 = vector.load %arg1[%get3A, %get3A_0] : memref<2000x128xf32, #tpu.memory_space<vmem>>, vector<2000x128xf32>
    %get3A_2 = arith.constant 0 : index
    %get3A_3 = arith.constant 0 : index
    %get3A_4 = vector.load %arg3[%get3A_2, %get3A_3] : memref<2000x128xf32, #tpu.memory_space<vmem>>, vector<2000x128xf32>
    %add3A = arith.addf %get3A_1, %get3A_4 : vector<2000x128xf32>
    %get3A_5 = arith.constant 0 : index
    %get3A_6 = arith.constant 0 : index
    %get3A_7 = vector.load %arg2[%get3A_5, %get3A_6] : memref<2000x128xf32, #tpu.memory_space<vmem>>, vector<2000x128xf32>
    %get3A_8 = arith.constant 0 : index
    %get3A_9 = arith.constant 0 : index
    %get3A_10 = vector.load %arg4[%get3A_8, %get3A_9] : memref<2000x128xf32, #tpu.memory_space<vmem>>, vector<2000x128xf32>
    %add3A_11 = arith.addf %get3A_7, %get3A_10 : vector<2000x128xf32>
    %concatenate3A = tpu.concatenate %add3A, %add3A_11 in 1 : vector<2000x128xf32>, vector<2000x128xf32> -> vector<2000x256xf32>
    %get3A_12 = arith.constant 0 : index
    %get3A_13 = arith.constant 0 : index
    %get3A_14 = vector.load %arg5[%get3A_12, %get3A_13] : memref<2000x1xf32, #tpu.memory_space<vmem>>, vector<2000x1xf32>
    %mul3A = vector.broadcast %get3A_14 : vector<2000x1xf32> to vector<2000x256xf32>
    %mul3A_15 = arith.mulf %concatenate3A, %mul3A : vector<2000x256xf32>
    %get3A_16 = arith.constant 0 : index
    %get3A_17 = arith.constant 0 : index
    %get3A_18 = vector.load %arg6[%get3A_16, %get3A_17] : memref<1x256xf32, #tpu.memory_space<vmem>>, vector<1x256xf32>
    %add3A_19 = vector.broadcast %get3A_18 : vector<1x256xf32> to vector<2000x256xf32>
    %add3A_20 = arith.addf %mul3A_15, %add3A_19 : vector<2000x256xf32>
    %max3A = arith.constant 0.000000e+00 : f32
    %max3A_21 = vector.broadcast %max3A : f32 to vector<2000x256xf32>
    %max3A_22 = arith.maximumf %add3A_20, %max3A_21 : vector<2000x256xf32>
    %get3A_23 = arith.constant 0 : index
    %get3A_24 = arith.constant 0 : index
    %get3A_25 = vector.load %arg7[%get3A_23, %get3A_24] : memref<2000x1xi32, #tpu.memory_space<vmem>>, vector<2000x1xi32>
    %iota3A = tpu.iota {dimensions = array<i32: 1>} : vector<2000x16xi32>
    %eq3A = vector.broadcast %get3A_25 : vector<2000x1xi32> to vector<2000x16xi32>
    %eq3A_26 = arith.cmpi eq, %eq3A, %iota3A : vector<2000x16xi32>
    %convert_element_type3A = arith.extui %eq3A_26 : vector<2000x16xi1> to vector<2000x16xi32>
    %convert_element_type3A_27 = arith.sitofp %convert_element_type3A : vector<2000x16xi32> to vector<2000x16xf32>
    %eq3A_28 = arith.constant 0 : i32
    %eq3A_29 = arith.cmpi eq, %arg0, %eq3A_28 : i32
    %convert_element_type3A_30 = arith.extui %eq3A_29 : i1 to i32
    %cond3A = arith.constant 0 : i32
    %cond3A_31 = arith.cmpi ne, %convert_element_type3A_30, %cond3A : i32
    scf.if %cond3A_31 {
      %broadcast_in_dim3A_49 = arith.constant 0.000000e+00 : f32
      %broadcast_in_dim3A_50 = vector.broadcast %broadcast_in_dim3A_49 : f32 to vector<16x256xf32>
      %swap3A_51 = arith.constant 0 : index
      %swap3A_52 = arith.constant 0 : index
      %swap3A_53 = vector.load %arg8[%swap3A_51, %swap3A_52] : memref<16x256xf32, #tpu.memory_space<vmem>>, vector<16x256xf32>
      tpu.vector_store %arg8[%swap3A_51, %swap3A_52], %broadcast_in_dim3A_50 {strides = array<i32>} : memref<16x256xf32, #tpu.memory_space<vmem>>, vector<16x256xf32>,
      %broadcast_in_dim3A_54 = arith.constant 0.000000e+00 : f32
      %broadcast_in_dim3A_55 = vector.broadcast %broadcast_in_dim3A_54 : f32 to vector<16x128xf32>
      %swap3A_56 = arith.constant 0 : index
      %swap3A_57 = arith.constant 0 : index
      %swap3A_58 = vector.load %arg9[%swap3A_56, %swap3A_57] : memref<16x128xf32, #tpu.memory_space<vmem>>, vector<16x128xf32>
      tpu.vector_store %arg9[%swap3A_56, %swap3A_57], %broadcast_in_dim3A_55 {strides = array<i32>} : memref<16x128xf32, #tpu.memory_space<vmem>>, vector<16x128xf32>,
    } else {
    }
    %get3A_32 = arith.constant 0 : index
    %get3A_33 = arith.constant 0 : index
    %get3A_34 = vector.load %arg8[%get3A_32, %get3A_33] : memref<16x256xf32, #tpu.memory_space<vmem>>, vector<16x256xf32>
    %dot_general3A = arith.constant dense<0.000000e+00> : vector<16x256xf32>
    %dot_general3A_35 = tpu.matmul %convert_element_type3A_27, %max3A_22, %dot_general3A {dimension_numbers = #tpu.dot_dimension_numbers<[0], [0], [1], [1], [0, 1, 1, 1], [], []>, transpose_lhs_hint = false} : vector<2000x16xf32>, vector<2000x256xf32>, vector<16x256xf32> -> vector<16x256xf32>
    %add3A_36 = arith.addf %get3A_34, %dot_general3A_35 : vector<16x256xf32>
    %swap3A = arith.constant 0 : index
    %swap3A_37 = arith.constant 0 : index
    %swap3A_38 = vector.load %arg8[%swap3A, %swap3A_37] : memref<16x256xf32, #tpu.memory_space<vmem>>, vector<16x256xf32>
    tpu.vector_store %arg8[%swap3A, %swap3A_37], %add3A_36 {strides = array<i32>} : memref<16x256xf32, #tpu.memory_space<vmem>>, vector<16x256xf32>,
    %get3A_39 = arith.constant 0 : index
    %get3A_40 = arith.constant 0 : index
    %get3A_41 = vector.load %arg9[%get3A_39, %get3A_40] : memref<16x128xf32, #tpu.memory_space<vmem>>, vector<16x128xf32>
    %broadcast_in_dim3A = arith.constant 1.000000e+00 : f32
    %broadcast_in_dim3A_42 = vector.broadcast %broadcast_in_dim3A : f32 to vector<2000x128xf32>
    %dot_general3A_43 = arith.constant dense<0.000000e+00> : vector<16x128xf32>
    %dot_general3A_44 = tpu.matmul %convert_element_type3A_27, %broadcast_in_dim3A_42, %dot_general3A_43 {dimension_numbers = #tpu.dot_dimension_numbers<[0], [0], [1], [1], [0, 1, 1, 1], [], []>, transpose_lhs_hint = false} : vector<2000x16xf32>, vector<2000x128xf32>, vector<16x128xf32> -> vector<16x128xf32>
    %add3A_45 = arith.addf %get3A_41, %dot_general3A_44 : vector<16x128xf32>
    %swap3A_46 = arith.constant 0 : index
    %swap3A_47 = arith.constant 0 : index
    %swap3A_48 = vector.load %arg9[%swap3A_46, %swap3A_47] : memref<16x128xf32, #tpu.memory_space<vmem>>, vector<16x128xf32>
    tpu.vector_store %arg9[%swap3A_46, %swap3A_47], %add3A_45 {strides = array<i32>} : memref<16x128xf32, #tpu.memory_space<vmem>>, vector<16x128xf32>,
    return
  }
  func.func @transform_0(%arg0: i32) -> (i32, i32) {
    %c0_i32 = arith.constant 0 : i32
    %c0_i32_0 = arith.constant 0 : i32
    return %arg0, %c0_i32 : i32, i32
  }
  func.func @transform_1(%arg0: i32) -> (i32, i32) {
    %c0_i32 = arith.constant 0 : i32
    %c0_i32_0 = arith.constant 0 : i32
    return %arg0, %c0_i32 : i32, i32
  }
  func.func @transform_2(%arg0: i32) -> (i32, i32) {
    %c0_i32 = arith.constant 0 : i32
    %c0_i32_0 = arith.constant 0 : i32
    return %arg0, %c0_i32 : i32, i32
  }
  func.func @transform_3(%arg0: i32) -> (i32, i32) {
    %c0_i32 = arith.constant 0 : i32
    %c0_i32_0 = arith.constant 0 : i32
    return %arg0, %c0_i32 : i32, i32
  }
  func.func @transform_4(%arg0: i32) -> (i32, i32) {
    %c0_i32 = arith.constant 0 : i32
    %c0_i32_0 = arith.constant 0 : i32
    return %arg0, %c0_i32 : i32, i32
  }
  func.func @transform_5(%arg0: i32) -> (i32, i32) {
    %c0_i32 = arith.constant 0 : i32
    %c0_i32_0 = arith.constant 0 : i32
    %c0_i32_1 = arith.constant 0 : i32
    return %c0_i32, %c0_i32_0 : i32, i32
  }
  func.func @transform_6(%arg0: i32) -> (i32, i32) {
    %c0_i32 = arith.constant 0 : i32
    %c0_i32_0 = arith.constant 0 : i32
    return %arg0, %c0_i32 : i32, i32
  }
  func.func @transform_7(%arg0: i32) -> (i32, i32) {
    %c0_i32 = arith.constant 0 : i32
    %c0_i32_0 = arith.constant 0 : i32
    %c0_i32_1 = arith.constant 0 : i32
    return %c0_i32, %c0_i32_0 : i32, i32
  }
  func.func @transform_8(%arg0: i32) -> (i32, i32) {
    %c0_i32 = arith.constant 0 : i32
    %c0_i32_0 = arith.constant 0 : i32
    %c0_i32_1 = arith.constant 0 : i32
    return %c0_i32, %c0_i32_0 : i32, i32
  }
}

module attributes {stable_mosaic.version = 14 : i64} {
  func.func @_head_body(%arg0: memref<16x256xf32, #tpu.memory_space<vmem>>, %arg1: memref<16x128xf32, #tpu.memory_space<vmem>>, %arg2: memref<256x512xf32, #tpu.memory_space<vmem>>, %arg3: memref<1x512xf32, #tpu.memory_space<vmem>>, %arg4: memref<1x512xf32, #tpu.memory_space<vmem>>, %arg5: memref<256x512xf32, #tpu.memory_space<vmem>>, %arg6: memref<1x512xf32, #tpu.memory_space<vmem>>, %arg7: memref<1x512xf32, #tpu.memory_space<vmem>>, %arg8: memref<256x500xf32, #tpu.memory_space<vmem>>, %arg9: memref<1x500xf32, #tpu.memory_space<vmem>>, %arg10: memref<16x500xf32, #tpu.memory_space<vmem>>) attributes {dimension_semantics = [], scalar_prefetch = 0 : i64, scratch_operands = 0 : i64, tpu.core_type = #tpu.core_type<tc>} {
    %get3A = arith.constant 0 : index
    %get3A_0 = arith.constant 0 : index
    %get3A_1 = vector.load %arg1[%get3A, %get3A_0] : memref<16x128xf32, #tpu.memory_space<vmem>>, vector<16x1xf32>
    %max3A = arith.constant 1.000000e+00 : f32
    %max3A_2 = vector.broadcast %max3A : f32 to vector<16x1xf32>
    %max3A_3 = arith.maximumf %get3A_1, %max3A_2 : vector<16x1xf32>
    %get3A_4 = arith.constant 0 : index
    %get3A_5 = arith.constant 0 : index
    %get3A_6 = vector.load %arg0[%get3A_4, %get3A_5] : memref<16x256xf32, #tpu.memory_space<vmem>>, vector<16x256xf32>
    %div3A = vector.broadcast %max3A_3 : vector<16x1xf32> to vector<16x256xf32>
    %div3A_7 = arith.divf %get3A_6, %div3A : vector<16x256xf32>
    %get3A_8 = arith.constant 0 : index
    %get3A_9 = arith.constant 0 : index
    %get3A_10 = vector.load %arg2[%get3A_8, %get3A_9] : memref<256x512xf32, #tpu.memory_space<vmem>>, vector<256x512xf32>
    %dot_general3A = arith.constant dense<0.000000e+00> : vector<16x512xf32>
    %dot_general3A_11 = tpu.matmul %div3A_7, %get3A_10, %dot_general3A {dimension_numbers = #tpu.dot_dimension_numbers<[1], [0], [0], [1], [0, 0, 1, 1], [], []>, transpose_lhs_hint = false} : vector<16x256xf32>, vector<256x512xf32>, vector<16x512xf32> -> vector<16x512xf32>
    %get3A_12 = arith.constant 0 : index
    %get3A_13 = arith.constant 0 : index
    %get3A_14 = vector.load %arg3[%get3A_12, %get3A_13] : memref<1x512xf32, #tpu.memory_space<vmem>>, vector<1x512xf32>
    %add3A = vector.broadcast %get3A_14 : vector<1x512xf32> to vector<16x512xf32>
    %add3A_15 = arith.addf %dot_general3A_11, %add3A : vector<16x512xf32>
    %get3A_16 = arith.constant 0 : index
    %get3A_17 = arith.constant 0 : index
    %get3A_18 = vector.load %arg4[%get3A_16, %get3A_17] : memref<1x512xf32, #tpu.memory_space<vmem>>, vector<1x512xf32>
    %add3A_19 = vector.broadcast %get3A_18 : vector<1x512xf32> to vector<16x512xf32>
    %add3A_20 = arith.addf %add3A_15, %add3A_19 : vector<16x512xf32>
    %slice3A = vector.extract_strided_slice %add3A_20 {offsets = [0, 0], sizes = [16, 128], strides = [1, 1]} : vector<16x512xf32> to vector<16x128xf32>
    %mul3A = arith.constant 5.000000e-01 : f32
    %mul3A_21 = vector.broadcast %mul3A : f32 to vector<16x128xf32>
    %mul3A_22 = arith.mulf %mul3A_21, %slice3A : vector<16x128xf32>
    %tanh3A = math.tanh %mul3A_22 : vector<16x128xf32>
    %add3A_23 = arith.constant 1.000000e+00 : f32
    %add3A_24 = vector.broadcast %add3A_23 : f32 to vector<16x128xf32>
    %add3A_25 = arith.addf %tanh3A, %add3A_24 : vector<16x128xf32>
    %mul3A_26 = arith.constant 5.000000e-01 : f32
    %mul3A_27 = vector.broadcast %mul3A_26 : f32 to vector<16x128xf32>
    %mul3A_28 = arith.mulf %mul3A_27, %add3A_25 : vector<16x128xf32>
    %slice3A_29 = vector.extract_strided_slice %add3A_20 {offsets = [0, 256], sizes = [16, 128], strides = [1, 1]} : vector<16x512xf32> to vector<16x128xf32>
    %tanh3A_30 = math.tanh %slice3A_29 : vector<16x128xf32>
    %slice3A_31 = vector.extract_strided_slice %add3A_20 {offsets = [0, 384], sizes = [16, 128], strides = [1, 1]} : vector<16x512xf32> to vector<16x128xf32>
    %mul3A_32 = arith.constant 5.000000e-01 : f32
    %mul3A_33 = vector.broadcast %mul3A_32 : f32 to vector<16x128xf32>
    %mul3A_34 = arith.mulf %mul3A_33, %slice3A_31 : vector<16x128xf32>
    %tanh3A_35 = math.tanh %mul3A_34 : vector<16x128xf32>
    %add3A_36 = arith.constant 1.000000e+00 : f32
    %add3A_37 = vector.broadcast %add3A_36 : f32 to vector<16x128xf32>
    %add3A_38 = arith.addf %tanh3A_35, %add3A_37 : vector<16x128xf32>
    %mul3A_39 = arith.constant 5.000000e-01 : f32
    %mul3A_40 = vector.broadcast %mul3A_39 : f32 to vector<16x128xf32>
    %mul3A_41 = arith.mulf %mul3A_40, %add3A_38 : vector<16x128xf32>
    %mul3A_42 = arith.mulf %mul3A_28, %tanh3A_30 : vector<16x128xf32>
    %tanh3A_43 = math.tanh %mul3A_42 : vector<16x128xf32>
    %mul3A_44 = arith.mulf %mul3A_41, %tanh3A_43 : vector<16x128xf32>
    %get3A_45 = arith.constant 0 : index
    %get3A_46 = arith.constant 0 : index
    %get3A_47 = vector.load %arg5[%get3A_45, %get3A_46] : memref<256x512xf32, #tpu.memory_space<vmem>>, vector<256x512xf32>
    %dot_general3A_48 = arith.constant dense<0.000000e+00> : vector<16x512xf32>
    %dot_general3A_49 = tpu.matmul %div3A_7, %get3A_47, %dot_general3A_48 {dimension_numbers = #tpu.dot_dimension_numbers<[1], [0], [0], [1], [0, 0, 1, 1], [], []>, transpose_lhs_hint = false} : vector<16x256xf32>, vector<256x512xf32>, vector<16x512xf32> -> vector<16x512xf32>
    %get3A_50 = arith.constant 0 : index
    %get3A_51 = arith.constant 0 : index
    %get3A_52 = vector.load %arg6[%get3A_50, %get3A_51] : memref<1x512xf32, #tpu.memory_space<vmem>>, vector<1x512xf32>
    %add3A_53 = vector.broadcast %get3A_52 : vector<1x512xf32> to vector<16x512xf32>
    %add3A_54 = arith.addf %dot_general3A_49, %add3A_53 : vector<16x512xf32>
    %get3A_55 = arith.constant 0 : index
    %get3A_56 = arith.constant 0 : index
    %get3A_57 = vector.load %arg7[%get3A_55, %get3A_56] : memref<1x512xf32, #tpu.memory_space<vmem>>, vector<1x512xf32>
    %add3A_58 = vector.broadcast %get3A_57 : vector<1x512xf32> to vector<16x512xf32>
    %add3A_59 = arith.addf %add3A_54, %add3A_58 : vector<16x512xf32>
    %slice3A_60 = vector.extract_strided_slice %add3A_59 {offsets = [0, 0], sizes = [16, 128], strides = [1, 1]} : vector<16x512xf32> to vector<16x128xf32>
    %mul3A_61 = arith.constant 5.000000e-01 : f32
    %mul3A_62 = vector.broadcast %mul3A_61 : f32 to vector<16x128xf32>
    %mul3A_63 = arith.mulf %mul3A_62, %slice3A_60 : vector<16x128xf32>
    %tanh3A_64 = math.tanh %mul3A_63 : vector<16x128xf32>
    %add3A_65 = arith.constant 1.000000e+00 : f32
    %add3A_66 = vector.broadcast %add3A_65 : f32 to vector<16x128xf32>
    %add3A_67 = arith.addf %tanh3A_64, %add3A_66 : vector<16x128xf32>
    %mul3A_68 = arith.constant 5.000000e-01 : f32
    %mul3A_69 = vector.broadcast %mul3A_68 : f32 to vector<16x128xf32>
    %mul3A_70 = arith.mulf %mul3A_69, %add3A_67 : vector<16x128xf32>
    %slice3A_71 = vector.extract_strided_slice %add3A_59 {offsets = [0, 256], sizes = [16, 128], strides = [1, 1]} : vector<16x512xf32> to vector<16x128xf32>
    %tanh3A_72 = math.tanh %slice3A_71 : vector<16x128xf32>
    %slice3A_73 = vector.extract_strided_slice %add3A_59 {offsets = [0, 384], sizes = [16, 128], strides = [1, 1]} : vector<16x512xf32> to vector<16x128xf32>
    %mul3A_74 = arith.constant 5.000000e-01 : f32
    %mul3A_75 = vector.broadcast %mul3A_74 : f32 to vector<16x128xf32>
    %mul3A_76 = arith.mulf %mul3A_75, %slice3A_73 : vector<16x128xf32>
    %tanh3A_77 = math.tanh %mul3A_76 : vector<16x128xf32>
    %add3A_78 = arith.constant 1.000000e+00 : f32
    %add3A_79 = vector.broadcast %add3A_78 : f32 to vector<16x128xf32>
    %add3A_80 = arith.addf %tanh3A_77, %add3A_79 : vector<16x128xf32>
    %mul3A_81 = arith.constant 5.000000e-01 : f32
    %mul3A_82 = vector.broadcast %mul3A_81 : f32 to vector<16x128xf32>
    %mul3A_83 = arith.mulf %mul3A_82, %add3A_80 : vector<16x128xf32>
    %mul3A_84 = arith.mulf %mul3A_70, %tanh3A_72 : vector<16x128xf32>
    %tanh3A_85 = math.tanh %mul3A_84 : vector<16x128xf32>
    %mul3A_86 = arith.mulf %mul3A_83, %tanh3A_85 : vector<16x128xf32>
    %concatenate3A = tpu.concatenate %mul3A_44, %mul3A_86 in 1 : vector<16x128xf32>, vector<16x128xf32> -> vector<16x256xf32>
    %get3A_87 = arith.constant 0 : index
    %get3A_88 = arith.constant 0 : index
    %get3A_89 = vector.load %arg8[%get3A_87, %get3A_88] : memref<256x500xf32, #tpu.memory_space<vmem>>, vector<256x500xf32>
    %dot_general3A_90 = arith.constant dense<0.000000e+00> : vector<16x500xf32>
    %dot_general3A_91 = tpu.matmul %concatenate3A, %get3A_89, %dot_general3A_90 {dimension_numbers = #tpu.dot_dimension_numbers<[1], [0], [0], [1], [0, 0, 1, 1], [], []>, transpose_lhs_hint = false} : vector<16x256xf32>, vector<256x500xf32>, vector<16x500xf32> -> vector<16x500xf32>
    %get3A_92 = arith.constant 0 : index
    %get3A_93 = arith.constant 0 : index
    %get3A_94 = vector.load %arg9[%get3A_92, %get3A_93] : memref<1x500xf32, #tpu.memory_space<vmem>>, vector<1x500xf32>
    %add3A_95 = vector.broadcast %get3A_94 : vector<1x500xf32> to vector<16x500xf32>
    %add3A_96 = arith.addf %dot_general3A_91, %add3A_95 : vector<16x500xf32>
    %reduce_max3A = arith.constant dense<0xFF800000> : vector<16xf32>
    %reduce_max3A_97 = vector.multi_reduction <maximumf>, %add3A_96, %reduce_max3A [1] : vector<16x500xf32> to vector<16xf32>
    %broadcast_in_dim3A = vector.shape_cast %reduce_max3A_97 : vector<16xf32> to vector<16x1xf32>
    %sub3A = vector.broadcast %broadcast_in_dim3A : vector<16x1xf32> to vector<16x500xf32>
    %sub3A_98 = arith.subf %add3A_96, %sub3A : vector<16x500xf32>
    %exp3A = math.exp %sub3A_98 : vector<16x500xf32>
    %reduce_sum3A = arith.constant dense<0.000000e+00> : vector<16xf32>
    %reduce_sum3A_99 = vector.multi_reduction <add>, %exp3A, %reduce_sum3A [1] : vector<16x500xf32> to vector<16xf32>
    %broadcast_in_dim3A_100 = vector.shape_cast %reduce_sum3A_99 : vector<16xf32> to vector<16x1xf32>
    %log3A = math.log %broadcast_in_dim3A_100 : vector<16x1xf32>
    %sub3A_101 = vector.broadcast %log3A : vector<16x1xf32> to vector<16x500xf32>
    %sub3A_102 = arith.subf %sub3A_98, %sub3A_101 : vector<16x500xf32>
    %swap3A = arith.constant 0 : index
    %swap3A_103 = arith.constant 0 : index
    %swap3A_104 = vector.load %arg10[%swap3A, %swap3A_103] : memref<16x500xf32, #tpu.memory_space<vmem>>, vector<16x500xf32>
    tpu.vector_store %arg10[%swap3A, %swap3A_103], %sub3A_102 {strides = array<i32>} : memref<16x500xf32, #tpu.memory_space<vmem>>, vector<16x500xf32>,
    return
  }
}

</mosaic_0001>

<sc_bundles>
// kernel: kernel.11.cloned.1.call-start
scs
__scs_entry_jumppad:
0x0: {  	(pc) =	sbr.rel $0x88, $3  }
0x1: {  	(tag) =	ssettag $0x0;
	lr =	simm.s32 $0x1  }
0x2: {  	[smem:$0x3F90] =	sst lr;
	_ =	strace $0xD0000000  }
0x3: {  	_ = 	snop  }
0x4: {  	_ = 	snop  }
0x5: {  	_ = 	snop  }
0x6: {  	_ = 	snop  }
0x7: {  	_ = 	snop  }
__scs_overlays_trampoline_lowered:
0x8: {  	[smem:$0x3F9F] =	sst s0  }
0x9: {  	[smem:$0x3FA0] =	sst s1  }
0xa: {  	[smem:$0x3FA1] =	sst s2  }
0xb: {  	[smem:$0x3FA2] =	sst s3  }
0xc: {  	[smem:$0x3FA3] =	sst s4  }
0xd: {  	[smem:$0x3FA4] =	sst s5  }
0xe: {  	[smem:$0x3FA5] =	sst s6  }
0xf: {  	[smem:$0x3FA6] =	sst s7  }
0x10: {  	[smem:$0x3FA7] =	sst s8  }
0x11: {  	[smem:$0x3FA8] =	sst s9;
	s0 =	simm.s32 @!p0 $0x0  }
0x12: {  	s1 =	sld [smem:$0x3F8E];
	s0 =	simm.s32 @p0 $0x1  }
0x13: {  	[smem:$0x3FA9] =	sst s0;
	s0 =	simm.s32 @!p1 $0x0  }
0x14: {  	s2 =	sld [smem:$0x3F8D];
	s0 =	simm.s32 @p1 $0x1  }
0x15: {  	[smem:$0x3FAA] =	sst s0;
	s0 =	simm.s32 @!p2 $0x0  }
0x16: {  	s3 =	sld [smem:$0x3FDB];
	s0 =	simm.s32 @p2 $0x1  }
0x17: {  	s4 =	simm.s32 $0x1BF5;
	[smem:$0x3FAC] =	sst s0  }
0x18: {  	s0 =	sld [smem:$0x3F8F];
	_ =	swait.ge [sflag:s4], $0x0  }
0x19: {  	s7 =	sld [smem:$0x3F90]  }
0x1a: {  	s8 =	sadd.s32 $0xFFFFE003, lr  }
0x1b: {  	s9 =	sadd.s32 $0xFFFFFEF7, lr;
	s5 =	simm.s32 $0xFFFFFFFF;
	p2 =	slt.u32 s8, $0xFFFFF086  }
0x1c: {  	p1 =	slt.u32 s9, $0xF7A;
	s5 =	simm.s32 @!p2 $0x0  }
0x1d: {  	s5 =	simm.s32 @p1 $0x1;
	p0 =	seq.s32 s7, s2  }
0x1e: {  	s7 =	smul.u32 @!p0 $0xF7A, s2;
	p2 =	seq.s32 @!p0 s5, $0x0  }
0x1f: {  	s9 =	smul.u32 $0xF7A, s1;
	s8 =	simm.s32 @!p0 $0x1BF5;
	p2 =	por !p2, p0  }
0x20: {  	[sflag:s8] =	ssyncset.s32 @!p0 $0xFFFFF086;
	s6 =	sadd.s32 @!p0 s3, s7;
	s7 =	simm.s32 @!p0 $0x108  }
0x21: {  	s3 =	sadd.s32 s3, s9;
	s6 =	sadd.s32 @!p0 $0x88, s6;
	s7 =	simm.s32 @p2 $0x1082  }
0x22: {  	[simem:s7], [sflag:s8] =	dma.local @!p0 [hbm:s6], $0xF7A  }
0x23: {  	s9 =	sor.u32 $0xD0000000, s2;
	s6 =	simm.s32 $0x108;
	_ =	swait.ge @!p0 [sflag:s8], $0x0  }
0x24: {  	s3 =	sadd.s32 $0x88, s3;
	s6 =	simm.s32 @!p1 $0x1082;
	[sflag:s4] =	ssyncset.s32 $0xFFFFF086  }
0x25: {  	[simem:s6], [sflag:s4] =	dma.local [hbm:s3], $0xF7A  }
0x26: {  	[smem:$0x3F90] =	sst s1;
	(tag) =	ssettag s2;
	_ =	strace s9  }
0x27: {  	s1 =	sld [smem:$0x3FA0]  }
0x28: {  	s2 =	sld [smem:$0x3FA1]  }
0x29: {  	s4 =	sld [smem:$0x3FA3]  }
0x2a: {  	p0 =	seq.s32 s5, $0x0;
	s5 =	sld [smem:$0x3FA4]  }
0x2b: {  	s6 =	sld [smem:$0x3FA5]  }
0x2c: {  	s7 =	sld [smem:$0x3FA6]  }
0x2d: {  	s3 =	simm.s32 $0x108;
	s8 =	sld [smem:$0x3FA7]  }
0x2e: {  	s3 =	simm.s32 @!p0 $0x1082;
	s9 =	sld [smem:$0x3FA8]  }
0x2f: {  	lr =	sadd.s32 s0, s3;
	s0 =	sld [smem:$0x3F9F]  }
0x30: {  	s3 =	sld [smem:$0x3FA2]  }
0x31: {  	[smem:$0x3FAB] =	sst s10  }
0x32: {  	s10 =	sld [smem:$0x3FA9];
	_ =	sdelay $0x3  }
0x33: {  	p0 =	seq.s32 s10, $0x1;
	s10 =	sld [smem:$0x3FAB];
	_ =	sdelay $0x3  }
0x34: {  	[smem:$0x3FAB] =	sst s10  }
0x35: {  	s10 =	sld [smem:$0x3FAA];
	_ =	sdelay $0x3  }
0x36: {  	p1 =	seq.s32 s10, $0x1;
	s10 =	sld [smem:$0x3FAB];
	_ =	sdelay $0x3  }
0x37: {  	[smem:$0x3FAB] =	sst s10  }
0x38: {  	s10 =	sld [smem:$0x3FAC]  }
0x39: {  	_ = 	snop;
	(pc) =	sbr.ind lr, $3  }
0x3a: {  	_ = 	snop  }
0x3b: {  	_ = 	snop  }
0x3c: {  	p2 =	seq.s32 s10, $0x1;
	s10 =	sld [smem:$0x3FAB]  }
0x3d: {  	_ =	shalt  }
0x3e: {  	_ =	shalt  }
0x3f: {  	_ =	shalt  }
0x40: {  	_ =	shalt  }
0x41: {  	_ =	shalt  }
0x42: {  	_ =	shalt  }
0x43: {  	_ =	shalt  }
0x44: {  	_ =	shalt  }
0x45: {  	_ =	shalt  }
0x46: {  	_ =	shalt  }
0x47: {  	_ =	shalt  }
0x48: {  	_ =	shalt  }
0x49: {  	_ =	shalt  }
0x4a: {  	_ =	shalt  }
0x4b: {  	_ =	shalt  }
0x4c: {  	_ =	shalt  }
0x4d: {  	_ =	shalt  }
0x4e: {  	_ =	shalt  }
0x4f: {  	_ =	shalt  }
0x50: {  	_ =	shalt  }
0x51: {  	_ =	shalt  }
0x52: {  	_ =	shalt  }
0x53: {  	_ =	shalt  }
0x54: {  	_ =	shalt  }
0x55: {  	_ =	shalt  }
0x56: {  	_ =	shalt  }
0x57: {  	_ =	shalt  }
0x58: {  	_ =	shalt  }
0x59: {  	_ =	shalt  }
0x5a: {  	_ =	shalt  }
0x5b: {  	_ =	shalt  }
0x5c: {  	_ =	shalt  }
0x5d: {  	_ =	shalt  }
0x5e: {  	_ =	shalt  }
0x5f: {  	_ =	shalt  }
0x60: {  	_ =	shalt  }
0x61: {  	_ =	shalt  }
0x62: {  	_ =	shalt  }
0x63: {  	_ =	shalt  }
0x64: {  	_ =	shalt  }
0x65: {  	_ =	shalt  }
0x66: {  	_ =	shalt  }
0x67: {  	_ =	shalt  }
0x68: {  	_ =	shalt  }
0x69: {  	_ =	shalt  }
0x6a: {  	_ =	shalt  }
0x6b: {  	_ =	shalt  }
0x6c: {  	_ =	shalt  }
0x6d: {  	_ =	shalt  }
0x6e: {  	_ =	shalt  }
0x6f: {  	_ =	shalt  }
0x70: {  	_ =	shalt  }
0x71: {  	_ =	shalt  }
0x72: {  	_ =	shalt  }
0x73: {  	_ =	shalt  }
0x74: {  	_ =	shalt  }
0x75: {  	_ =	shalt  }
0x76: {  	_ =	shalt  }
0x77: {  	_ =	shalt  }
0x78: {  	_ =	shalt  }
0x79: {  	_ =	shalt  }
0x7a: {  	_ =	shalt  }
0x7b: {  	_ =	shalt  }
0x7c: {  	_ =	shalt  }
0x7d: {  	_ =	shalt  }
0x7e: {  	_ =	shalt  }
0x7f: {  	_ =	shalt  }
0x80: {  	_ =	shalt  }
0x81: {  	_ =	shalt  }
0x82: {  	_ =	shalt  }
0x83: {  	_ =	shalt  }
0x84: {  	_ =	shalt  }
0x85: {  	_ =	shalt  }
0x86: {  	_ =	shalt  }
0x87: {  	_ =	shalt  }
.Lfunc_end0:
.L_simem_size_0:
called_computation_lowered:
.L_overlay_start_0:
0x88: {  	s2 =	sld [smem:$0x3FD9]  }
0x89: {  	s3 =	sld [smem:$0x3FFE];
	_ =	sdelay $0x1  }
0x8a: {  	s1 =	srdreg.scid  }
0x8b: {  	s0 =	sand.u32 $0x1, s1  }
0x8c: {  	s16 =	sshll.u32 s0, $0xA;
	s2 =	sadd.s32 s3, s2  }
0x8d: {  	s2 =	sadd.s32 s2, s16  }
0x8e: {  	[smem:$0x3FB7] =	sst s2  }
0x8f: {  	_ = 	snop  }
0x90: {  	(tm) =	ssettm $0x1  }
0x91: {  	s17 =	sld [smem:$0x3FFB];
	_ =	sdelay $0x3  }
0x92: {  	_ =	strace s17  }
0x93: {  	s2 =	sld [smem:$0x3FFC];
	_ =	sdelay $0x3  }
0x94: {  	_ =	strace s2  }
0x95: {  	s2 =	sld [smem:$0x3FFD];
	_ =	sdelay $0x3  }
0x96: {  	_ =	strace s2  }
0x97: {  	_ =	strace $0x8FFFFFFF  }
0x98: {  	s18 =	sld [smem:$0x3FDB];
	_ =	sdelay $0x1  }
0x99: {  	s19 =	simm.s32 $_scs_section_size  }
0x9a: {  	s4 =	simm.s32 $_size__tile_overlayer_lowered;
	s5 =	simm.s32 $_tile_overlayer_lowered  }
0x9b: {  	s22 =	simm.s32 $0x1BFF;
	s21 =	sshll.u32 s5, $0x1;
	s2 =	sadd.s32 s19, s18  }
0x9c: {  	s6 =	simm.s32 $0x0;
	s20 =	sshll.u32 s4, $0x1;
	s4 =	sadd.s32 s21, s2  }
0x9d: {  	[timem:s6], [sflag:s22] =	dma.local [hbm:s4], s20  }
0x9e: {  	_ =	swait.ge [sflag:s22], s20  }
0x9f: {  	s3 =	ssub.s32 $0x0, s20;
	[sflag:s22] =	ssyncset.done $0x0  }
0xa0: {  	[sflag:s22] =	ssyncadd.s32 s3;
	_ =	sdelay $0x1  }
0xa1: {  	s23 =	simm.s32 $0x1B8B  }
0xa2: {  	_ =	swait.ge [sflag:s23], $0x1  }
0xa3: {  	[sflag:s23] =	ssyncset.done $0x0  }
0xa4: {  	s25 =	simm.s32 $0x1B8E;
	s24 =	sld [smem:$0x3FFE];
	[sflag:s23] =	ssyncadd.s32 $0xFFFFFFFF  }
0xa5: {  	s26 =	simm.s32 $execute0_lowered;
	[smem:$0x3FD2] =	sst s25  }
0xa6: {  	s4 =	sshll.u32 s26, $0x1;
	_ =	strace $0x80000046;
	[dreg:$0x1] =	wrdreg $0xFFFFFFFF  }
0xa7: {  	s28 =	simm.s32 $_size_execute0_lowered;
	s2 =	sadd.s32 s2, s4;
	[dreg:$0x0] =	wrdreg $0x0  }
0xa8: {  	s4 =	sshll.u32 s28, $0x1;
	[dreg:$0x2] =	wrdreg s2  }
0xa9: {  	[dreg:$0x3] =	wrdreg s4  }
0xaa: {  	[dreg:$0x4] =	wrdreg $0xC0  }
0xab: {  	_ =	task [dreg:s6], $0x5FFFF  }
0xac: {  	[dreg:$0x1] =	wrdreg $0xFFFFFFFF  }
0xad: {  	[dreg:$0x0] =	wrdreg $0x60  }
0xae: {  	[dreg:$0x2] =	wrdreg s24  }
0xaf: {  	[dreg:$0x3] =	wrdreg $0x74000  }
0xb0: {  	[dreg:$0x4] =	wrdreg $0x9  }
0xb1: {  	_ =	task.clear_ibuf [dreg:s6], $0x5FFFF;
	_ =	strace $0x90000046  }
0xb2: {  	s29 =	simm.s32 $0x9;
	_ =	strace $0x80000048  }
0xb3: {  	_ =	swait.ge [sflag:s29], $0x1  }
0xb4: {  	[sflag:s29] =	ssyncadd.s32 $0xFFFFFFFF  }
0xb5: {  	_ =	strace $0x90000048  }
0xb6: {  	_ =	sfence  }
0xb7: {  	s30 =	sld [smem:$0x0];
	_ =	sdelay $0x2  }
0xb8: {  	s31 =	sshll.u32 s1, $0xD;
	s1 =	sshrl.u32 s1, $0x2  }
0xb9: {  	s3 =	sand.u32 $0x4000, s31;
	s1 =	sadd.s32 s1, s30  }
0xba: {  	s0 =	sor.u32 s3, s0;
	s1 =	sshll.u32 s1, $0x11  }
0xbb: {  	s0 =	sor.u32 s1, s0  }
0xbc: {  	s0 =	sadd.s32 $0x8F2B, s0  }
0xbd: {  	[sflag:s0] =	ssyncadd.remote.s32 $0x1  }
0xbe: {  	_ =	sfence.sel $0xFFFF  }
0xbf: {  	[dreg:$0x0] =	wrdreg $0xFFFFFFFF;
	(pc) =	sbr.abs _section_cstart, $3  }
0xc0: {  	[dreg:$0x1] =	wrdreg $0xFFFFFFFF  }
0xc1: {  	_ =	task.clear_ibuf [dreg:s6], $0x2FFFF;
	_ =	strace $0x9FFFFFFF  }
0xc2: {  	(tm) =	ssettm $0x7FFFFFFF  }
0xc3: {  	_ =	shalt  }
tec
execute0_lowered:
.L_overlay_start_1:
0x0: {  	(tag) =	ssettag $0x1  }
0x1: {  	s1 =	srdreg.scid;
	s16 =	rddreg [dreg:$0x0]  }
0x2: {  	s0 =	stileid.u32;
	s2 =	rddreg [dreg:$0x1];
	s3 =	simm.s32 $0x0  }
0x3: {  	s19 =	simm.s32 $0x37A00;
	s20 =	simm.s32 $0x80;
	s21 =	simm.s32 $0x1400  }
0x4: {  	s5 =	sand.u32 $0x1, s1;
	s1 =	rddreg [dreg:$0x2];
	s6 =	smul.u32 $0x50000, s0  }
0x5: {  	s30 =	sshll.u32 s0, $0x1;
	[smem:$0x7FF] =	sst s3;
	s18 =	smul.u32 $0x2800, s0  }
0x6: {  	s4 =	sor.u32 s5, s30;
	_ =	strace $0x80000047;
	s7 =	ssub.s32 $0x2, s5  }
0x7: {  	p0 =	seq.s32 s5, $0x1;
	s4 =	smul.u32 $0x500, s4;
	s31 =	sshrl.u32 s7, $0x1  }
0x8: {  	s6 =	sshrl.u32 s6, $0x2;
	s19 =	simm.s32 @!p0 $0xFA00;
	s7 =	ssub.s32 s7, s31  }
0x9: {  	s19 =	sadd.s32 s19, s16;
	s17 =	sadd.s32 s4, s16;
	s4 =	sadd.s32 s6, s2  }
0xa: {  	s5 =	smax.u32 s7, $0x1;
	s6 =	sadd.s32 $0x2000, s4;
	s7 =	sadd.s32 $0x4000, s4  }
0xb: {  	s8 =	sadd.s32 $0x6000, s4;
	s9 =	sadd.s32 $0x8000, s4;
	s10 =	sadd.s32 $0xA000, s4  }
0xc: {  	s11 =	sadd.s32 $0xC000, s4;
	s12 =	sadd.s32 $0xE000, s4;
	s13 =	sadd.s32 $0x10000, s4  }
0xd: {  	s14 =	sadd.s32 $0x12000, s4;
	s15 =	sadd.s32 $0x5A00, s17;
	s16 =	sadd.s32 $0x5C80, s17  }
0xe: {  	v0 =	vimm.f32 $0.0e+00;
	v1 =	vimm.f32 $1.000000000e+00;
	s17 =	sadd.s32 s19, s18;
	s18 =	simm.s32 $0x5400;
	s19 =	simm.s32 $0x1  }
.LBB2_1:
0xf: {  	s22 =	simm.s32 $0x0  }
.LBB2_2:
0x10: {  	p0 =	sne.s32 s22, $0x7E00  }
.Ltmp0:
0x11: {  	_ = 	snop;
	(pc) =	sbr.rel @p0 .LBB2_2-.Ltmp0, $3  }
0x12: {  	_ =	sdelay $0x1  }
0x13: {  	s23 =	sshra.s32 s22, $0x2  }
0x14: {  	s22 =	sadd.s32 $0x200, s22;
	[tilespmem:s23+$0x5400] =	vst v0  }
0x15: {  	s22 =	simm.s32 $0x200;
	s23 =	simm.s32 $0x0  }
.LBB2_4:
0x16: {  	p0 =	sne.s32 s22, $0xFE00;
	[tilespmem:s23+$0x1400] =	vst v1;
	s23 =	smov.u32 s22;
	s22 =	sadd.s32 $0x200, s22  }
.Ltmp1:
0x17: {  	(pc) =	sbr.rel @p0 .LBB2_4-.Ltmp1, $2  }
0x18: {  	_ =	sdelay $0x2  }
0x19: {  	s23 =	sshra.s32 s23, $0x2  }
0x1a: {  	[tilespmem:s23+$0x1400] =	vst v1  }
0x1b: {  	[spmem:s4] =	stream.linear.scatter [tilespmem:s18], [sflag:$0x1], $0x2000, $0x38;
	[tilespmem:$0x9C00] =	vst v63  }
0x1c: {  	_ =	swait.ge [sflag:s19], $0x2000  }
0x1d: {  	[sflag:s19] =	ssyncset.done $0x0  }
0x1e: {  	[sflag:s19] =	ssyncadd.s32 $0xFFFFE000  }
0x1f: {  	[spmem:s6] =	stream.linear.scatter [tilespmem:s18], [sflag:$0x1], $0x2000, $0x38;
	[tilespmem:$0x9C00] =	vst v63  }
0x20: {  	_ =	swait.ge [sflag:s19], $0x2000  }
0x21: {  	[sflag:s19] =	ssyncset.done $0x0  }
0x22: {  	[sflag:s19] =	ssyncadd.s32 $0xFFFFE000  }
0x23: {  	[spmem:s7] =	stream.linear.scatter [tilespmem:s18], [sflag:$0x1], $0x2000, $0x38;
	[tilespmem:$0x9C00] =	vst v63  }
0x24: {  	_ =	swait.ge [sflag:s19], $0x2000  }
0x25: {  	[sflag:s19] =	ssyncset.done $0x0  }
0x26: {  	[sflag:s19] =	ssyncadd.s32 $0xFFFFE000  }
0x27: {  	[spmem:s8] =	stream.linear.scatter [tilespmem:s18], [sflag:$0x1], $0x2000, $0x38;
	[tilespmem:$0x9C00] =	vst v63  }
0x28: {  	_ =	swait.ge [sflag:s19], $0x2000  }
0x29: {  	[sflag:s19] =	ssyncset.done $0x0  }
0x2a: {  	[sflag:s19] =	ssyncadd.s32 $0xFFFFE000  }
0x2b: {  	[spmem:s9] =	stream.linear.scatter [tilespmem:s18], [sflag:$0x1], $0x2000, $0x38;
	[tilespmem:$0x9C00] =	vst v63  }
0x2c: {  	_ =	swait.ge [sflag:s19], $0x2000  }
0x2d: {  	[sflag:s19] =	ssyncset.done $0x0  }
0x2e: {  	[sflag:s19] =	ssyncadd.s32 $0xFFFFE000  }
0x2f: {  	[spmem:s10] =	stream.linear.scatter [tilespmem:s18], [sflag:$0x1], $0x2000, $0x38;
	[tilespmem:$0x9C00] =	vst v63  }
0x30: {  	_ =	swait.ge [sflag:s19], $0x2000  }
0x31: {  	[sflag:s19] =	ssyncset.done $0x0  }
0x32: {  	[sflag:s19] =	ssyncadd.s32 $0xFFFFE000  }
0x33: {  	[spmem:s11] =	stream.linear.scatter [tilespmem:s18], [sflag:$0x1], $0x2000, $0x38;
	[tilespmem:$0x9C00] =	vst v63  }
0x34: {  	_ =	swait.ge [sflag:s19], $0x2000  }
0x35: {  	[sflag:s19] =	ssyncset.done $0x0  }
0x36: {  	[sflag:s19] =	ssyncadd.s32 $0xFFFFE000  }
0x37: {  	[spmem:s12] =	stream.linear.scatter [tilespmem:s18], [sflag:$0x1], $0x2000, $0x38;
	[tilespmem:$0x9C00] =	vst v63  }
0x38: {  	_ =	swait.ge [sflag:s19], $0x2000  }
0x39: {  	[sflag:s19] =	ssyncset.done $0x0  }
0x3a: {  	[sflag:s19] =	ssyncadd.s32 $0xFFFFE000  }
0x3b: {  	[spmem:s13] =	stream.linear.scatter [tilespmem:s18], [sflag:$0x1], $0x2000, $0x38;
	[tilespmem:$0x9C00] =	vst v63  }
0x3c: {  	_ =	swait.ge [sflag:s19], $0x2000  }
0x3d: {  	[sflag:s19] =	ssyncset.done $0x0  }
0x3e: {  	[sflag:s19] =	ssyncadd.s32 $0xFFFFE000  }
0x3f: {  	[spmem:s14] =	stream.linear.scatter [tilespmem:s18], [sflag:$0x1], $0x2000, $0x38;
	[tilespmem:$0x9C00] =	vst v63  }
0x40: {  	_ =	swait.ge [sflag:s19], $0x2000  }
0x41: {  	[sflag:s19] =	ssyncset.done $0x0  }
0x42: {  	[sflag:s19] =	ssyncadd.s32 $0xFFFFE000  }
0x43: {  	s22 =	simm.s32 $0x0;
	[bflag:$0x0] =	sbarrier.arrive $0xFFFF  }
0x44: {  	[tilespmem:s22], [sflag:$0x1] =	stream.linear.gather [hbm4b:s15+s22], $0x1400, $0x38;
	[tilespmem:$0x9C00] =	vst v63  }
0x45: {  	_ =	swait.ge [sflag:s19], $0x1400  }
0x46: {  	[sflag:s19] =	ssyncset.done $0x0  }
0x47: {  	s31 =	simm.s32 $0x0;
	[sflag:s19] =	ssyncadd.s32 $0xFFFFEC00  }
0x48: {  	[spmem:s2] =	stream.indirect.scatter.add.f32 [tilespmem:s21], [sflag:$0x1], $0x10, s31, s20, $0xb8;
	[tilespmem:$0x9C00] =	vst v63  }
0x49: {  	_ =	swait.ge [sflag:s19], $0x800  }
0x4a: {  	s22 =	simm.s32 $0x200;
	[sflag:s19] =	ssyncset.done $0x0  }
.LBB2_6:
0x4b: {  	s23 =	sshra.s32 s22, $0x2;
	[sflag:s19] =	ssyncadd.s32 $0xFFFFF800;
	p0 =	sne.s32 s22, $0x4E00  }
0x4c: {  	[spmem:s2] =	stream.indirect.scatter.add.f32 [tilespmem:s21], [sflag:$0x1], $0x10, s23, s20, $0xb8;
	[tilespmem:$0x9C00] =	vst v63  }
.Ltmp2:
0x4d: {  	_ = 	snop;
	(pc) =	sbr.rel @p0 .LBB2_6-.Ltmp2, $4  }
0x4e: {  	_ = 	snop  }
0x4f: {  	s22 =	sadd.s32 $0x200, s22  }
0x50: {  	_ =	swait.ge [sflag:s19], $0x800  }
0x51: {  	[sflag:s19] =	ssyncset.done $0x0  }
0x52: {  	[sflag:s19] =	ssyncadd.s32 $0xFFFFF800;
	s22 =	simm.s32 $0x0  }
0x53: {  	[tilespmem:s22], [sflag:$0x1] =	stream.linear.gather [hbm4b:s16+s22], $0x1400, $0x38;
	[tilespmem:$0x9C00] =	vst v63  }
0x54: {  	_ =	swait.ge [sflag:s19], $0x1400  }
0x55: {  	[sflag:s19] =	ssyncset.done $0x0  }
0x56: {  	s31 =	simm.s32 $0x0;
	[sflag:s19] =	ssyncadd.s32 $0xFFFFEC00  }
0x57: {  	[spmem:s2] =	stream.indirect.scatter.add.f32 [tilespmem:s21], [sflag:$0x1], $0x10, s31, s20, $0xb8;
	[tilespmem:$0x9C00] =	vst v63  }
0x58: {  	_ =	swait.ge [sflag:s19], $0x800  }
0x59: {  	s22 =	simm.s32 $0x200;
	[sflag:s19] =	ssyncset.done $0x0  }
.LBB2_8:
0x5a: {  	s23 =	sshra.s32 s22, $0x2;
	[sflag:s19] =	ssyncadd.s32 $0xFFFFF800;
	p0 =	sne.s32 s22, $0x4E00  }
0x5b: {  	[spmem:s2] =	stream.indirect.scatter.add.f32 [tilespmem:s21], [sflag:$0x1], $0x10, s23, s20, $0xb8;
	[tilespmem:$0x9C00] =	vst v63  }
.Ltmp3:
0x5c: {  	_ = 	snop;
	(pc) =	sbr.rel @p0 .LBB2_8-.Ltmp3, $4  }
0x5d: {  	_ = 	snop  }
0x5e: {  	s22 =	sadd.s32 $0x200, s22  }
0x5f: {  	_ =	swait.ge [sflag:s19], $0x800  }
0x60: {  	[sflag:s19] =	ssyncset.done $0x0  }
0x61: {  	[sflag:s19] =	ssyncadd.s32 $0xFFFFF800;
	s3 =	sadd.s32 $0x1, s3  }
0x62: {  	s22 =	sshll.u32 s0, $0x6;
	s23 =	sshrl.u32 s4, $0x3;
	p0 =	sne.s32 s3, s5  }
.Ltmp4:
0x63: {  	[bflag:$0x0] =	sbarrier.arrive $0xFFFF;
	s22 =	sor.u32 $0x1C01, s22;
	(pc) =	sbr.rel @p0 .LBB2_1-.Ltmp4, $4  }
0x64: {  	[hbm:s17], [sflag:s22] =	dma.local [spmem:s23], $0x2800  }
0x65: {  	_ =	swait.ge [sflag:s19], $0x2800  }
0x66: {  	[sflag:s19] =	ssyncset.done $0x0  }
0x67: {  	[sflag:s19] =	ssyncadd.s32 $0xFFFFD800  }
0x68: {  	_ =	sfence.sel $0x180000  }
0x69: {  	[bflag:$0x0] =	sbarrier.arrive $0xFFFF  }
0x6a: {  	p0 =	sne.s32 s0, $0x0;
	_ =	strace $0x90000047  }
0x6b: {  	s0 =	sadd.s32 @!p0 $0x100000, s1;
	[bflag:$0x2] =	sbarrier.arrive $0xFFFF  }
0x6c: {  	[sflag:s0] =	ssyncadd.tile.s32 @!p0 $0x1;
	_ =	shalt  }
.Lfunc_end2:
_tile_overlayer_lowered:
.L_overlay_start_2:
0x6d: {  	(tag) =	ssettag $0x2  }
0x6e: {  	s0 =	rddreg [dreg:$0x0];
	s2 =	stileid.u32  }
0x6f: {  	s1 =	rddreg [dreg:$0x1];
	p0 =	sne.s32 s2, $0x0  }
0x70: {  	s3 =	rddreg [dreg:$0x2];
	[bflag:$0x3] =	sbarrier.arrive $0xFFFF;
	s2 =	simm.s32 @!p0 $0x1C01  }
0x71: {  	[timem:s3], [sflag:s2] =	dma.local @!p0 [hbm:s0], s1  }
0x72: {  	s0 =	simm.s32 @!p0 $0x1  }
0x73: {  	_ =	swait.ge @!p0 [sflag:s0], s1  }
0x74: {  	s1 =	ssub.s32 @!p0 $0x0, s1;
	[sflag:s0] =	ssyncset.done @!p0 $0x0  }
0x75: {  	[sflag:s0] =	ssyncadd.s32 @!p0 s1  }
0x76: {  	[bflag:$0x3] =	sbarrier.arrive $0xFFFF  }
0x77: {  	_ =	shalt  }

// kernel: kernel.14.cloned.1.call-start
scs
__scs_entry_jumppad:
0x0: {  	(pc) =	sbr.rel $0x88, $3  }
0x1: {  	(tag) =	ssettag $0x0;
	lr =	simm.s32 $0x1  }
0x2: {  	[smem:$0x3F90] =	sst lr;
	_ =	strace $0xD0000000  }
0x3: {  	_ = 	snop  }
0x4: {  	_ = 	snop  }
0x5: {  	_ = 	snop  }
0x6: {  	_ = 	snop  }
0x7: {  	_ = 	snop  }
__scs_overlays_trampoline_lowered:
0x8: {  	[smem:$0x3F9F] =	sst s0  }
0x9: {  	[smem:$0x3FA0] =	sst s1  }
0xa: {  	[smem:$0x3FA1] =	sst s2  }
0xb: {  	[smem:$0x3FA2] =	sst s3  }
0xc: {  	[smem:$0x3FA3] =	sst s4  }
0xd: {  	[smem:$0x3FA4] =	sst s5  }
0xe: {  	[smem:$0x3FA5] =	sst s6  }
0xf: {  	[smem:$0x3FA6] =	sst s7  }
0x10: {  	[smem:$0x3FA7] =	sst s8  }
0x11: {  	[smem:$0x3FA8] =	sst s9;
	s0 =	simm.s32 @!p0 $0x0  }
0x12: {  	s1 =	sld [smem:$0x3F8E];
	s0 =	simm.s32 @p0 $0x1  }
0x13: {  	[smem:$0x3FA9] =	sst s0;
	s0 =	simm.s32 @!p1 $0x0  }
0x14: {  	s2 =	sld [smem:$0x3F8D];
	s0 =	simm.s32 @p1 $0x1  }
0x15: {  	[smem:$0x3FAA] =	sst s0;
	s0 =	simm.s32 @!p2 $0x0  }
0x16: {  	s3 =	sld [smem:$0x3FDB];
	s0 =	simm.s32 @p2 $0x1  }
0x17: {  	s4 =	simm.s32 $0x1BF5;
	[smem:$0x3FAC] =	sst s0  }
0x18: {  	s0 =	sld [smem:$0x3F8F];
	_ =	swait.ge [sflag:s4], $0x0  }
0x19: {  	s7 =	sld [smem:$0x3F90]  }
0x1a: {  	s8 =	sadd.s32 $0xFFFFE003, lr  }
0x1b: {  	s9 =	sadd.s32 $0xFFFFFEF7, lr;
	s5 =	simm.s32 $0xFFFFFFFF;
	p2 =	slt.u32 s8, $0xFFFFF086  }
0x1c: {  	p1 =	slt.u32 s9, $0xF7A;
	s5 =	simm.s32 @!p2 $0x0  }
0x1d: {  	s5 =	simm.s32 @p1 $0x1;
	p0 =	seq.s32 s7, s2  }
0x1e: {  	s7 =	smul.u32 @!p0 $0xF7A, s2;
	p2 =	seq.s32 @!p0 s5, $0x0  }
0x1f: {  	s9 =	smul.u32 $0xF7A, s1;
	s8 =	simm.s32 @!p0 $0x1BF5;
	p2 =	por !p2, p0  }
0x20: {  	[sflag:s8] =	ssyncset.s32 @!p0 $0xFFFFF086;
	s6 =	sadd.s32 @!p0 s3, s7;
	s7 =	simm.s32 @!p0 $0x108  }
0x21: {  	s3 =	sadd.s32 s3, s9;
	s6 =	sadd.s32 @!p0 $0x88, s6;
	s7 =	simm.s32 @p2 $0x1082  }
0x22: {  	[simem:s7], [sflag:s8] =	dma.local @!p0 [hbm:s6], $0xF7A  }
0x23: {  	s9 =	sor.u32 $0xD0000000, s2;
	s6 =	simm.s32 $0x108;
	_ =	swait.ge @!p0 [sflag:s8], $0x0  }
0x24: {  	s3 =	sadd.s32 $0x88, s3;
	s6 =	simm.s32 @!p1 $0x1082;
	[sflag:s4] =	ssyncset.s32 $0xFFFFF086  }
0x25: {  	[simem:s6], [sflag:s4] =	dma.local [hbm:s3], $0xF7A  }
0x26: {  	[smem:$0x3F90] =	sst s1;
	(tag) =	ssettag s2;
	_ =	strace s9  }
0x27: {  	s1 =	sld [smem:$0x3FA0]  }
0x28: {  	s2 =	sld [smem:$0x3FA1]  }
0x29: {  	s4 =	sld [smem:$0x3FA3]  }
0x2a: {  	p0 =	seq.s32 s5, $0x0;
	s5 =	sld [smem:$0x3FA4]  }
0x2b: {  	s6 =	sld [smem:$0x3FA5]  }
0x2c: {  	s7 =	sld [smem:$0x3FA6]  }
0x2d: {  	s3 =	simm.s32 $0x108;
	s8 =	sld [smem:$0x3FA7]  }
0x2e: {  	s3 =	simm.s32 @!p0 $0x1082;
	s9 =	sld [smem:$0x3FA8]  }
0x2f: {  	lr =	sadd.s32 s0, s3;
	s0 =	sld [smem:$0x3F9F]  }
0x30: {  	s3 =	sld [smem:$0x3FA2]  }
0x31: {  	[smem:$0x3FAB] =	sst s10  }
0x32: {  	s10 =	sld [smem:$0x3FA9];
	_ =	sdelay $0x3  }
0x33: {  	p0 =	seq.s32 s10, $0x1;
	s10 =	sld [smem:$0x3FAB];
	_ =	sdelay $0x3  }
0x34: {  	[smem:$0x3FAB] =	sst s10  }
0x35: {  	s10 =	sld [smem:$0x3FAA];
	_ =	sdelay $0x3  }
0x36: {  	p1 =	seq.s32 s10, $0x1;
	s10 =	sld [smem:$0x3FAB];
	_ =	sdelay $0x3  }
0x37: {  	[smem:$0x3FAB] =	sst s10  }
0x38: {  	s10 =	sld [smem:$0x3FAC]  }
0x39: {  	_ = 	snop;
	(pc) =	sbr.ind lr, $3  }
0x3a: {  	_ = 	snop  }
0x3b: {  	_ = 	snop  }
0x3c: {  	p2 =	seq.s32 s10, $0x1;
	s10 =	sld [smem:$0x3FAB]  }
0x3d: {  	_ =	shalt  }
0x3e: {  	_ =	shalt  }
0x3f: {  	_ =	shalt  }
0x40: {  	_ =	shalt  }
0x41: {  	_ =	shalt  }
0x42: {  	_ =	shalt  }
0x43: {  	_ =	shalt  }
0x44: {  	_ =	shalt  }
0x45: {  	_ =	shalt  }
0x46: {  	_ =	shalt  }
0x47: {  	_ =	shalt  }
0x48: {  	_ =	shalt  }
0x49: {  	_ =	shalt  }
0x4a: {  	_ =	shalt  }
0x4b: {  	_ =	shalt  }
0x4c: {  	_ =	shalt  }
0x4d: {  	_ =	shalt  }
0x4e: {  	_ =	shalt  }
0x4f: {  	_ =	shalt  }
0x50: {  	_ =	shalt  }
0x51: {  	_ =	shalt  }
0x52: {  	_ =	shalt  }
0x53: {  	_ =	shalt  }
0x54: {  	_ =	shalt  }
0x55: {  	_ =	shalt  }
0x56: {  	_ =	shalt  }
0x57: {  	_ =	shalt  }
0x58: {  	_ =	shalt  }
0x59: {  	_ =	shalt  }
0x5a: {  	_ =	shalt  }
0x5b: {  	_ =	shalt  }
0x5c: {  	_ =	shalt  }
0x5d: {  	_ =	shalt  }
0x5e: {  	_ =	shalt  }
0x5f: {  	_ =	shalt  }
0x60: {  	_ =	shalt  }
0x61: {  	_ =	shalt  }
0x62: {  	_ =	shalt  }
0x63: {  	_ =	shalt  }
0x64: {  	_ =	shalt  }
0x65: {  	_ =	shalt  }
0x66: {  	_ =	shalt  }
0x67: {  	_ =	shalt  }
0x68: {  	_ =	shalt  }
0x69: {  	_ =	shalt  }
0x6a: {  	_ =	shalt  }
0x6b: {  	_ =	shalt  }
0x6c: {  	_ =	shalt  }
0x6d: {  	_ =	shalt  }
0x6e: {  	_ =	shalt  }
0x6f: {  	_ =	shalt  }
0x70: {  	_ =	shalt  }
0x71: {  	_ =	shalt  }
0x72: {  	_ =	shalt  }
0x73: {  	_ =	shalt  }
0x74: {  	_ =	shalt  }
0x75: {  	_ =	shalt  }
0x76: {  	_ =	shalt  }
0x77: {  	_ =	shalt  }
0x78: {  	_ =	shalt  }
0x79: {  	_ =	shalt  }
0x7a: {  	_ =	shalt  }
0x7b: {  	_ =	shalt  }
0x7c: {  	_ =	shalt  }
0x7d: {  	_ =	shalt  }
0x7e: {  	_ =	shalt  }
0x7f: {  	_ =	shalt  }
0x80: {  	_ =	shalt  }
0x81: {  	_ =	shalt  }
0x82: {  	_ =	shalt  }
0x83: {  	_ =	shalt  }
0x84: {  	_ =	shalt  }
0x85: {  	_ =	shalt  }
0x86: {  	_ =	shalt  }
0x87: {  	_ =	shalt  }
.Lfunc_end0:
.L_simem_size_0:
called_computation.1_lowered:
.L_overlay_start_0:
0x88: {  	s2 =	sld [smem:$0x3FD9]  }
0x89: {  	s3 =	sld [smem:$0x3FFE];
	_ =	sdelay $0x1  }
0x8a: {  	s1 =	srdreg.scid  }
0x8b: {  	s0 =	sand.u32 $0x1, s1  }
0x8c: {  	s16 =	sshll.u32 s0, $0xA;
	s2 =	sadd.s32 s3, s2  }
0x8d: {  	s2 =	sadd.s32 s2, s16  }
0x8e: {  	[smem:$0x3FB7] =	sst s2  }
0x8f: {  	_ = 	snop  }
0x90: {  	(tm) =	ssettm $0x1  }
0x91: {  	s17 =	sld [smem:$0x3FFB];
	_ =	sdelay $0x3  }
0x92: {  	_ =	strace s17  }
0x93: {  	s2 =	sld [smem:$0x3FFC];
	_ =	sdelay $0x3  }
0x94: {  	_ =	strace s2  }
0x95: {  	s2 =	sld [smem:$0x3FFD];
	_ =	sdelay $0x3  }
0x96: {  	_ =	strace s2  }
0x97: {  	_ =	strace $0x8FFFFFFF  }
0x98: {  	s18 =	sld [smem:$0x3FDB];
	_ =	sdelay $0x1  }
0x99: {  	s19 =	simm.s32 $_scs_section_size  }
0x9a: {  	s4 =	simm.s32 $_size__tile_overlayer_lowered;
	s5 =	simm.s32 $_tile_overlayer_lowered  }
0x9b: {  	s22 =	simm.s32 $0x1BFF;
	s21 =	sshll.u32 s5, $0x1;
	s2 =	sadd.s32 s19, s18  }
0x9c: {  	s6 =	simm.s32 $0x0;
	s20 =	sshll.u32 s4, $0x1;
	s4 =	sadd.s32 s21, s2  }
0x9d: {  	[timem:s6], [sflag:s22] =	dma.local [hbm:s4], s20  }
0x9e: {  	_ =	swait.ge [sflag:s22], s20  }
0x9f: {  	s3 =	ssub.s32 $0x0, s20;
	[sflag:s22] =	ssyncset.done $0x0  }
0xa0: {  	[sflag:s22] =	ssyncadd.s32 s3;
	_ =	sdelay $0x1  }
0xa1: {  	s23 =	simm.s32 $0x1B8B  }
0xa2: {  	_ =	swait.ge [sflag:s23], $0x1  }
0xa3: {  	[sflag:s23] =	ssyncset.done $0x0  }
0xa4: {  	s25 =	simm.s32 $0x1B8E;
	s24 =	sld [smem:$0x3FFE];
	[sflag:s23] =	ssyncadd.s32 $0xFFFFFFFF  }
0xa5: {  	s26 =	simm.s32 $execute0_lowered;
	[smem:$0x3FD2] =	sst s25  }
0xa6: {  	s4 =	sshll.u32 s26, $0x1;
	_ =	strace $0x80000049;
	[dreg:$0x1] =	wrdreg $0xFFFFFFFF  }
0xa7: {  	s28 =	simm.s32 $_size_execute0_lowered;
	s2 =	sadd.s32 s2, s4;
	[dreg:$0x0] =	wrdreg $0x0  }
0xa8: {  	s4 =	sshll.u32 s28, $0x1;
	[dreg:$0x2] =	wrdreg s2  }
0xa9: {  	[dreg:$0x3] =	wrdreg s4  }
0xaa: {  	[dreg:$0x4] =	wrdreg $0xC0  }
0xab: {  	_ =	task [dreg:s6], $0x5FFFF  }
0xac: {  	[dreg:$0x1] =	wrdreg $0xFFFFFFFF  }
0xad: {  	[dreg:$0x0] =	wrdreg $0x60  }
0xae: {  	[dreg:$0x2] =	wrdreg s24  }
0xaf: {  	[dreg:$0x3] =	wrdreg $0x88000  }
0xb0: {  	[dreg:$0x4] =	wrdreg $0x9  }
0xb1: {  	_ =	task.clear_ibuf [dreg:s6], $0x5FFFF;
	_ =	strace $0x90000049  }
0xb2: {  	s29 =	simm.s32 $0x9;
	_ =	strace $0x8000004B  }
0xb3: {  	_ =	swait.ge [sflag:s29], $0x1  }
0xb4: {  	[sflag:s29] =	ssyncadd.s32 $0xFFFFFFFF  }
0xb5: {  	_ =	strace $0x9000004B  }
0xb6: {  	_ =	sfence  }
0xb7: {  	s30 =	sld [smem:$0x0];
	_ =	sdelay $0x2  }
0xb8: {  	s31 =	sshll.u32 s1, $0xD;
	s1 =	sshrl.u32 s1, $0x2  }
0xb9: {  	s3 =	sand.u32 $0x4000, s31;
	s1 =	sadd.s32 s1, s30  }
0xba: {  	s0 =	sor.u32 s3, s0;
	s1 =	sshll.u32 s1, $0x11  }
0xbb: {  	s0 =	sor.u32 s1, s0  }
0xbc: {  	s0 =	sadd.s32 $0x8F2B, s0  }
0xbd: {  	[sflag:s0] =	ssyncadd.remote.s32 $0x1  }
0xbe: {  	_ =	sfence.sel $0xFFFF  }
0xbf: {  	[dreg:$0x0] =	wrdreg $0xFFFFFFFF;
	(pc) =	sbr.abs _section_cstart, $3  }
0xc0: {  	[dreg:$0x1] =	wrdreg $0xFFFFFFFF  }
0xc1: {  	_ =	task.clear_ibuf [dreg:s6], $0x2FFFF;
	_ =	strace $0x9FFFFFFF  }
0xc2: {  	(tm) =	ssettm $0x7FFFFFFF  }
0xc3: {  	_ =	shalt  }
tec
execute0_lowered:
.L_overlay_start_1:
0x0: {  	(tag) =	ssettag $0x1  }
0x1: {  	s5 =	rddreg [dreg:$0x0]  }
0x2: {  	s1 =	rddreg [dreg:$0x1]  }
0x3: {  	s0 =	rddreg [dreg:$0x2]  }
0x4: {  	s2 =	simm.s32 $0x0;
	s6 =	srdreg.scid;
	s3 =	stileid.u32  }
0x5: {  	s24 =	simm.s32 $0x80;
	s25 =	simm.s32 $0x2800;
	s26 =	simm.s32 $0x1  }
0x6: {  	[smem:$0x7FF] =	sst s2;
	s4 =	sadd.s32 $0xFA00, s5;
	s18 =	sadd.s32 $0x5FA00, s5  }
0x7: {  	s6 =	sand.u32 $0x1, s6;
	s7 =	smul.u32 $0x50000, s3;
	s19 =	sadd.s32 $0x5A00, s5  }
0x8: {  	s20 =	sadd.s32 $0x36C00, s5;
	s21 =	sadd.s32 $0x69A00, s5;
	s22 =	smul.u32 $0x2800, s3  }
0x9: {  	s14 =	smul.u32 $0x500, s3;
	_ =	strace $0x8000004A;
	s8 =	ssub.s32 $0x2, s6  }
0xa: {  	p0 =	seq.s32 s6, $0x0;
	s31 =	sshrl.u32 s8, $0x1;
	s7 =	sshrl.u32 s7, $0x2  }
0xb: {  	s23 =	sadd.s32 $0x5000, s14;
	s21 =	smov.u32 @p0 s20;
	s8 =	ssub.s32 s8, s31  }
0xc: {  	s5 =	sadd.s32 s7, s1;
	s23 =	smov.u32 @p0 s14;
	s20 =	sadd.s32 s21, s22  }
0xd: {  	s21 =	simm.s32 $0x6800;
	s22 =	simm.s32 $0x2;
	s6 =	smax.u32 s8, $0x1  }
0xe: {  	s7 =	sadd.s32 $0x2000, s5;
	s8 =	sadd.s32 $0x4000, s5;
	s9 =	sadd.s32 $0x6000, s5  }
0xf: {  	s10 =	sadd.s32 $0x8000, s5;
	s11 =	sadd.s32 $0xA000, s5;
	s12 =	sadd.s32 $0xC000, s5  }
0x10: {  	s13 =	sadd.s32 $0xE000, s5;
	s14 =	sadd.s32 $0x10000, s5;
	s15 =	sadd.s32 $0x12000, s5  }
0x11: {  	s16 =	sadd.s32 s18, s23;
	s17 =	sadd.s32 s19, s23;
	s23 =	sadd.s32 $0x280, s23  }
0x12: {  	v0 =	vimm.f32 $0.0e+00;
	s18 =	sadd.s32 s18, s23;
	s19 =	sadd.s32 s19, s23;
	s23 =	simm.s32 $0x1400  }
.LBB2_1:
0x13: {  	s28 =	simm.s32 $0x0;
	s29 =	simm.s32 $0x200  }
.LBB2_2:
0x14: {  	p0 =	sne.s32 s29, $0x7E00;
	[tilespmem:s28+$0x6870] =	vst v0  }
0x15: {  	[tilespmem:s28+$0x6800] =	vst v0  }
0x16: {  	[tilespmem:s28+$0x6810] =	vst v0  }
.Ltmp0:
0x17: {  	[tilespmem:s28+$0x6820] =	vst v0;
	(pc) =	sbr.rel @p0 .LBB2_2-.Ltmp0, $4  }
0x18: {  	[tilespmem:s28+$0x6830] =	vst v0  }
0x19: {  	[tilespmem:s28+$0x6840] =	vst v0  }
0x1a: {  	[tilespmem:s28+$0x6850] =	vst v0  }
0x1b: {  	[tilespmem:s28+$0x6860] =	vst v0;
	s28 =	sshra.s32 s29, $0x2;
	s29 =	sadd.s32 $0x200, s29  }
0x1c: {  	[tilespmem:s28+$0x6870] =	vst v0  }
0x1d: {  	[tilespmem:s28+$0x6800] =	vst v0  }
0x1e: {  	[tilespmem:s28+$0x6810] =	vst v0  }
0x1f: {  	[tilespmem:s28+$0x6820] =	vst v0  }
0x20: {  	[tilespmem:s28+$0x6830] =	vst v0  }
0x21: {  	[tilespmem:s28+$0x6840] =	vst v0  }
0x22: {  	[tilespmem:s28+$0x6850] =	vst v0  }
0x23: {  	[tilespmem:s28+$0x6860] =	vst v0  }
0x24: {  	[spmem:s5] =	stream.linear.scatter [tilespmem:s21], [sflag:$0x2], $0x2000, $0x38;
	[tilespmem:$0x1C800] =	vst v63  }
0x25: {  	_ =	swait.ge [sflag:s22], $0x2000  }
0x26: {  	[sflag:s22] =	ssyncset.done $0x0  }
0x27: {  	[sflag:s22] =	ssyncadd.s32 $0xFFFFE000  }
0x28: {  	[spmem:s7] =	stream.linear.scatter [tilespmem:s21], [sflag:$0x2], $0x2000, $0x38;
	[tilespmem:$0x1C800] =	vst v63  }
0x29: {  	_ =	swait.ge [sflag:s22], $0x2000  }
0x2a: {  	[sflag:s22] =	ssyncset.done $0x0  }
0x2b: {  	[sflag:s22] =	ssyncadd.s32 $0xFFFFE000  }
0x2c: {  	[spmem:s8] =	stream.linear.scatter [tilespmem:s21], [sflag:$0x2], $0x2000, $0x38;
	[tilespmem:$0x1C800] =	vst v63  }
0x2d: {  	_ =	swait.ge [sflag:s22], $0x2000  }
0x2e: {  	[sflag:s22] =	ssyncset.done $0x0  }
0x2f: {  	[sflag:s22] =	ssyncadd.s32 $0xFFFFE000  }
0x30: {  	[spmem:s9] =	stream.linear.scatter [tilespmem:s21], [sflag:$0x2], $0x2000, $0x38;
	[tilespmem:$0x1C800] =	vst v63  }
0x31: {  	_ =	swait.ge [sflag:s22], $0x2000  }
0x32: {  	[sflag:s22] =	ssyncset.done $0x0  }
0x33: {  	[sflag:s22] =	ssyncadd.s32 $0xFFFFE000  }
0x34: {  	[spmem:s10] =	stream.linear.scatter [tilespmem:s21], [sflag:$0x2], $0x2000, $0x38;
	[tilespmem:$0x1C800] =	vst v63  }
0x35: {  	_ =	swait.ge [sflag:s22], $0x2000  }
0x36: {  	[sflag:s22] =	ssyncset.done $0x0  }
0x37: {  	[sflag:s22] =	ssyncadd.s32 $0xFFFFE000  }
0x38: {  	[spmem:s11] =	stream.linear.scatter [tilespmem:s21], [sflag:$0x2], $0x2000, $0x38;
	[tilespmem:$0x1C800] =	vst v63  }
0x39: {  	_ =	swait.ge [sflag:s22], $0x2000  }
0x3a: {  	[sflag:s22] =	ssyncset.done $0x0  }
0x3b: {  	[sflag:s22] =	ssyncadd.s32 $0xFFFFE000  }
0x3c: {  	[spmem:s12] =	stream.linear.scatter [tilespmem:s21], [sflag:$0x2], $0x2000, $0x38;
	[tilespmem:$0x1C800] =	vst v63  }
0x3d: {  	_ =	swait.ge [sflag:s22], $0x2000  }
0x3e: {  	[sflag:s22] =	ssyncset.done $0x0  }
0x3f: {  	[sflag:s22] =	ssyncadd.s32 $0xFFFFE000  }
0x40: {  	[spmem:s13] =	stream.linear.scatter [tilespmem:s21], [sflag:$0x2], $0x2000, $0x38;
	[tilespmem:$0x1C800] =	vst v63  }
0x41: {  	_ =	swait.ge [sflag:s22], $0x2000  }
0x42: {  	[sflag:s22] =	ssyncset.done $0x0  }
0x43: {  	[sflag:s22] =	ssyncadd.s32 $0xFFFFE000  }
0x44: {  	[spmem:s14] =	stream.linear.scatter [tilespmem:s21], [sflag:$0x2], $0x2000, $0x38;
	[tilespmem:$0x1C800] =	vst v63  }
0x45: {  	_ =	swait.ge [sflag:s22], $0x2000  }
0x46: {  	[sflag:s22] =	ssyncset.done $0x0  }
0x47: {  	[sflag:s22] =	ssyncadd.s32 $0xFFFFE000  }
0x48: {  	[spmem:s15] =	stream.linear.scatter [tilespmem:s21], [sflag:$0x2], $0x2000, $0x38;
	[tilespmem:$0x1C800] =	vst v63  }
0x49: {  	_ =	swait.ge [sflag:s22], $0x2000  }
0x4a: {  	[sflag:s22] =	ssyncset.done $0x0  }
0x4b: {  	[sflag:s22] =	ssyncadd.s32 $0xFFFFE000  }
0x4c: {  	s28 =	simm.s32 $0x0;
	[bflag:$0x0] =	sbarrier.arrive $0xFFFF  }
0x4d: {  	[tilespmem:s28], [sflag:$0x2] =	stream.linear.gather [hbm4b:s16+s28], $0x1400, $0x38;
	[tilespmem:$0x1C800] =	vst v63  }
0x4e: {  	_ =	swait.ge [sflag:s22], $0x1400  }
0x4f: {  	[sflag:s22] =	ssyncset.done $0x0  }
0x50: {  	[sflag:s22] =	ssyncadd.s32 $0xFFFFEC00  }
0x51: {  	[tilespmem:s23], [sflag:$0x2] =	stream.linear.gather [hbm4b:s17+s28], $0x1400, $0x38;
	[tilespmem:$0x1C800] =	vst v63  }
0x52: {  	_ =	swait.ge [sflag:s22], $0x1400  }
0x53: {  	[sflag:s22] =	ssyncset.done $0x0  }
0x54: {  	s28 =	simm.s32 $0x0;
	[sflag:s22] =	ssyncadd.s32 $0xFFFFEC00  }
0x55: {  	[tilespmem:s25], [sflag:$0x1] =	stream.indirect.gather [hbm4b:s4+s24], $0x80, s28, s24, $0xb8;
	[tilespmem:$0x1C800] =	vst v63  }
0x56: {  	_ =	swait.ge [sflag:s26], $0x4000  }
0x57: {  	[sflag:s26] =	ssyncset.done $0x0  }
0x58: {  	s28 =	simm.s32 $0x1400;
	[sflag:s26] =	ssyncadd.s32 $0xFFFFC000  }
0x59: {  	[spmem:s1] =	stream.indirect.scatter.add.f32 [tilespmem:s25], [sflag:$0x2], $0x80, s28, s24, $0xb8;
	[tilespmem:$0x1C800] =	vst v63  }
0x5a: {  	_ =	swait.ge [sflag:s22], $0x4000  }
0x5b: {  	s29 =	simm.s32 $0x400;
	s28 =	simm.s32 $0x200;
	[sflag:s22] =	ssyncset.done $0x0  }
.LBB2_4:
0x5c: {  	s30 =	sshra.s32 s28, $0x2  }
0x5d: {  	[sflag:s22] =	ssyncadd.s32 $0xFFFFC000;
	s28 =	smov.u32 s29;
	s31 =	sadd.s32 $0x200, s29  }
0x5e: {  	[tilespmem:s25], [sflag:$0x1] =	stream.indirect.gather [hbm4b:s4+s24], $0x80, s30, s24, $0xb8;
	[tilespmem:$0x1C800] =	vst v63  }
0x5f: {  	p0 =	sne.s32 s29, $0x4E00;
	_ =	swait.ge [sflag:s26], $0x4000  }
.Ltmp1:
0x60: {  	[sflag:s26] =	ssyncset.done $0x0;
	(pc) =	sbr.rel @p0 .LBB2_4-.Ltmp1, $4  }
0x61: {  	s29 =	sadd.s32 $0x1400, s30;
	[sflag:s26] =	ssyncadd.s32 $0xFFFFC000  }
0x62: {  	[spmem:s1] =	stream.indirect.scatter.add.f32 [tilespmem:s25], [sflag:$0x2], $0x80, s29, s24, $0xb8;
	[tilespmem:$0x1C800] =	vst v63  }
0x63: {  	_ =	swait.ge [sflag:s22], $0x4000  }
0x64: {  	s29 =	smov.u32 s31;
	[sflag:s22] =	ssyncset.done $0x0  }
0x65: {  	s28 =	sshra.s32 s28, $0x2;
	[sflag:s22] =	ssyncadd.s32 $0xFFFFC000  }
0x66: {  	[tilespmem:s25], [sflag:$0x1] =	stream.indirect.gather [hbm4b:s4+s24], $0x80, s28, s24, $0xb8;
	[tilespmem:$0x1C800] =	vst v63  }
0x67: {  	_ =	swait.ge [sflag:s26], $0x4000  }
0x68: {  	[sflag:s26] =	ssyncset.done $0x0  }
0x69: {  	s28 =	sadd.s32 $0x1400, s28;
	[sflag:s26] =	ssyncadd.s32 $0xFFFFC000  }
0x6a: {  	[spmem:s1] =	stream.indirect.scatter.add.f32 [tilespmem:s25], [sflag:$0x2], $0x80, s28, s24, $0xb8;
	[tilespmem:$0x1C800] =	vst v63  }
0x6b: {  	_ =	swait.ge [sflag:s22], $0x4000  }
0x6c: {  	[sflag:s22] =	ssyncset.done $0x0  }
0x6d: {  	s28 =	simm.s32 $0x0;
	[sflag:s22] =	ssyncadd.s32 $0xFFFFC000  }
0x6e: {  	[tilespmem:s28], [sflag:$0x2] =	stream.linear.gather [hbm4b:s18+s28], $0x1400, $0x38;
	[tilespmem:$0x1C800] =	vst v63  }
0x6f: {  	_ =	swait.ge [sflag:s22], $0x1400  }
0x70: {  	[sflag:s22] =	ssyncset.done $0x0  }
0x71: {  	[sflag:s22] =	ssyncadd.s32 $0xFFFFEC00  }
0x72: {  	[tilespmem:s23], [sflag:$0x2] =	stream.linear.gather [hbm4b:s19+s28], $0x1400, $0x38;
	[tilespmem:$0x1C800] =	vst v63  }
0x73: {  	_ =	swait.ge [sflag:s22], $0x1400  }
0x74: {  	[sflag:s22] =	ssyncset.done $0x0  }
0x75: {  	s28 =	simm.s32 $0x0;
	[sflag:s22] =	ssyncadd.s32 $0xFFFFEC00  }
0x76: {  	[tilespmem:s25], [sflag:$0x1] =	stream.indirect.gather [hbm4b:s4+s24], $0x80, s28, s24, $0xb8;
	[tilespmem:$0x1C800] =	vst v63  }
0x77: {  	_ =	swait.ge [sflag:s26], $0x4000  }
0x78: {  	[sflag:s26] =	ssyncset.done $0x0  }
0x79: {  	s28 =	simm.s32 $0x1400;
	[sflag:s26] =	ssyncadd.s32 $0xFFFFC000  }
0x7a: {  	[spmem:s1] =	stream.indirect.scatter.add.f32 [tilespmem:s25], [sflag:$0x2], $0x80, s28, s24, $0xb8;
	[tilespmem:$0x1C800] =	vst v63  }
0x7b: {  	_ =	swait.ge [sflag:s22], $0x4000  }
0x7c: {  	s29 =	simm.s32 $0x400;
	s28 =	simm.s32 $0x200;
	[sflag:s22] =	ssyncset.done $0x0  }
.LBB2_6:
0x7d: {  	s30 =	sshra.s32 s28, $0x2  }
0x7e: {  	[sflag:s22] =	ssyncadd.s32 $0xFFFFC000;
	s28 =	smov.u32 s29;
	s31 =	sadd.s32 $0x200, s29  }
0x7f: {  	[tilespmem:s25], [sflag:$0x1] =	stream.indirect.gather [hbm4b:s4+s24], $0x80, s30, s24, $0xb8;
	[tilespmem:$0x1C800] =	vst v63  }
0x80: {  	p0 =	sne.s32 s29, $0x4E00;
	_ =	swait.ge [sflag:s26], $0x4000  }
.Ltmp2:
0x81: {  	[sflag:s26] =	ssyncset.done $0x0;
	(pc) =	sbr.rel @p0 .LBB2_6-.Ltmp2, $4  }
0x82: {  	s29 =	sadd.s32 $0x1400, s30;
	[sflag:s26] =	ssyncadd.s32 $0xFFFFC000  }
0x83: {  	[spmem:s1] =	stream.indirect.scatter.add.f32 [tilespmem:s25], [sflag:$0x2], $0x80, s29, s24, $0xb8;
	[tilespmem:$0x1C800] =	vst v63  }
0x84: {  	_ =	swait.ge [sflag:s22], $0x4000  }
0x85: {  	s29 =	smov.u32 s31;
	[sflag:s22] =	ssyncset.done $0x0  }
0x86: {  	s28 =	sshra.s32 s28, $0x2;
	[sflag:s22] =	ssyncadd.s32 $0xFFFFC000  }
0x87: {  	[tilespmem:s25], [sflag:$0x1] =	stream.indirect.gather [hbm4b:s4+s24], $0x80, s28, s24, $0xb8;
	[tilespmem:$0x1C800] =	vst v63  }
0x88: {  	_ =	swait.ge [sflag:s26], $0x4000  }
0x89: {  	[sflag:s26] =	ssyncset.done $0x0  }
0x8a: {  	s28 =	sadd.s32 $0x1400, s28;
	[sflag:s26] =	ssyncadd.s32 $0xFFFFC000  }
0x8b: {  	[spmem:s1] =	stream.indirect.scatter.add.f32 [tilespmem:s25], [sflag:$0x2], $0x80, s28, s24, $0xb8;
	[tilespmem:$0x1C800] =	vst v63  }
0x8c: {  	_ =	swait.ge [sflag:s22], $0x4000  }
0x8d: {  	s31 =	sshll.u32 s3, $0x6;
	s2 =	sadd.s32 $0x1, s2;
	[sflag:s22] =	ssyncset.done $0x0  }
0x8e: {  	s29 =	sshrl.u32 s5, $0x3;
	p0 =	sne.s32 s2, s6;
	[sflag:s22] =	ssyncadd.s32 $0xFFFFC000  }
.Ltmp3:
0x8f: {  	s28 =	sor.u32 $0x1C02, s31;
	[bflag:$0x0] =	sbarrier.arrive $0xFFFF;
	(pc) =	sbr.rel @p0 .LBB2_1-.Ltmp3, $4  }
0x90: {  	[hbm:s20], [sflag:s28] =	dma.local [spmem:s29], $0x2800  }
0x91: {  	_ =	swait.ge [sflag:s22], $0x2800  }
0x92: {  	[sflag:s22] =	ssyncset.done $0x0  }
0x93: {  	[sflag:s22] =	ssyncadd.s32 $0xFFFFD800  }
0x94: {  	_ =	sfence.sel $0x180000  }
0x95: {  	[bflag:$0x0] =	sbarrier.arrive $0xFFFF  }
0x96: {  	p0 =	sne.s32 s3, $0x0;
	_ =	strace $0x9000004A  }
0x97: {  	s0 =	sadd.s32 @!p0 $0x100000, s0;
	[bflag:$0x2] =	sbarrier.arrive $0xFFFF  }
0x98: {  	[sflag:s0] =	ssyncadd.tile.s32 @!p0 $0x1;
	_ =	shalt  }
.Lfunc_end2:
_tile_overlayer_lowered:
.L_overlay_start_2:
0x99: {  	(tag) =	ssettag $0x2  }
0x9a: {  	s0 =	rddreg [dreg:$0x0];
	s2 =	stileid.u32  }
0x9b: {  	s1 =	rddreg [dreg:$0x1];
	p0 =	sne.s32 s2, $0x0  }
0x9c: {  	s3 =	rddreg [dreg:$0x2];
	[bflag:$0x3] =	sbarrier.arrive $0xFFFF;
	s2 =	simm.s32 @!p0 $0x1C02  }
0x9d: {  	[timem:s3], [sflag:s2] =	dma.local @!p0 [hbm:s0], s1  }
0x9e: {  	s0 =	simm.s32 @!p0 $0x2  }
0x9f: {  	_ =	swait.ge @!p0 [sflag:s0], s1  }
0xa0: {  	s1 =	ssub.s32 @!p0 $0x0, s1;
	[sflag:s0] =	ssyncset.done @!p0 $0x0  }
0xa1: {  	[sflag:s0] =	ssyncadd.s32 @!p0 s1  }
0xa2: {  	[bflag:$0x3] =	sbarrier.arrive $0xFFFF  }
0xa3: {  	_ =	shalt  }

// kernel: kernel.17.cloned.1.call-start
scs
__scs_entry_jumppad:
0x0: {  	(pc) =	sbr.rel $0x88, $3  }
0x1: {  	(tag) =	ssettag $0x0;
	lr =	simm.s32 $0x1  }
0x2: {  	[smem:$0x3F90] =	sst lr;
	_ =	strace $0xD0000000  }
0x3: {  	_ = 	snop  }
0x4: {  	_ = 	snop  }
0x5: {  	_ = 	snop  }
0x6: {  	_ = 	snop  }
0x7: {  	_ = 	snop  }
__scs_overlays_trampoline_lowered:
0x8: {  	[smem:$0x3F9F] =	sst s0  }
0x9: {  	[smem:$0x3FA0] =	sst s1  }
0xa: {  	[smem:$0x3FA1] =	sst s2  }
0xb: {  	[smem:$0x3FA2] =	sst s3  }
0xc: {  	[smem:$0x3FA3] =	sst s4  }
0xd: {  	[smem:$0x3FA4] =	sst s5  }
0xe: {  	[smem:$0x3FA5] =	sst s6  }
0xf: {  	[smem:$0x3FA6] =	sst s7  }
0x10: {  	[smem:$0x3FA7] =	sst s8  }
0x11: {  	[smem:$0x3FA8] =	sst s9;
	s0 =	simm.s32 @!p0 $0x0  }
0x12: {  	s1 =	sld [smem:$0x3F8E];
	s0 =	simm.s32 @p0 $0x1  }
0x13: {  	[smem:$0x3FA9] =	sst s0;
	s0 =	simm.s32 @!p1 $0x0  }
0x14: {  	s2 =	sld [smem:$0x3F8D];
	s0 =	simm.s32 @p1 $0x1  }
0x15: {  	[smem:$0x3FAA] =	sst s0;
	s0 =	simm.s32 @!p2 $0x0  }
0x16: {  	s3 =	sld [smem:$0x3FDB];
	s0 =	simm.s32 @p2 $0x1  }
0x17: {  	s4 =	simm.s32 $0x1BF5;
	[smem:$0x3FAC] =	sst s0  }
0x18: {  	s0 =	sld [smem:$0x3F8F];
	_ =	swait.ge [sflag:s4], $0x0  }
0x19: {  	s7 =	sld [smem:$0x3F90]  }
0x1a: {  	s8 =	sadd.s32 $0xFFFFE003, lr  }
0x1b: {  	s9 =	sadd.s32 $0xFFFFFEF7, lr;
	s5 =	simm.s32 $0xFFFFFFFF;
	p2 =	slt.u32 s8, $0xFFFFF086  }
0x1c: {  	p1 =	slt.u32 s9, $0xF7A;
	s5 =	simm.s32 @!p2 $0x0  }
0x1d: {  	s5 =	simm.s32 @p1 $0x1;
	p0 =	seq.s32 s7, s2  }
0x1e: {  	s7 =	smul.u32 @!p0 $0xF7A, s2;
	p2 =	seq.s32 @!p0 s5, $0x0  }
0x1f: {  	s9 =	smul.u32 $0xF7A, s1;
	s8 =	simm.s32 @!p0 $0x1BF5;
	p2 =	por !p2, p0  }
0x20: {  	[sflag:s8] =	ssyncset.s32 @!p0 $0xFFFFF086;
	s6 =	sadd.s32 @!p0 s3, s7;
	s7 =	simm.s32 @!p0 $0x108  }
0x21: {  	s3 =	sadd.s32 s3, s9;
	s6 =	sadd.s32 @!p0 $0x88, s6;
	s7 =	simm.s32 @p2 $0x1082  }
0x22: {  	[simem:s7], [sflag:s8] =	dma.local @!p0 [hbm:s6], $0xF7A  }
0x23: {  	s9 =	sor.u32 $0xD0000000, s2;
	s6 =	simm.s32 $0x108;
	_ =	swait.ge @!p0 [sflag:s8], $0x0  }
0x24: {  	s3 =	sadd.s32 $0x88, s3;
	s6 =	simm.s32 @!p1 $0x1082;
	[sflag:s4] =	ssyncset.s32 $0xFFFFF086  }
0x25: {  	[simem:s6], [sflag:s4] =	dma.local [hbm:s3], $0xF7A  }
0x26: {  	[smem:$0x3F90] =	sst s1;
	(tag) =	ssettag s2;
	_ =	strace s9  }
0x27: {  	s1 =	sld [smem:$0x3FA0]  }
0x28: {  	s2 =	sld [smem:$0x3FA1]  }
0x29: {  	s4 =	sld [smem:$0x3FA3]  }
0x2a: {  	p0 =	seq.s32 s5, $0x0;
	s5 =	sld [smem:$0x3FA4]  }
0x2b: {  	s6 =	sld [smem:$0x3FA5]  }
0x2c: {  	s7 =	sld [smem:$0x3FA6]  }
0x2d: {  	s3 =	simm.s32 $0x108;
	s8 =	sld [smem:$0x3FA7]  }
0x2e: {  	s3 =	simm.s32 @!p0 $0x1082;
	s9 =	sld [smem:$0x3FA8]  }
0x2f: {  	lr =	sadd.s32 s0, s3;
	s0 =	sld [smem:$0x3F9F]  }
0x30: {  	s3 =	sld [smem:$0x3FA2]  }
0x31: {  	[smem:$0x3FAB] =	sst s10  }
0x32: {  	s10 =	sld [smem:$0x3FA9];
	_ =	sdelay $0x3  }
0x33: {  	p0 =	seq.s32 s10, $0x1;
	s10 =	sld [smem:$0x3FAB];
	_ =	sdelay $0x3  }
0x34: {  	[smem:$0x3FAB] =	sst s10  }
0x35: {  	s10 =	sld [smem:$0x3FAA];
	_ =	sdelay $0x3  }
0x36: {  	p1 =	seq.s32 s10, $0x1;
	s10 =	sld [smem:$0x3FAB];
	_ =	sdelay $0x3  }
0x37: {  	[smem:$0x3FAB] =	sst s10  }
0x38: {  	s10 =	sld [smem:$0x3FAC]  }
0x39: {  	_ = 	snop;
	(pc) =	sbr.ind lr, $3  }
0x3a: {  	_ = 	snop  }
0x3b: {  	_ = 	snop  }
0x3c: {  	p2 =	seq.s32 s10, $0x1;
	s10 =	sld [smem:$0x3FAB]  }
0x3d: {  	_ =	shalt  }
0x3e: {  	_ =	shalt  }
0x3f: {  	_ =	shalt  }
0x40: {  	_ =	shalt  }
0x41: {  	_ =	shalt  }
0x42: {  	_ =	shalt  }
0x43: {  	_ =	shalt  }
0x44: {  	_ =	shalt  }
0x45: {  	_ =	shalt  }
0x46: {  	_ =	shalt  }
0x47: {  	_ =	shalt  }
0x48: {  	_ =	shalt  }
0x49: {  	_ =	shalt  }
0x4a: {  	_ =	shalt  }
0x4b: {  	_ =	shalt  }
0x4c: {  	_ =	shalt  }
0x4d: {  	_ =	shalt  }
0x4e: {  	_ =	shalt  }
0x4f: {  	_ =	shalt  }
0x50: {  	_ =	shalt  }
0x51: {  	_ =	shalt  }
0x52: {  	_ =	shalt  }
0x53: {  	_ =	shalt  }
0x54: {  	_ =	shalt  }
0x55: {  	_ =	shalt  }
0x56: {  	_ =	shalt  }
0x57: {  	_ =	shalt  }
0x58: {  	_ =	shalt  }
0x59: {  	_ =	shalt  }
0x5a: {  	_ =	shalt  }
0x5b: {  	_ =	shalt  }
0x5c: {  	_ =	shalt  }
0x5d: {  	_ =	shalt  }
0x5e: {  	_ =	shalt  }
0x5f: {  	_ =	shalt  }
0x60: {  	_ =	shalt  }
0x61: {  	_ =	shalt  }
0x62: {  	_ =	shalt  }
0x63: {  	_ =	shalt  }
0x64: {  	_ =	shalt  }
0x65: {  	_ =	shalt  }
0x66: {  	_ =	shalt  }
0x67: {  	_ =	shalt  }
0x68: {  	_ =	shalt  }
0x69: {  	_ =	shalt  }
0x6a: {  	_ =	shalt  }
0x6b: {  	_ =	shalt  }
0x6c: {  	_ =	shalt  }
0x6d: {  	_ =	shalt  }
0x6e: {  	_ =	shalt  }
0x6f: {  	_ =	shalt  }
0x70: {  	_ =	shalt  }
0x71: {  	_ =	shalt  }
0x72: {  	_ =	shalt  }
0x73: {  	_ =	shalt  }
0x74: {  	_ =	shalt  }
0x75: {  	_ =	shalt  }
0x76: {  	_ =	shalt  }
0x77: {  	_ =	shalt  }
0x78: {  	_ =	shalt  }
0x79: {  	_ =	shalt  }
0x7a: {  	_ =	shalt  }
0x7b: {  	_ =	shalt  }
0x7c: {  	_ =	shalt  }
0x7d: {  	_ =	shalt  }
0x7e: {  	_ =	shalt  }
0x7f: {  	_ =	shalt  }
0x80: {  	_ =	shalt  }
0x81: {  	_ =	shalt  }
0x82: {  	_ =	shalt  }
0x83: {  	_ =	shalt  }
0x84: {  	_ =	shalt  }
0x85: {  	_ =	shalt  }
0x86: {  	_ =	shalt  }
0x87: {  	_ =	shalt  }
.Lfunc_end0:
.L_simem_size_0:
called_computation.2_lowered:
.L_overlay_start_0:
0x88: {  	s2 =	sld [smem:$0x3FD9]  }
0x89: {  	s3 =	sld [smem:$0x3FFE];
	_ =	sdelay $0x1  }
0x8a: {  	s1 =	srdreg.scid  }
0x8b: {  	s0 =	sand.u32 $0x1, s1  }
0x8c: {  	s16 =	sshll.u32 s0, $0xA;
	s2 =	sadd.s32 s3, s2  }
0x8d: {  	s2 =	sadd.s32 s2, s16  }
0x8e: {  	[smem:$0x3FB7] =	sst s2  }
0x8f: {  	_ = 	snop  }
0x90: {  	(tm) =	ssettm $0x1  }
0x91: {  	s17 =	sld [smem:$0x3FFB];
	_ =	sdelay $0x3  }
0x92: {  	_ =	strace s17  }
0x93: {  	s2 =	sld [smem:$0x3FFC];
	_ =	sdelay $0x3  }
0x94: {  	_ =	strace s2  }
0x95: {  	s2 =	sld [smem:$0x3FFD];
	_ =	sdelay $0x3  }
0x96: {  	_ =	strace s2  }
0x97: {  	_ =	strace $0x8FFFFFFF  }
0x98: {  	s18 =	sld [smem:$0x3FDB];
	_ =	sdelay $0x1  }
0x99: {  	s19 =	simm.s32 $_scs_section_size  }
0x9a: {  	s4 =	simm.s32 $_size__tile_overlayer_lowered;
	s5 =	simm.s32 $_tile_overlayer_lowered  }
0x9b: {  	s22 =	simm.s32 $0x1BFF;
	s21 =	sshll.u32 s5, $0x1;
	s2 =	sadd.s32 s19, s18  }
0x9c: {  	s6 =	simm.s32 $0x0;
	s20 =	sshll.u32 s4, $0x1;
	s4 =	sadd.s32 s21, s2  }
0x9d: {  	[timem:s6], [sflag:s22] =	dma.local [hbm:s4], s20  }
0x9e: {  	_ =	swait.ge [sflag:s22], s20  }
0x9f: {  	s3 =	ssub.s32 $0x0, s20;
	[sflag:s22] =	ssyncset.done $0x0  }
0xa0: {  	[sflag:s22] =	ssyncadd.s32 s3;
	_ =	sdelay $0x1  }
0xa1: {  	s23 =	simm.s32 $0x1B8B  }
0xa2: {  	_ =	swait.ge [sflag:s23], $0x1  }
0xa3: {  	[sflag:s23] =	ssyncset.done $0x0  }
0xa4: {  	s25 =	simm.s32 $0x1B8E;
	s24 =	sld [smem:$0x3FFE];
	[sflag:s23] =	ssyncadd.s32 $0xFFFFFFFF  }
0xa5: {  	s26 =	simm.s32 $execute0_lowered;
	[smem:$0x3FD2] =	sst s25  }
0xa6: {  	s4 =	sshll.u32 s26, $0x1;
	_ =	strace $0x8000004C;
	[dreg:$0x1] =	wrdreg $0xFFFFFFFF  }
0xa7: {  	s28 =	simm.s32 $_size_execute0_lowered;
	s2 =	sadd.s32 s2, s4;
	[dreg:$0x0] =	wrdreg $0x0  }
0xa8: {  	s4 =	sshll.u32 s28, $0x1;
	[dreg:$0x2] =	wrdreg s2  }
0xa9: {  	[dreg:$0x3] =	wrdreg s4  }
0xaa: {  	[dreg:$0x4] =	wrdreg $0xC0  }
0xab: {  	_ =	task [dreg:s6], $0x5FFFF  }
0xac: {  	[dreg:$0x1] =	wrdreg $0xFFFFFFFF  }
0xad: {  	[dreg:$0x0] =	wrdreg $0x60  }
0xae: {  	[dreg:$0x2] =	wrdreg s24  }
0xaf: {  	[dreg:$0x3] =	wrdreg $0x88000  }
0xb0: {  	[dreg:$0x4] =	wrdreg $0x9  }
0xb1: {  	_ =	task.clear_ibuf [dreg:s6], $0x5FFFF;
	_ =	strace $0x9000004C  }
0xb2: {  	s29 =	simm.s32 $0x9;
	_ =	strace $0x8000004E  }
0xb3: {  	_ =	swait.ge [sflag:s29], $0x1  }
0xb4: {  	[sflag:s29] =	ssyncadd.s32 $0xFFFFFFFF  }
0xb5: {  	_ =	strace $0x9000004E  }
0xb6: {  	_ =	sfence  }
0xb7: {  	s30 =	sld [smem:$0x0];
	_ =	sdelay $0x2  }
0xb8: {  	s31 =	sshll.u32 s1, $0xD;
	s1 =	sshrl.u32 s1, $0x2  }
0xb9: {  	s3 =	sand.u32 $0x4000, s31;
	s1 =	sadd.s32 s1, s30  }
0xba: {  	s0 =	sor.u32 s3, s0;
	s1 =	sshll.u32 s1, $0x11  }
0xbb: {  	s0 =	sor.u32 s1, s0  }
0xbc: {  	s0 =	sadd.s32 $0x8F2B, s0  }
0xbd: {  	[sflag:s0] =	ssyncadd.remote.s32 $0x1  }
0xbe: {  	_ =	sfence.sel $0xFFFF  }
0xbf: {  	[dreg:$0x0] =	wrdreg $0xFFFFFFFF;
	(pc) =	sbr.abs _section_cstart, $3  }
0xc0: {  	[dreg:$0x1] =	wrdreg $0xFFFFFFFF  }
0xc1: {  	_ =	task.clear_ibuf [dreg:s6], $0x2FFFF;
	_ =	strace $0x9FFFFFFF  }
0xc2: {  	(tm) =	ssettm $0x7FFFFFFF  }
0xc3: {  	_ =	shalt  }
tec
execute0_lowered:
.L_overlay_start_1:
0x0: {  	(tag) =	ssettag $0x1  }
0x1: {  	s5 =	rddreg [dreg:$0x0]  }
0x2: {  	s1 =	rddreg [dreg:$0x1]  }
0x3: {  	s0 =	rddreg [dreg:$0x2]  }
0x4: {  	s2 =	simm.s32 $0x0;
	s6 =	srdreg.scid;
	s3 =	stileid.u32  }
0x5: {  	s24 =	simm.s32 $0x80;
	s25 =	simm.s32 $0x2800;
	s26 =	simm.s32 $0x1  }
0x6: {  	[smem:$0x7FF] =	sst s2;
	s4 =	sadd.s32 $0xFA00, s5;
	s18 =	sadd.s32 $0x5FA00, s5  }
0x7: {  	s6 =	sand.u32 $0x1, s6;
	s7 =	smul.u32 $0x50000, s3;
	s19 =	sadd.s32 $0x5A00, s5  }
0x8: {  	s20 =	sadd.s32 $0x36C00, s5;
	s21 =	sadd.s32 $0x69A00, s5;
	s22 =	smul.u32 $0x2800, s3  }
0x9: {  	s14 =	smul.u32 $0x500, s3;
	_ =	strace $0x8000004D;
	s8 =	ssub.s32 $0x2, s6  }
0xa: {  	p0 =	seq.s32 s6, $0x0;
	s31 =	sshrl.u32 s8, $0x1;
	s7 =	sshrl.u32 s7, $0x2  }
0xb: {  	s23 =	sadd.s32 $0x5000, s14;
	s21 =	smov.u32 @p0 s20;
	s8 =	ssub.s32 s8, s31  }
0xc: {  	s5 =	sadd.s32 s7, s1;
	s23 =	smov.u32 @p0 s14;
	s20 =	sadd.s32 s21, s22  }
0xd: {  	s21 =	simm.s32 $0x6800;
	s22 =	simm.s32 $0x2;
	s6 =	smax.u32 s8, $0x1  }
0xe: {  	s7 =	sadd.s32 $0x2000, s5;
	s8 =	sadd.s32 $0x4000, s5;
	s9 =	sadd.s32 $0x6000, s5  }
0xf: {  	s10 =	sadd.s32 $0x8000, s5;
	s11 =	sadd.s32 $0xA000, s5;
	s12 =	sadd.s32 $0xC000, s5  }
0x10: {  	s13 =	sadd.s32 $0xE000, s5;
	s14 =	sadd.s32 $0x10000, s5;
	s15 =	sadd.s32 $0x12000, s5  }
0x11: {  	s16 =	sadd.s32 s18, s23;
	s17 =	sadd.s32 s19, s23;
	s23 =	sadd.s32 $0x280, s23  }
0x12: {  	v0 =	vimm.f32 $0.0e+00;
	s18 =	sadd.s32 s18, s23;
	s19 =	sadd.s32 s19, s23;
	s23 =	simm.s32 $0x1400  }
.LBB2_1:
0x13: {  	s28 =	simm.s32 $0x0;
	s29 =	simm.s32 $0x200  }
.LBB2_2:
0x14: {  	p0 =	sne.s32 s29, $0x7E00;
	[tilespmem:s28+$0x6870] =	vst v0  }
0x15: {  	[tilespmem:s28+$0x6800] =	vst v0  }
0x16: {  	[tilespmem:s28+$0x6810] =	vst v0  }
.Ltmp0:
0x17: {  	[tilespmem:s28+$0x6820] =	vst v0;
	(pc) =	sbr.rel @p0 .LBB2_2-.Ltmp0, $4  }
0x18: {  	[tilespmem:s28+$0x6830] =	vst v0  }
0x19: {  	[tilespmem:s28+$0x6840] =	vst v0  }
0x1a: {  	[tilespmem:s28+$0x6850] =	vst v0  }
0x1b: {  	[tilespmem:s28+$0x6860] =	vst v0;
	s28 =	sshra.s32 s29, $0x2;
	s29 =	sadd.s32 $0x200, s29  }
0x1c: {  	[tilespmem:s28+$0x6870] =	vst v0  }
0x1d: {  	[tilespmem:s28+$0x6800] =	vst v0  }
0x1e: {  	[tilespmem:s28+$0x6810] =	vst v0  }
0x1f: {  	[tilespmem:s28+$0x6820] =	vst v0  }
0x20: {  	[tilespmem:s28+$0x6830] =	vst v0  }
0x21: {  	[tilespmem:s28+$0x6840] =	vst v0  }
0x22: {  	[tilespmem:s28+$0x6850] =	vst v0  }
0x23: {  	[tilespmem:s28+$0x6860] =	vst v0  }
0x24: {  	[spmem:s5] =	stream.linear.scatter [tilespmem:s21], [sflag:$0x2], $0x2000, $0x38;
	[tilespmem:$0x1C800] =	vst v63  }
0x25: {  	_ =	swait.ge [sflag:s22], $0x2000  }
0x26: {  	[sflag:s22] =	ssyncset.done $0x0  }
0x27: {  	[sflag:s22] =	ssyncadd.s32 $0xFFFFE000  }
0x28: {  	[spmem:s7] =	stream.linear.scatter [tilespmem:s21], [sflag:$0x2], $0x2000, $0x38;
	[tilespmem:$0x1C800] =	vst v63  }
0x29: {  	_ =	swait.ge [sflag:s22], $0x2000  }
0x2a: {  	[sflag:s22] =	ssyncset.done $0x0  }
0x2b: {  	[sflag:s22] =	ssyncadd.s32 $0xFFFFE000  }
0x2c: {  	[spmem:s8] =	stream.linear.scatter [tilespmem:s21], [sflag:$0x2], $0x2000, $0x38;
	[tilespmem:$0x1C800] =	vst v63  }
0x2d: {  	_ =	swait.ge [sflag:s22], $0x2000  }
0x2e: {  	[sflag:s22] =	ssyncset.done $0x0  }
0x2f: {  	[sflag:s22] =	ssyncadd.s32 $0xFFFFE000  }
0x30: {  	[spmem:s9] =	stream.linear.scatter [tilespmem:s21], [sflag:$0x2], $0x2000, $0x38;
	[tilespmem:$0x1C800] =	vst v63  }
0x31: {  	_ =	swait.ge [sflag:s22], $0x2000  }
0x32: {  	[sflag:s22] =	ssyncset.done $0x0  }
0x33: {  	[sflag:s22] =	ssyncadd.s32 $0xFFFFE000  }
0x34: {  	[spmem:s10] =	stream.linear.scatter [tilespmem:s21], [sflag:$0x2], $0x2000, $0x38;
	[tilespmem:$0x1C800] =	vst v63  }
0x35: {  	_ =	swait.ge [sflag:s22], $0x2000  }
0x36: {  	[sflag:s22] =	ssyncset.done $0x0  }
0x37: {  	[sflag:s22] =	ssyncadd.s32 $0xFFFFE000  }
0x38: {  	[spmem:s11] =	stream.linear.scatter [tilespmem:s21], [sflag:$0x2], $0x2000, $0x38;
	[tilespmem:$0x1C800] =	vst v63  }
0x39: {  	_ =	swait.ge [sflag:s22], $0x2000  }
0x3a: {  	[sflag:s22] =	ssyncset.done $0x0  }
0x3b: {  	[sflag:s22] =	ssyncadd.s32 $0xFFFFE000  }
0x3c: {  	[spmem:s12] =	stream.linear.scatter [tilespmem:s21], [sflag:$0x2], $0x2000, $0x38;
	[tilespmem:$0x1C800] =	vst v63  }
0x3d: {  	_ =	swait.ge [sflag:s22], $0x2000  }
0x3e: {  	[sflag:s22] =	ssyncset.done $0x0  }
0x3f: {  	[sflag:s22] =	ssyncadd.s32 $0xFFFFE000  }
0x40: {  	[spmem:s13] =	stream.linear.scatter [tilespmem:s21], [sflag:$0x2], $0x2000, $0x38;
	[tilespmem:$0x1C800] =	vst v63  }
0x41: {  	_ =	swait.ge [sflag:s22], $0x2000  }
0x42: {  	[sflag:s22] =	ssyncset.done $0x0  }
0x43: {  	[sflag:s22] =	ssyncadd.s32 $0xFFFFE000  }
0x44: {  	[spmem:s14] =	stream.linear.scatter [tilespmem:s21], [sflag:$0x2], $0x2000, $0x38;
	[tilespmem:$0x1C800] =	vst v63  }
0x45: {  	_ =	swait.ge [sflag:s22], $0x2000  }
0x46: {  	[sflag:s22] =	ssyncset.done $0x0  }
0x47: {  	[sflag:s22] =	ssyncadd.s32 $0xFFFFE000  }
0x48: {  	[spmem:s15] =	stream.linear.scatter [tilespmem:s21], [sflag:$0x2], $0x2000, $0x38;
	[tilespmem:$0x1C800] =	vst v63  }
0x49: {  	_ =	swait.ge [sflag:s22], $0x2000  }
0x4a: {  	[sflag:s22] =	ssyncset.done $0x0  }
0x4b: {  	[sflag:s22] =	ssyncadd.s32 $0xFFFFE000  }
0x4c: {  	s28 =	simm.s32 $0x0;
	[bflag:$0x0] =	sbarrier.arrive $0xFFFF  }
0x4d: {  	[tilespmem:s28], [sflag:$0x2] =	stream.linear.gather [hbm4b:s16+s28], $0x1400, $0x38;
	[tilespmem:$0x1C800] =	vst v63  }
0x4e: {  	_ =	swait.ge [sflag:s22], $0x1400  }
0x4f: {  	[sflag:s22] =	ssyncset.done $0x0  }
0x50: {  	[sflag:s22] =	ssyncadd.s32 $0xFFFFEC00  }
0x51: {  	[tilespmem:s23], [sflag:$0x2] =	stream.linear.gather [hbm4b:s17+s28], $0x1400, $0x38;
	[tilespmem:$0x1C800] =	vst v63  }
0x52: {  	_ =	swait.ge [sflag:s22], $0x1400  }
0x53: {  	[sflag:s22] =	ssyncset.done $0x0  }
0x54: {  	s28 =	simm.s32 $0x0;
	[sflag:s22] =	ssyncadd.s32 $0xFFFFEC00  }
0x55: {  	[tilespmem:s25], [sflag:$0x1] =	stream.indirect.gather [hbm4b:s4+s24], $0x80, s28, s24, $0xb8;
	[tilespmem:$0x1C800] =	vst v63  }
0x56: {  	_ =	swait.ge [sflag:s26], $0x4000  }
0x57: {  	[sflag:s26] =	ssyncset.done $0x0  }
0x58: {  	s28 =	simm.s32 $0x1400;
	[sflag:s26] =	ssyncadd.s32 $0xFFFFC000  }
0x59: {  	[spmem:s1] =	stream.indirect.scatter.add.f32 [tilespmem:s25], [sflag:$0x2], $0x80, s28, s24, $0xb8;
	[tilespmem:$0x1C800] =	vst v63  }
0x5a: {  	_ =	swait.ge [sflag:s22], $0x4000  }
0x5b: {  	s29 =	simm.s32 $0x400;
	s28 =	simm.s32 $0x200;
	[sflag:s22] =	ssyncset.done $0x0  }
.LBB2_4:
0x5c: {  	s30 =	sshra.s32 s28, $0x2  }
0x5d: {  	[sflag:s22] =	ssyncadd.s32 $0xFFFFC000;
	s28 =	smov.u32 s29;
	s31 =	sadd.s32 $0x200, s29  }
0x5e: {  	[tilespmem:s25], [sflag:$0x1] =	stream.indirect.gather [hbm4b:s4+s24], $0x80, s30, s24, $0xb8;
	[tilespmem:$0x1C800] =	vst v63  }
0x5f: {  	p0 =	sne.s32 s29, $0x4E00;
	_ =	swait.ge [sflag:s26], $0x4000  }
.Ltmp1:
0x60: {  	[sflag:s26] =	ssyncset.done $0x0;
	(pc) =	sbr.rel @p0 .LBB2_4-.Ltmp1, $4  }
0x61: {  	s29 =	sadd.s32 $0x1400, s30;
	[sflag:s26] =	ssyncadd.s32 $0xFFFFC000  }
0x62: {  	[spmem:s1] =	stream.indirect.scatter.add.f32 [tilespmem:s25], [sflag:$0x2], $0x80, s29, s24, $0xb8;
	[tilespmem:$0x1C800] =	vst v63  }
0x63: {  	_ =	swait.ge [sflag:s22], $0x4000  }
0x64: {  	s29 =	smov.u32 s31;
	[sflag:s22] =	ssyncset.done $0x0  }
0x65: {  	s28 =	sshra.s32 s28, $0x2;
	[sflag:s22] =	ssyncadd.s32 $0xFFFFC000  }
0x66: {  	[tilespmem:s25], [sflag:$0x1] =	stream.indirect.gather [hbm4b:s4+s24], $0x80, s28, s24, $0xb8;
	[tilespmem:$0x1C800] =	vst v63  }
0x67: {  	_ =	swait.ge [sflag:s26], $0x4000  }
0x68: {  	[sflag:s26] =	ssyncset.done $0x0  }
0x69: {  	s28 =	sadd.s32 $0x1400, s28;
	[sflag:s26] =	ssyncadd.s32 $0xFFFFC000  }
0x6a: {  	[spmem:s1] =	stream.indirect.scatter.add.f32 [tilespmem:s25], [sflag:$0x2], $0x80, s28, s24, $0xb8;
	[tilespmem:$0x1C800] =	vst v63  }
0x6b: {  	_ =	swait.ge [sflag:s22], $0x4000  }
0x6c: {  	[sflag:s22] =	ssyncset.done $0x0  }
0x6d: {  	s28 =	simm.s32 $0x0;
	[sflag:s22] =	ssyncadd.s32 $0xFFFFC000  }
0x6e: {  	[tilespmem:s28], [sflag:$0x2] =	stream.linear.gather [hbm4b:s18+s28], $0x1400, $0x38;
	[tilespmem:$0x1C800] =	vst v63  }
0x6f: {  	_ =	swait.ge [sflag:s22], $0x1400  }
0x70: {  	[sflag:s22] =	ssyncset.done $0x0  }
0x71: {  	[sflag:s22] =	ssyncadd.s32 $0xFFFFEC00  }
0x72: {  	[tilespmem:s23], [sflag:$0x2] =	stream.linear.gather [hbm4b:s19+s28], $0x1400, $0x38;
	[tilespmem:$0x1C800] =	vst v63  }
0x73: {  	_ =	swait.ge [sflag:s22], $0x1400  }
0x74: {  	[sflag:s22] =	ssyncset.done $0x0  }
0x75: {  	s28 =	simm.s32 $0x0;
	[sflag:s22] =	ssyncadd.s32 $0xFFFFEC00  }
0x76: {  	[tilespmem:s25], [sflag:$0x1] =	stream.indirect.gather [hbm4b:s4+s24], $0x80, s28, s24, $0xb8;
	[tilespmem:$0x1C800] =	vst v63  }
0x77: {  	_ =	swait.ge [sflag:s26], $0x4000  }
0x78: {  	[sflag:s26] =	ssyncset.done $0x0  }
0x79: {  	s28 =	simm.s32 $0x1400;
	[sflag:s26] =	ssyncadd.s32 $0xFFFFC000  }
0x7a: {  	[spmem:s1] =	stream.indirect.scatter.add.f32 [tilespmem:s25], [sflag:$0x2], $0x80, s28, s24, $0xb8;
	[tilespmem:$0x1C800] =	vst v63  }
0x7b: {  	_ =	swait.ge [sflag:s22], $0x4000  }
0x7c: {  	s29 =	simm.s32 $0x400;
	s28 =	simm.s32 $0x200;
	[sflag:s22] =	ssyncset.done $0x0  }
.LBB2_6:
0x7d: {  	s30 =	sshra.s32 s28, $0x2  }
0x7e: {  	[sflag:s22] =	ssyncadd.s32 $0xFFFFC000;
	s28 =	smov.u32 s29;
	s31 =	sadd.s32 $0x200, s29  }
0x7f: {  	[tilespmem:s25], [sflag:$0x1] =	stream.indirect.gather [hbm4b:s4+s24], $0x80, s30, s24, $0xb8;
	[tilespmem:$0x1C800] =	vst v63  }
0x80: {  	p0 =	sne.s32 s29, $0x4E00;
	_ =	swait.ge [sflag:s26], $0x4000  }
.Ltmp2:
0x81: {  	[sflag:s26] =	ssyncset.done $0x0;
	(pc) =	sbr.rel @p0 .LBB2_6-.Ltmp2, $4  }
0x82: {  	s29 =	sadd.s32 $0x1400, s30;
	[sflag:s26] =	ssyncadd.s32 $0xFFFFC000  }
0x83: {  	[spmem:s1] =	stream.indirect.scatter.add.f32 [tilespmem:s25], [sflag:$0x2], $0x80, s29, s24, $0xb8;
	[tilespmem:$0x1C800] =	vst v63  }
0x84: {  	_ =	swait.ge [sflag:s22], $0x4000  }
0x85: {  	s29 =	smov.u32 s31;
	[sflag:s22] =	ssyncset.done $0x0  }
0x86: {  	s28 =	sshra.s32 s28, $0x2;
	[sflag:s22] =	ssyncadd.s32 $0xFFFFC000  }
0x87: {  	[tilespmem:s25], [sflag:$0x1] =	stream.indirect.gather [hbm4b:s4+s24], $0x80, s28, s24, $0xb8;
	[tilespmem:$0x1C800] =	vst v63  }
0x88: {  	_ =	swait.ge [sflag:s26], $0x4000  }
0x89: {  	[sflag:s26] =	ssyncset.done $0x0  }
0x8a: {  	s28 =	sadd.s32 $0x1400, s28;
	[sflag:s26] =	ssyncadd.s32 $0xFFFFC000  }
0x8b: {  	[spmem:s1] =	stream.indirect.scatter.add.f32 [tilespmem:s25], [sflag:$0x2], $0x80, s28, s24, $0xb8;
	[tilespmem:$0x1C800] =	vst v63  }
0x8c: {  	_ =	swait.ge [sflag:s22], $0x4000  }
0x8d: {  	s31 =	sshll.u32 s3, $0x6;
	s2 =	sadd.s32 $0x1, s2;
	[sflag:s22] =	ssyncset.done $0x0  }
0x8e: {  	s29 =	sshrl.u32 s5, $0x3;
	p0 =	sne.s32 s2, s6;
	[sflag:s22] =	ssyncadd.s32 $0xFFFFC000  }
.Ltmp3:
0x8f: {  	s28 =	sor.u32 $0x1C02, s31;
	[bflag:$0x0] =	sbarrier.arrive $0xFFFF;
	(pc) =	sbr.rel @p0 .LBB2_1-.Ltmp3, $4  }
0x90: {  	[hbm:s20], [sflag:s28] =	dma.local [spmem:s29], $0x2800  }
0x91: {  	_ =	swait.ge [sflag:s22], $0x2800  }
0x92: {  	[sflag:s22] =	ssyncset.done $0x0  }
0x93: {  	[sflag:s22] =	ssyncadd.s32 $0xFFFFD800  }
0x94: {  	_ =	sfence.sel $0x180000  }
0x95: {  	[bflag:$0x0] =	sbarrier.arrive $0xFFFF  }
0x96: {  	p0 =	sne.s32 s3, $0x0;
	_ =	strace $0x9000004D  }
0x97: {  	s0 =	sadd.s32 @!p0 $0x100000, s0;
	[bflag:$0x2] =	sbarrier.arrive $0xFFFF  }
0x98: {  	[sflag:s0] =	ssyncadd.tile.s32 @!p0 $0x1;
	_ =	shalt  }
.Lfunc_end2:
_tile_overlayer_lowered:
.L_overlay_start_2:
0x99: {  	(tag) =	ssettag $0x2  }
0x9a: {  	s0 =	rddreg [dreg:$0x0];
	s2 =	stileid.u32  }
0x9b: {  	s1 =	rddreg [dreg:$0x1];
	p0 =	sne.s32 s2, $0x0  }
0x9c: {  	s3 =	rddreg [dreg:$0x2];
	[bflag:$0x3] =	sbarrier.arrive $0xFFFF;
	s2 =	simm.s32 @!p0 $0x1C02  }
0x9d: {  	[timem:s3], [sflag:s2] =	dma.local @!p0 [hbm:s0], s1  }
0x9e: {  	s0 =	simm.s32 @!p0 $0x2  }
0x9f: {  	_ =	swait.ge @!p0 [sflag:s0], s1  }
0xa0: {  	s1 =	ssub.s32 @!p0 $0x0, s1;
	[sflag:s0] =	ssyncset.done @!p0 $0x0  }
0xa1: {  	[sflag:s0] =	ssyncadd.s32 @!p0 s1  }
0xa2: {  	[bflag:$0x3] =	sbarrier.arrive $0xFFFF  }
0xa3: {  	_ =	shalt  }

// kernel: kernel.20.cloned.1.call-start
scs
__scs_entry_jumppad:
0x0: {  	(pc) =	sbr.rel $0x88, $3  }
0x1: {  	(tag) =	ssettag $0x0;
	lr =	simm.s32 $0x1  }
0x2: {  	[smem:$0x3F90] =	sst lr;
	_ =	strace $0xD0000000  }
0x3: {  	_ = 	snop  }
0x4: {  	_ = 	snop  }
0x5: {  	_ = 	snop  }
0x6: {  	_ = 	snop  }
0x7: {  	_ = 	snop  }
__scs_overlays_trampoline_lowered:
0x8: {  	[smem:$0x3F9F] =	sst s0  }
0x9: {  	[smem:$0x3FA0] =	sst s1  }
0xa: {  	[smem:$0x3FA1] =	sst s2  }
0xb: {  	[smem:$0x3FA2] =	sst s3  }
0xc: {  	[smem:$0x3FA3] =	sst s4  }
0xd: {  	[smem:$0x3FA4] =	sst s5  }
0xe: {  	[smem:$0x3FA5] =	sst s6  }
0xf: {  	[smem:$0x3FA6] =	sst s7  }
0x10: {  	[smem:$0x3FA7] =	sst s8  }
0x11: {  	[smem:$0x3FA8] =	sst s9;
	s0 =	simm.s32 @!p0 $0x0  }
0x12: {  	s1 =	sld [smem:$0x3F8E];
	s0 =	simm.s32 @p0 $0x1  }
0x13: {  	[smem:$0x3FA9] =	sst s0;
	s0 =	simm.s32 @!p1 $0x0  }
0x14: {  	s2 =	sld [smem:$0x3F8D];
	s0 =	simm.s32 @p1 $0x1  }
0x15: {  	[smem:$0x3FAA] =	sst s0;
	s0 =	simm.s32 @!p2 $0x0  }
0x16: {  	s3 =	sld [smem:$0x3FDB];
	s0 =	simm.s32 @p2 $0x1  }
0x17: {  	s4 =	simm.s32 $0x1BF5;
	[smem:$0x3FAC] =	sst s0  }
0x18: {  	s0 =	sld [smem:$0x3F8F];
	_ =	swait.ge [sflag:s4], $0x0  }
0x19: {  	s7 =	sld [smem:$0x3F90]  }
0x1a: {  	s8 =	sadd.s32 $0xFFFFE003, lr  }
0x1b: {  	s9 =	sadd.s32 $0xFFFFFEF7, lr;
	s5 =	simm.s32 $0xFFFFFFFF;
	p2 =	slt.u32 s8, $0xFFFFF086  }
0x1c: {  	p1 =	slt.u32 s9, $0xF7A;
	s5 =	simm.s32 @!p2 $0x0  }
0x1d: {  	s5 =	simm.s32 @p1 $0x1;
	p0 =	seq.s32 s7, s2  }
0x1e: {  	s7 =	smul.u32 @!p0 $0xF7A, s2;
	p2 =	seq.s32 @!p0 s5, $0x0  }
0x1f: {  	s9 =	smul.u32 $0xF7A, s1;
	s8 =	simm.s32 @!p0 $0x1BF5;
	p2 =	por !p2, p0  }
0x20: {  	[sflag:s8] =	ssyncset.s32 @!p0 $0xFFFFF086;
	s6 =	sadd.s32 @!p0 s3, s7;
	s7 =	simm.s32 @!p0 $0x108  }
0x21: {  	s3 =	sadd.s32 s3, s9;
	s6 =	sadd.s32 @!p0 $0x88, s6;
	s7 =	simm.s32 @p2 $0x1082  }
0x22: {  	[simem:s7], [sflag:s8] =	dma.local @!p0 [hbm:s6], $0xF7A  }
0x23: {  	s9 =	sor.u32 $0xD0000000, s2;
	s6 =	simm.s32 $0x108;
	_ =	swait.ge @!p0 [sflag:s8], $0x0  }
0x24: {  	s3 =	sadd.s32 $0x88, s3;
	s6 =	simm.s32 @!p1 $0x1082;
	[sflag:s4] =	ssyncset.s32 $0xFFFFF086  }
0x25: {  	[simem:s6], [sflag:s4] =	dma.local [hbm:s3], $0xF7A  }
0x26: {  	[smem:$0x3F90] =	sst s1;
	(tag) =	ssettag s2;
	_ =	strace s9  }
0x27: {  	s1 =	sld [smem:$0x3FA0]  }
0x28: {  	s2 =	sld [smem:$0x3FA1]  }
0x29: {  	s4 =	sld [smem:$0x3FA3]  }
0x2a: {  	p0 =	seq.s32 s5, $0x0;
	s5 =	sld [smem:$0x3FA4]  }
0x2b: {  	s6 =	sld [smem:$0x3FA5]  }
0x2c: {  	s7 =	sld [smem:$0x3FA6]  }
0x2d: {  	s3 =	simm.s32 $0x108;
	s8 =	sld [smem:$0x3FA7]  }
0x2e: {  	s3 =	simm.s32 @!p0 $0x1082;
	s9 =	sld [smem:$0x3FA8]  }
0x2f: {  	lr =	sadd.s32 s0, s3;
	s0 =	sld [smem:$0x3F9F]  }
0x30: {  	s3 =	sld [smem:$0x3FA2]  }
0x31: {  	[smem:$0x3FAB] =	sst s10  }
0x32: {  	s10 =	sld [smem:$0x3FA9];
	_ =	sdelay $0x3  }
0x33: {  	p0 =	seq.s32 s10, $0x1;
	s10 =	sld [smem:$0x3FAB];
	_ =	sdelay $0x3  }
0x34: {  	[smem:$0x3FAB] =	sst s10  }
0x35: {  	s10 =	sld [smem:$0x3FAA];
	_ =	sdelay $0x3  }
0x36: {  	p1 =	seq.s32 s10, $0x1;
	s10 =	sld [smem:$0x3FAB];
	_ =	sdelay $0x3  }
0x37: {  	[smem:$0x3FAB] =	sst s10  }
0x38: {  	s10 =	sld [smem:$0x3FAC]  }
0x39: {  	_ = 	snop;
	(pc) =	sbr.ind lr, $3  }
0x3a: {  	_ = 	snop  }
0x3b: {  	_ = 	snop  }
0x3c: {  	p2 =	seq.s32 s10, $0x1;
	s10 =	sld [smem:$0x3FAB]  }
0x3d: {  	_ =	shalt  }
0x3e: {  	_ =	shalt  }
0x3f: {  	_ =	shalt  }
0x40: {  	_ =	shalt  }
0x41: {  	_ =	shalt  }
0x42: {  	_ =	shalt  }
0x43: {  	_ =	shalt  }
0x44: {  	_ =	shalt  }
0x45: {  	_ =	shalt  }
0x46: {  	_ =	shalt  }
0x47: {  	_ =	shalt  }
0x48: {  	_ =	shalt  }
0x49: {  	_ =	shalt  }
0x4a: {  	_ =	shalt  }
0x4b: {  	_ =	shalt  }
0x4c: {  	_ =	shalt  }
0x4d: {  	_ =	shalt  }
0x4e: {  	_ =	shalt  }
0x4f: {  	_ =	shalt  }
0x50: {  	_ =	shalt  }
0x51: {  	_ =	shalt  }
0x52: {  	_ =	shalt  }
0x53: {  	_ =	shalt  }
0x54: {  	_ =	shalt  }
0x55: {  	_ =	shalt  }
0x56: {  	_ =	shalt  }
0x57: {  	_ =	shalt  }
0x58: {  	_ =	shalt  }
0x59: {  	_ =	shalt  }
0x5a: {  	_ =	shalt  }
0x5b: {  	_ =	shalt  }
0x5c: {  	_ =	shalt  }
0x5d: {  	_ =	shalt  }
0x5e: {  	_ =	shalt  }
0x5f: {  	_ =	shalt  }
0x60: {  	_ =	shalt  }
0x61: {  	_ =	shalt  }
0x62: {  	_ =	shalt  }
0x63: {  	_ =	shalt  }
0x64: {  	_ =	shalt  }
0x65: {  	_ =	shalt  }
0x66: {  	_ =	shalt  }
0x67: {  	_ =	shalt  }
0x68: {  	_ =	shalt  }
0x69: {  	_ =	shalt  }
0x6a: {  	_ =	shalt  }
0x6b: {  	_ =	shalt  }
0x6c: {  	_ =	shalt  }
0x6d: {  	_ =	shalt  }
0x6e: {  	_ =	shalt  }
0x6f: {  	_ =	shalt  }
0x70: {  	_ =	shalt  }
0x71: {  	_ =	shalt  }
0x72: {  	_ =	shalt  }
0x73: {  	_ =	shalt  }
0x74: {  	_ =	shalt  }
0x75: {  	_ =	shalt  }
0x76: {  	_ =	shalt  }
0x77: {  	_ =	shalt  }
0x78: {  	_ =	shalt  }
0x79: {  	_ =	shalt  }
0x7a: {  	_ =	shalt  }
0x7b: {  	_ =	shalt  }
0x7c: {  	_ =	shalt  }
0x7d: {  	_ =	shalt  }
0x7e: {  	_ =	shalt  }
0x7f: {  	_ =	shalt  }
0x80: {  	_ =	shalt  }
0x81: {  	_ =	shalt  }
0x82: {  	_ =	shalt  }
0x83: {  	_ =	shalt  }
0x84: {  	_ =	shalt  }
0x85: {  	_ =	shalt  }
0x86: {  	_ =	shalt  }
0x87: {  	_ =	shalt  }
.Lfunc_end0:
.L_simem_size_0:
called_computation.3_lowered:
.L_overlay_start_0:
0x88: {  	s2 =	sld [smem:$0x3FD9]  }
0x89: {  	s3 =	sld [smem:$0x3FFE];
	_ =	sdelay $0x1  }
0x8a: {  	s1 =	srdreg.scid  }
0x8b: {  	s0 =	sand.u32 $0x1, s1  }
0x8c: {  	s16 =	sshll.u32 s0, $0xA;
	s2 =	sadd.s32 s3, s2  }
0x8d: {  	s2 =	sadd.s32 s2, s16  }
0x8e: {  	[smem:$0x3FB7] =	sst s2  }
0x8f: {  	_ = 	snop  }
0x90: {  	(tm) =	ssettm $0x1  }
0x91: {  	s17 =	sld [smem:$0x3FFB];
	_ =	sdelay $0x3  }
0x92: {  	_ =	strace s17  }
0x93: {  	s2 =	sld [smem:$0x3FFC];
	_ =	sdelay $0x3  }
0x94: {  	_ =	strace s2  }
0x95: {  	s2 =	sld [smem:$0x3FFD];
	_ =	sdelay $0x3  }
0x96: {  	_ =	strace s2  }
0x97: {  	_ =	strace $0x8FFFFFFF  }
0x98: {  	s18 =	sld [smem:$0x3FDB];
	_ =	sdelay $0x1  }
0x99: {  	s19 =	simm.s32 $_scs_section_size  }
0x9a: {  	s4 =	simm.s32 $_size__tile_overlayer_lowered;
	s5 =	simm.s32 $_tile_overlayer_lowered  }
0x9b: {  	s22 =	simm.s32 $0x1BFF;
	s21 =	sshll.u32 s5, $0x1;
	s2 =	sadd.s32 s19, s18  }
0x9c: {  	s6 =	simm.s32 $0x0;
	s20 =	sshll.u32 s4, $0x1;
	s4 =	sadd.s32 s21, s2  }
0x9d: {  	[timem:s6], [sflag:s22] =	dma.local [hbm:s4], s20  }
0x9e: {  	_ =	swait.ge [sflag:s22], s20  }
0x9f: {  	s3 =	ssub.s32 $0x0, s20;
	[sflag:s22] =	ssyncset.done $0x0  }
0xa0: {  	[sflag:s22] =	ssyncadd.s32 s3;
	_ =	sdelay $0x1  }
0xa1: {  	s23 =	simm.s32 $0x1B8B  }
0xa2: {  	_ =	swait.ge [sflag:s23], $0x1  }
0xa3: {  	[sflag:s23] =	ssyncset.done $0x0  }
0xa4: {  	s25 =	simm.s32 $0x1B8E;
	s24 =	sld [smem:$0x3FFE];
	[sflag:s23] =	ssyncadd.s32 $0xFFFFFFFF  }
0xa5: {  	s26 =	simm.s32 $execute0_lowered;
	[smem:$0x3FD2] =	sst s25  }
0xa6: {  	s4 =	sshll.u32 s26, $0x1;
	_ =	strace $0x8000004F;
	[dreg:$0x1] =	wrdreg $0xFFFFFFFF  }
0xa7: {  	s28 =	simm.s32 $_size_execute0_lowered;
	s2 =	sadd.s32 s2, s4;
	[dreg:$0x0] =	wrdreg $0x0  }
0xa8: {  	s4 =	sshll.u32 s28, $0x1;
	[dreg:$0x2] =	wrdreg s2  }
0xa9: {  	[dreg:$0x3] =	wrdreg s4  }
0xaa: {  	[dreg:$0x4] =	wrdreg $0xC0  }
0xab: {  	_ =	task [dreg:s6], $0x5FFFF  }
0xac: {  	[dreg:$0x1] =	wrdreg $0xFFFFFFFF  }
0xad: {  	[dreg:$0x0] =	wrdreg $0x60  }
0xae: {  	[dreg:$0x2] =	wrdreg s24  }
0xaf: {  	[dreg:$0x3] =	wrdreg $0x88000  }
0xb0: {  	[dreg:$0x4] =	wrdreg $0x9  }
0xb1: {  	_ =	task.clear_ibuf [dreg:s6], $0x5FFFF;
	_ =	strace $0x9000004F  }
0xb2: {  	s29 =	simm.s32 $0x9;
	_ =	strace $0x80000051  }
0xb3: {  	_ =	swait.ge [sflag:s29], $0x1  }
0xb4: {  	[sflag:s29] =	ssyncadd.s32 $0xFFFFFFFF  }
0xb5: {  	_ =	strace $0x90000051  }
0xb6: {  	_ =	sfence  }
0xb7: {  	s30 =	sld [smem:$0x0];
	_ =	sdelay $0x2  }
0xb8: {  	s31 =	sshll.u32 s1, $0xD;
	s1 =	sshrl.u32 s1, $0x2  }
0xb9: {  	s3 =	sand.u32 $0x4000, s31;
	s1 =	sadd.s32 s1, s30  }
0xba: {  	s0 =	sor.u32 s3, s0;
	s1 =	sshll.u32 s1, $0x11  }
0xbb: {  	s0 =	sor.u32 s1, s0  }
0xbc: {  	s0 =	sadd.s32 $0x8F2B, s0  }
0xbd: {  	[sflag:s0] =	ssyncadd.remote.s32 $0x1  }
0xbe: {  	_ =	sfence.sel $0xFFFF  }
0xbf: {  	[dreg:$0x0] =	wrdreg $0xFFFFFFFF;
	(pc) =	sbr.abs _section_cstart, $3  }
0xc0: {  	[dreg:$0x1] =	wrdreg $0xFFFFFFFF  }
0xc1: {  	_ =	task.clear_ibuf [dreg:s6], $0x2FFFF;
	_ =	strace $0x9FFFFFFF  }
0xc2: {  	(tm) =	ssettm $0x7FFFFFFF  }
0xc3: {  	_ =	shalt  }
tec
execute0_lowered:
.L_overlay_start_1:
0x0: {  	(tag) =	ssettag $0x1  }
0x1: {  	s0 =	rddreg [dreg:$0x0]  }
0x2: {  	s1 =	rddreg [dreg:$0x1];
	s2 =	simm.s32 $0x0;
	s3 =	srdreg.scid  }
0x3: {  	s8 =	stileid.u32;
	s28 =	simm.s32 $0x1400;
	s29 =	simm.s32 $0x80  }
0x4: {  	s30 =	simm.s32 $0x2800;
	s31 =	simm.s32 $0x1;
	[smem:$0x7FF] =	sst s2  }
0x5: {  	s4 =	sadd.s32 $0x5A00, s0;
	s21 =	sadd.s32 $0xA5A00, s0;
	s3 =	sand.u32 $0x1, s3  }
0x6: {  	s5 =	smul.u32 $0x50000, s8;
	s22 =	sadd.s32 $0x91A00, s0;
	s19 =	sadd.s32 $0x53C00, s0  }
0x7: {  	s0 =	sadd.s32 $0xB9A00, s0;
	s24 =	smul.u32 $0x2800, s8;
	_ =	strace $0x80000050  }
0x8: {  	s6 =	ssub.s32 $0x2, s3;
	p0 =	seq.s32 s3, $0x0;
	s3 =	smul.u32 $0xA00, s8  }
0x9: {  	s7 =	sshrl.u32 s6, $0x1;
	s5 =	sshrl.u32 s5, $0x2;
	s0 =	smov.u32 @p0 s19  }
0xa: {  	s6 =	ssub.s32 s6, s7;
	s5 =	sadd.s32 s5, s1;
	s20 =	sadd.s32 $0xA000, s3  }
0xb: {  	s24 =	sadd.s32 s0, s24;
	s23 =	smax.u32 s6, $0x1;
	s25 =	sadd.s32 $0x2000, s5  }
0xc: {  	s8 =	sadd.s32 $0x4000, s5;
	s9 =	sadd.s32 $0x6000, s5;
	s10 =	sadd.s32 $0x8000, s5  }
0xd: {  	s11 =	sadd.s32 $0xA000, s5;
	s12 =	sadd.s32 $0xC000, s5;
	s13 =	sadd.s32 $0xE000, s5  }
0xe: {  	s20 =	smov.u32 @p0 s3;
	s14 =	sadd.s32 $0x10000, s5;
	[dreg:$0x3] =	wrdreg s23  }
0xf: {  	[dreg:$0x4] =	wrdreg s25;
	s15 =	sadd.s32 s21, s20;
	s3 =	sadd.s32 $0x280, s20  }
0x10: {  	s16 =	sadd.s32 s22, s20;
	s26 =	sadd.s32 $0x500, s20;
	s23 =	sadd.s32 $0x780, s20  }
0x11: {  	s25 =	simm.s32 $0x6800;
	s17 =	sadd.s32 s21, s3;
	s18 =	sadd.s32 s22, s3  }
0x12: {  	s19 =	sadd.s32 s21, s26;
	s20 =	sadd.s32 s22, s26;
	s21 =	sadd.s32 s21, s23  }
0x13: {  	v0 =	vimm.f32 $0.0e+00;
	s22 =	sadd.s32 s22, s23;
	s23 =	sadd.s32 $0x12000, s5;
	s26 =	simm.s32 $0x2  }
.LBB2_1:
0x14: {  	s0 =	simm.s32 $0x0;
	s3 =	simm.s32 $0x200  }
.LBB2_2:
0x15: {  	p0 =	sne.s32 s3, $0x7E00;
	[tilespmem:s0+$0x6870] =	vst v0  }
0x16: {  	[tilespmem:s0+$0x6800] =	vst v0  }
0x17: {  	[tilespmem:s0+$0x6810] =	vst v0  }
.Ltmp0:
0x18: {  	[tilespmem:s0+$0x6820] =	vst v0;
	(pc) =	sbr.rel @p0 .LBB2_2-.Ltmp0, $4  }
0x19: {  	[tilespmem:s0+$0x6830] =	vst v0  }
0x1a: {  	[tilespmem:s0+$0x6840] =	vst v0  }
0x1b: {  	[tilespmem:s0+$0x6850] =	vst v0  }
0x1c: {  	[tilespmem:s0+$0x6860] =	vst v0;
	s0 =	sshra.s32 s3, $0x2;
	s3 =	sadd.s32 $0x200, s3  }
0x1d: {  	[tilespmem:s0+$0x6870] =	vst v0  }
0x1e: {  	[tilespmem:s0+$0x6800] =	vst v0  }
0x1f: {  	[tilespmem:s0+$0x6810] =	vst v0  }
0x20: {  	[tilespmem:s0+$0x6820] =	vst v0  }
0x21: {  	[tilespmem:s0+$0x6830] =	vst v0  }
0x22: {  	[tilespmem:s0+$0x6840] =	vst v0  }
0x23: {  	[tilespmem:s0+$0x6850] =	vst v0  }
0x24: {  	[tilespmem:s0+$0x6860] =	vst v0  }
0x25: {  	[spmem:s5] =	stream.linear.scatter [tilespmem:s25], [sflag:$0x2], $0x2000, $0x38;
	[tilespmem:$0x1C800] =	vst v63  }
0x26: {  	_ =	swait.ge [sflag:s26], $0x2000  }
0x27: {  	[sflag:s26] =	ssyncset.done $0x0  }
0x28: {  	s7 =	rddreg [dreg:$0x4];
	[sflag:s26] =	ssyncadd.s32 $0xFFFFE000  }
0x29: {  	[spmem:s7] =	stream.linear.scatter [tilespmem:s25], [sflag:$0x2], $0x2000, $0x38;
	[tilespmem:$0x1C800] =	vst v63  }
0x2a: {  	_ =	swait.ge [sflag:s26], $0x2000  }
0x2b: {  	[sflag:s26] =	ssyncset.done $0x0  }
0x2c: {  	[sflag:s26] =	ssyncadd.s32 $0xFFFFE000  }
0x2d: {  	[spmem:s8] =	stream.linear.scatter [tilespmem:s25], [sflag:$0x2], $0x2000, $0x38;
	[tilespmem:$0x1C800] =	vst v63  }
0x2e: {  	_ =	swait.ge [sflag:s26], $0x2000  }
0x2f: {  	[sflag:s26] =	ssyncset.done $0x0  }
0x30: {  	[sflag:s26] =	ssyncadd.s32 $0xFFFFE000  }
0x31: {  	[spmem:s9] =	stream.linear.scatter [tilespmem:s25], [sflag:$0x2], $0x2000, $0x38;
	[tilespmem:$0x1C800] =	vst v63  }
0x32: {  	_ =	swait.ge [sflag:s26], $0x2000  }
0x33: {  	[sflag:s26] =	ssyncset.done $0x0  }
0x34: {  	[sflag:s26] =	ssyncadd.s32 $0xFFFFE000  }
0x35: {  	[spmem:s10] =	stream.linear.scatter [tilespmem:s25], [sflag:$0x2], $0x2000, $0x38;
	[tilespmem:$0x1C800] =	vst v63  }
0x36: {  	_ =	swait.ge [sflag:s26], $0x2000  }
0x37: {  	[sflag:s26] =	ssyncset.done $0x0  }
0x38: {  	[sflag:s26] =	ssyncadd.s32 $0xFFFFE000  }
0x39: {  	[spmem:s11] =	stream.linear.scatter [tilespmem:s25], [sflag:$0x2], $0x2000, $0x38;
	[tilespmem:$0x1C800] =	vst v63  }
0x3a: {  	_ =	swait.ge [sflag:s26], $0x2000  }
0x3b: {  	[sflag:s26] =	ssyncset.done $0x0  }
0x3c: {  	[sflag:s26] =	ssyncadd.s32 $0xFFFFE000  }
0x3d: {  	[spmem:s12] =	stream.linear.scatter [tilespmem:s25], [sflag:$0x2], $0x2000, $0x38;
	[tilespmem:$0x1C800] =	vst v63  }
0x3e: {  	_ =	swait.ge [sflag:s26], $0x2000  }
0x3f: {  	[sflag:s26] =	ssyncset.done $0x0  }
0x40: {  	[sflag:s26] =	ssyncadd.s32 $0xFFFFE000  }
0x41: {  	[spmem:s13] =	stream.linear.scatter [tilespmem:s25], [sflag:$0x2], $0x2000, $0x38;
	[tilespmem:$0x1C800] =	vst v63  }
0x42: {  	_ =	swait.ge [sflag:s26], $0x2000  }
0x43: {  	[sflag:s26] =	ssyncset.done $0x0  }
0x44: {  	[sflag:s26] =	ssyncadd.s32 $0xFFFFE000  }
0x45: {  	[spmem:s14] =	stream.linear.scatter [tilespmem:s25], [sflag:$0x2], $0x2000, $0x38;
	[tilespmem:$0x1C800] =	vst v63  }
0x46: {  	_ =	swait.ge [sflag:s26], $0x2000  }
0x47: {  	[sflag:s26] =	ssyncset.done $0x0  }
0x48: {  	[sflag:s26] =	ssyncadd.s32 $0xFFFFE000  }
0x49: {  	[spmem:s23] =	stream.linear.scatter [tilespmem:s25], [sflag:$0x2], $0x2000, $0x38;
	[tilespmem:$0x1C800] =	vst v63  }
0x4a: {  	_ =	swait.ge [sflag:s26], $0x2000  }
0x4b: {  	[sflag:s26] =	ssyncset.done $0x0  }
0x4c: {  	[sflag:s26] =	ssyncadd.s32 $0xFFFFE000  }
0x4d: {  	s3 =	simm.s32 $0x0;
	[bflag:$0x0] =	sbarrier.arrive $0xFFFF  }
0x4e: {  	[tilespmem:s3], [sflag:$0x2] =	stream.linear.gather [hbm4b:s15+s3], $0x1400, $0x38;
	[tilespmem:$0x1C800] =	vst v63  }
0x4f: {  	_ =	swait.ge [sflag:s26], $0x1400  }
0x50: {  	[sflag:s26] =	ssyncset.done $0x0  }
0x51: {  	[sflag:s26] =	ssyncadd.s32 $0xFFFFEC00  }
0x52: {  	[tilespmem:s28], [sflag:$0x2] =	stream.linear.gather [hbm4b:s16+s3], $0x1400, $0x38;
	[tilespmem:$0x1C800] =	vst v63  }
0x53: {  	_ =	swait.ge [sflag:s26], $0x1400  }
0x54: {  	[sflag:s26] =	ssyncset.done $0x0  }
0x55: {  	s6 =	simm.s32 $0x0;
	[sflag:s26] =	ssyncadd.s32 $0xFFFFEC00  }
0x56: {  	[tilespmem:s30], [sflag:$0x1] =	stream.indirect.gather [hbm4b:s4+s29], $0x80, s6, s29, $0xb8;
	[tilespmem:$0x1C800] =	vst v63  }
0x57: {  	_ =	swait.ge [sflag:s31], $0x4000  }
0x58: {  	[sflag:s31] =	ssyncset.done $0x0  }
0x59: {  	s7 =	simm.s32 $0x1400;
	[sflag:s31] =	ssyncadd.s32 $0xFFFFC000  }
0x5a: {  	[spmem:s1] =	stream.indirect.scatter.add.f32 [tilespmem:s30], [sflag:$0x2], $0x80, s7, s29, $0xb8;
	[tilespmem:$0x1C800] =	vst v63  }
0x5b: {  	_ =	swait.ge [sflag:s26], $0x4000  }
0x5c: {  	s0 =	simm.s32 $0x200;
	s3 =	simm.s32 $0x400;
	[sflag:s26] =	ssyncset.done $0x0  }
.LBB2_4:
0x5d: {  	s6 =	sshra.s32 s0, $0x2  }
0x5e: {  	[sflag:s26] =	ssyncadd.s32 $0xFFFFC000;
	s0 =	smov.u32 s3;
	s7 =	sadd.s32 $0x200, s3  }
0x5f: {  	[tilespmem:s30], [sflag:$0x1] =	stream.indirect.gather [hbm4b:s4+s29], $0x80, s6, s29, $0xb8;
	[tilespmem:$0x1C800] =	vst v63  }
0x60: {  	p0 =	sne.s32 s3, $0x4E00;
	_ =	swait.ge [sflag:s31], $0x4000  }
.Ltmp1:
0x61: {  	[sflag:s31] =	ssyncset.done $0x0;
	(pc) =	sbr.rel @p0 .LBB2_4-.Ltmp1, $4  }
0x62: {  	s3 =	sadd.s32 $0x1400, s6;
	[sflag:s31] =	ssyncadd.s32 $0xFFFFC000  }
0x63: {  	[spmem:s1] =	stream.indirect.scatter.add.f32 [tilespmem:s30], [sflag:$0x2], $0x80, s3, s29, $0xb8;
	[tilespmem:$0x1C800] =	vst v63  }
0x64: {  	_ =	swait.ge [sflag:s26], $0x4000  }
0x65: {  	s3 =	smov.u32 s7;
	[sflag:s26] =	ssyncset.done $0x0  }
0x66: {  	s0 =	sshra.s32 s0, $0x2;
	[sflag:s26] =	ssyncadd.s32 $0xFFFFC000  }
0x67: {  	[tilespmem:s30], [sflag:$0x1] =	stream.indirect.gather [hbm4b:s4+s29], $0x80, s0, s29, $0xb8;
	[tilespmem:$0x1C800] =	vst v63  }
0x68: {  	_ =	swait.ge [sflag:s31], $0x4000  }
0x69: {  	[sflag:s31] =	ssyncset.done $0x0  }
0x6a: {  	s0 =	sadd.s32 $0x1400, s0;
	[sflag:s31] =	ssyncadd.s32 $0xFFFFC000  }
0x6b: {  	[spmem:s1] =	stream.indirect.scatter.add.f32 [tilespmem:s30], [sflag:$0x2], $0x80, s0, s29, $0xb8;
	[tilespmem:$0x1C800] =	vst v63  }
0x6c: {  	_ =	swait.ge [sflag:s26], $0x4000  }
0x6d: {  	[sflag:s26] =	ssyncset.done $0x0  }
0x6e: {  	s3 =	simm.s32 $0x0;
	[sflag:s26] =	ssyncadd.s32 $0xFFFFC000  }
0x6f: {  	[tilespmem:s3], [sflag:$0x2] =	stream.linear.gather [hbm4b:s17+s3], $0x1400, $0x38;
	[tilespmem:$0x1C800] =	vst v63  }
0x70: {  	_ =	swait.ge [sflag:s26], $0x1400  }
0x71: {  	[sflag:s26] =	ssyncset.done $0x0  }
0x72: {  	[sflag:s26] =	ssyncadd.s32 $0xFFFFEC00  }
0x73: {  	[tilespmem:s28], [sflag:$0x2] =	stream.linear.gather [hbm4b:s18+s3], $0x1400, $0x38;
	[tilespmem:$0x1C800] =	vst v63  }
0x74: {  	_ =	swait.ge [sflag:s26], $0x1400  }
0x75: {  	[sflag:s26] =	ssyncset.done $0x0  }
0x76: {  	s6 =	simm.s32 $0x0;
	[sflag:s26] =	ssyncadd.s32 $0xFFFFEC00  }
0x77: {  	[tilespmem:s30], [sflag:$0x1] =	stream.indirect.gather [hbm4b:s4+s29], $0x80, s6, s29, $0xb8;
	[tilespmem:$0x1C800] =	vst v63  }
0x78: {  	_ =	swait.ge [sflag:s31], $0x4000  }
0x79: {  	[sflag:s31] =	ssyncset.done $0x0  }
0x7a: {  	s7 =	simm.s32 $0x1400;
	[sflag:s31] =	ssyncadd.s32 $0xFFFFC000  }
0x7b: {  	[spmem:s1] =	stream.indirect.scatter.add.f32 [tilespmem:s30], [sflag:$0x2], $0x80, s7, s29, $0xb8;
	[tilespmem:$0x1C800] =	vst v63  }
0x7c: {  	_ =	swait.ge [sflag:s26], $0x4000  }
0x7d: {  	s0 =	simm.s32 $0x200;
	s3 =	simm.s32 $0x400;
	[sflag:s26] =	ssyncset.done $0x0  }
.LBB2_6:
0x7e: {  	s6 =	sshra.s32 s0, $0x2  }
0x7f: {  	[sflag:s26] =	ssyncadd.s32 $0xFFFFC000;
	s0 =	smov.u32 s3;
	s7 =	sadd.s32 $0x200, s3  }
0x80: {  	[tilespmem:s30], [sflag:$0x1] =	stream.indirect.gather [hbm4b:s4+s29], $0x80, s6, s29, $0xb8;
	[tilespmem:$0x1C800] =	vst v63  }
0x81: {  	p0 =	sne.s32 s3, $0x4E00;
	_ =	swait.ge [sflag:s31], $0x4000  }
.Ltmp2:
0x82: {  	[sflag:s31] =	ssyncset.done $0x0;
	(pc) =	sbr.rel @p0 .LBB2_6-.Ltmp2, $4  }
0x83: {  	s3 =	sadd.s32 $0x1400, s6;
	[sflag:s31] =	ssyncadd.s32 $0xFFFFC000  }
0x84: {  	[spmem:s1] =	stream.indirect.scatter.add.f32 [tilespmem:s30], [sflag:$0x2], $0x80, s3, s29, $0xb8;
	[tilespmem:$0x1C800] =	vst v63  }
0x85: {  	_ =	swait.ge [sflag:s26], $0x4000  }
0x86: {  	s3 =	smov.u32 s7;
	[sflag:s26] =	ssyncset.done $0x0  }
0x87: {  	s0 =	sshra.s32 s0, $0x2;
	[sflag:s26] =	ssyncadd.s32 $0xFFFFC000  }
0x88: {  	[tilespmem:s30], [sflag:$0x1] =	stream.indirect.gather [hbm4b:s4+s29], $0x80, s0, s29, $0xb8;
	[tilespmem:$0x1C800] =	vst v63  }
0x89: {  	_ =	swait.ge [sflag:s31], $0x4000  }
0x8a: {  	[sflag:s31] =	ssyncset.done $0x0  }
0x8b: {  	s0 =	sadd.s32 $0x1400, s0;
	[sflag:s31] =	ssyncadd.s32 $0xFFFFC000  }
0x8c: {  	[spmem:s1] =	stream.indirect.scatter.add.f32 [tilespmem:s30], [sflag:$0x2], $0x80, s0, s29, $0xb8;
	[tilespmem:$0x1C800] =	vst v63  }
0x8d: {  	_ =	swait.ge [sflag:s26], $0x4000  }
0x8e: {  	[sflag:s26] =	ssyncset.done $0x0  }
0x8f: {  	s3 =	simm.s32 $0x0;
	[sflag:s26] =	ssyncadd.s32 $0xFFFFC000  }
0x90: {  	[tilespmem:s3], [sflag:$0x2] =	stream.linear.gather [hbm4b:s19+s3], $0x1400, $0x38;
	[tilespmem:$0x1C800] =	vst v63  }
0x91: {  	_ =	swait.ge [sflag:s26], $0x1400  }
0x92: {  	[sflag:s26] =	ssyncset.done $0x0  }
0x93: {  	[sflag:s26] =	ssyncadd.s32 $0xFFFFEC00  }
0x94: {  	[tilespmem:s28], [sflag:$0x2] =	stream.linear.gather [hbm4b:s20+s3], $0x1400, $0x38;
	[tilespmem:$0x1C800] =	vst v63  }
0x95: {  	_ =	swait.ge [sflag:s26], $0x1400  }
0x96: {  	[sflag:s26] =	ssyncset.done $0x0  }
0x97: {  	s6 =	simm.s32 $0x0;
	[sflag:s26] =	ssyncadd.s32 $0xFFFFEC00  }
0x98: {  	[tilespmem:s30], [sflag:$0x1] =	stream.indirect.gather [hbm4b:s4+s29], $0x80, s6, s29, $0xb8;
	[tilespmem:$0x1C800] =	vst v63  }
0x99: {  	_ =	swait.ge [sflag:s31], $0x4000  }
0x9a: {  	[sflag:s31] =	ssyncset.done $0x0  }
0x9b: {  	s7 =	simm.s32 $0x1400;
	[sflag:s31] =	ssyncadd.s32 $0xFFFFC000  }
0x9c: {  	[spmem:s1] =	stream.indirect.scatter.add.f32 [tilespmem:s30], [sflag:$0x2], $0x80, s7, s29, $0xb8;
	[tilespmem:$0x1C800] =	vst v63  }
0x9d: {  	_ =	swait.ge [sflag:s26], $0x4000  }
0x9e: {  	s0 =	simm.s32 $0x200;
	s3 =	simm.s32 $0x400;
	[sflag:s26] =	ssyncset.done $0x0  }
.LBB2_8:
0x9f: {  	s6 =	sshra.s32 s0, $0x2  }
0xa0: {  	[sflag:s26] =	ssyncadd.s32 $0xFFFFC000;
	s0 =	smov.u32 s3;
	s7 =	sadd.s32 $0x200, s3  }
0xa1: {  	[tilespmem:s30], [sflag:$0x1] =	stream.indirect.gather [hbm4b:s4+s29], $0x80, s6, s29, $0xb8;
	[tilespmem:$0x1C800] =	vst v63  }
0xa2: {  	p0 =	sne.s32 s3, $0x4E00;
	_ =	swait.ge [sflag:s31], $0x4000  }
.Ltmp3:
0xa3: {  	[sflag:s31] =	ssyncset.done $0x0;
	(pc) =	sbr.rel @p0 .LBB2_8-.Ltmp3, $4  }
0xa4: {  	s3 =	sadd.s32 $0x1400, s6;
	[sflag:s31] =	ssyncadd.s32 $0xFFFFC000  }
0xa5: {  	[spmem:s1] =	stream.indirect.scatter.add.f32 [tilespmem:s30], [sflag:$0x2], $0x80, s3, s29, $0xb8;
	[tilespmem:$0x1C800] =	vst v63  }
0xa6: {  	_ =	swait.ge [sflag:s26], $0x4000  }
0xa7: {  	s3 =	smov.u32 s7;
	[sflag:s26] =	ssyncset.done $0x0  }
0xa8: {  	s0 =	sshra.s32 s0, $0x2;
	[sflag:s26] =	ssyncadd.s32 $0xFFFFC000  }
0xa9: {  	[tilespmem:s30], [sflag:$0x1] =	stream.indirect.gather [hbm4b:s4+s29], $0x80, s0, s29, $0xb8;
	[tilespmem:$0x1C800] =	vst v63  }
0xaa: {  	_ =	swait.ge [sflag:s31], $0x4000  }
0xab: {  	[sflag:s31] =	ssyncset.done $0x0  }
0xac: {  	s0 =	sadd.s32 $0x1400, s0;
	[sflag:s31] =	ssyncadd.s32 $0xFFFFC000  }
0xad: {  	[spmem:s1] =	stream.indirect.scatter.add.f32 [tilespmem:s30], [sflag:$0x2], $0x80, s0, s29, $0xb8;
	[tilespmem:$0x1C800] =	vst v63  }
0xae: {  	_ =	swait.ge [sflag:s26], $0x4000  }
0xaf: {  	[sflag:s26] =	ssyncset.done $0x0  }
0xb0: {  	s3 =	simm.s32 $0x0;
	[sflag:s26] =	ssyncadd.s32 $0xFFFFC000  }
0xb1: {  	[tilespmem:s3], [sflag:$0x2] =	stream.linear.gather [hbm4b:s21+s3], $0x1400, $0x38;
	[tilespmem:$0x1C800] =	vst v63  }
0xb2: {  	_ =	swait.ge [sflag:s26], $0x1400  }
0xb3: {  	[sflag:s26] =	ssyncset.done $0x0  }
0xb4: {  	[sflag:s26] =	ssyncadd.s32 $0xFFFFEC00  }
0xb5: {  	[tilespmem:s28], [sflag:$0x2] =	stream.linear.gather [hbm4b:s22+s3], $0x1400, $0x38;
	[tilespmem:$0x1C800] =	vst v63  }
0xb6: {  	_ =	swait.ge [sflag:s26], $0x1400  }
0xb7: {  	[sflag:s26] =	ssyncset.done $0x0  }
0xb8: {  	s6 =	simm.s32 $0x0;
	[sflag:s26] =	ssyncadd.s32 $0xFFFFEC00  }
0xb9: {  	[tilespmem:s30], [sflag:$0x1] =	stream.indirect.gather [hbm4b:s4+s29], $0x80, s6, s29, $0xb8;
	[tilespmem:$0x1C800] =	vst v63  }
0xba: {  	_ =	swait.ge [sflag:s31], $0x4000  }
0xbb: {  	[sflag:s31] =	ssyncset.done $0x0  }
0xbc: {  	s7 =	simm.s32 $0x1400;
	[sflag:s31] =	ssyncadd.s32 $0xFFFFC000  }
0xbd: {  	[spmem:s1] =	stream.indirect.scatter.add.f32 [tilespmem:s30], [sflag:$0x2], $0x80, s7, s29, $0xb8;
	[tilespmem:$0x1C800] =	vst v63  }
0xbe: {  	_ =	swait.ge [sflag:s26], $0x4000  }
0xbf: {  	s0 =	simm.s32 $0x200;
	s3 =	simm.s32 $0x400;
	[sflag:s26] =	ssyncset.done $0x0  }
.LBB2_10:
0xc0: {  	s6 =	sshra.s32 s0, $0x2  }
0xc1: {  	[sflag:s26] =	ssyncadd.s32 $0xFFFFC000;
	s0 =	smov.u32 s3;
	s7 =	sadd.s32 $0x200, s3  }
0xc2: {  	[tilespmem:s30], [sflag:$0x1] =	stream.indirect.gather [hbm4b:s4+s29], $0x80, s6, s29, $0xb8;
	[tilespmem:$0x1C800] =	vst v63  }
0xc3: {  	p0 =	sne.s32 s3, $0x4E00;
	_ =	swait.ge [sflag:s31], $0x4000  }
.Ltmp4:
0xc4: {  	[sflag:s31] =	ssyncset.done $0x0;
	(pc) =	sbr.rel @p0 .LBB2_10-.Ltmp4, $4  }
0xc5: {  	s3 =	sadd.s32 $0x1400, s6;
	[sflag:s31] =	ssyncadd.s32 $0xFFFFC000  }
0xc6: {  	[spmem:s1] =	stream.indirect.scatter.add.f32 [tilespmem:s30], [sflag:$0x2], $0x80, s3, s29, $0xb8;
	[tilespmem:$0x1C800] =	vst v63  }
0xc7: {  	_ =	swait.ge [sflag:s26], $0x4000  }
0xc8: {  	s3 =	smov.u32 s7;
	[sflag:s26] =	ssyncset.done $0x0  }
0xc9: {  	s0 =	sshra.s32 s0, $0x2;
	[sflag:s26] =	ssyncadd.s32 $0xFFFFC000  }
0xca: {  	[tilespmem:s30], [sflag:$0x1] =	stream.indirect.gather [hbm4b:s4+s29], $0x80, s0, s29, $0xb8;
	[tilespmem:$0x1C800] =	vst v63  }
0xcb: {  	_ =	swait.ge [sflag:s31], $0x4000  }
0xcc: {  	[sflag:s31] =	ssyncset.done $0x0  }
0xcd: {  	s0 =	sadd.s32 $0x1400, s0;
	[sflag:s31] =	ssyncadd.s32 $0xFFFFC000  }
0xce: {  	[spmem:s1] =	stream.indirect.scatter.add.f32 [tilespmem:s30], [sflag:$0x2], $0x80, s0, s29, $0xb8;
	[tilespmem:$0x1C800] =	vst v63  }
0xcf: {  	_ =	swait.ge [sflag:s26], $0x4000  }
0xd0: {  	s6 =	stileid.u32;
	[sflag:s26] =	ssyncset.done $0x0  }
0xd1: {  	s0 =	sshll.u32 s6, $0x6;
	[sflag:s26] =	ssyncadd.s32 $0xFFFFC000  }
0xd2: {  	s3 =	sshrl.u32 s5, $0x3;
	s0 =	sor.u32 $0x1C02, s0;
	[bflag:$0x0] =	sbarrier.arrive $0xFFFF  }
0xd3: {  	[hbm:s24], [sflag:s0] =	dma.local [spmem:s3], $0x2800  }
0xd4: {  	_ =	swait.ge [sflag:s26], $0x2800  }
0xd5: {  	s2 =	sadd.s32 $0x1, s2;
	s7 =	rddreg [dreg:$0x3]  }
0xd6: {  	p0 =	sne.s32 s2, s7  }
.Ltmp5:
0xd7: {  	_ = 	snop;
	(pc) =	sbr.rel @p0 .LBB2_1-.Ltmp5, $3  }
0xd8: {  	_ =	sdelay $0x1  }
0xd9: {  	[sflag:s26] =	ssyncset.done $0x0  }
0xda: {  	[sflag:s26] =	ssyncadd.s32 $0xFFFFD800  }
0xdb: {  	_ =	sfence.sel $0x180000  }
0xdc: {  	[bflag:$0x0] =	sbarrier.arrive $0xFFFF  }
0xdd: {  	_ =	strace $0x90000050  }
0xde: {  	s0 =	stileid.u32;
	[bflag:$0x2] =	sbarrier.arrive $0xFFFF  }
0xdf: {  	p0 =	sne.s32 s0, $0x0;
	s0 =	rddreg [dreg:$0x2]  }
0xe0: {  	s0 =	sadd.s32 @!p0 $0x100000, s0  }
0xe1: {  	[sflag:s0] =	ssyncadd.tile.s32 @!p0 $0x1;
	_ =	shalt  }
.Lfunc_end2:
_tile_overlayer_lowered:
.L_overlay_start_2:
0xe2: {  	(tag) =	ssettag $0x2  }
0xe3: {  	s0 =	rddreg [dreg:$0x0];
	s2 =	stileid.u32  }
0xe4: {  	s1 =	rddreg [dreg:$0x1];
	p0 =	sne.s32 s2, $0x0  }
0xe5: {  	s3 =	rddreg [dreg:$0x2];
	[bflag:$0x3] =	sbarrier.arrive $0xFFFF;
	s2 =	simm.s32 @!p0 $0x1C02  }
0xe6: {  	[timem:s3], [sflag:s2] =	dma.local @!p0 [hbm:s0], s1  }
0xe7: {  	s0 =	simm.s32 @!p0 $0x2  }
0xe8: {  	_ =	swait.ge @!p0 [sflag:s0], s1  }
0xe9: {  	s1 =	ssub.s32 @!p0 $0x0, s1;
	[sflag:s0] =	ssyncset.done @!p0 $0x0  }
0xea: {  	[sflag:s0] =	ssyncadd.s32 @!p0 s1  }
0xeb: {  	[bflag:$0x3] =	sbarrier.arrive $0xFFFF  }
0xec: {  	_ =	shalt  }

</sc_bundles>
